<compile_context>
chip_gen: v7x
topology: tpu7x:2x2x1
jax: 0.10.2.dev20260603
libtpu: 0.0.44.dev20260713+nightly
codegen_flags: <defaults>
</compile_context>

<pallas_src>
import functools

import jax
import jax.numpy as jnp
from jax import lax
from jax.experimental import pallas as pl
from jax.experimental.pallas import tpu as pltpu
from jax.experimental.pallas import tpu_sc as plsc

NUM_CORES = 2
NUM_SUBCORES = 16
NUM_TILES = NUM_CORES * NUM_SUBCORES
BLK = 128
LANES = 16


GRP = 3
SC_NBLK = 42
XB = 131072
TCB = 8192
NODE_B = 2000
def _sc_edge_agg_body(blk0, extra_blk0, nblk_full, rem_blocks, num_graphs,
                      edge_attr, dst, batch, zacc,
                      pe, pc,
                      batch_v, seg_flat, seg_slots, rows_all, cnt_v, acc_sh,
                      fsem0, fsem1, ssem0, ssem1):
    c = lax.axis_index("c")
    s = lax.axis_index("s")
    wid = c * NUM_SUBCORES + s
    ngroups = nblk_full // GRP
    fsem = (fsem0, fsem1)
    ssem = (ssem0, ssem1)
    blk_base = blk0 + wid * nblk_full

    def fetch(g, par):
        for j in range(GRP):
            b = g * GRP + j
            slot = par * GRP + j
            pltpu.async_copy(edge_attr.at[pl.ds((blk_base + b) * BLK, BLK)],
                             rows_all.at[pl.ds(slot * BLK, BLK)], fsem[par])

    def wait_fetch(g, par):
        for j in range(GRP):
            b = g * GRP + j
            slot = par * GRP + j
            pltpu.make_async_copy(
                edge_attr.at[pl.ds((blk_base + b) * BLK, BLK)],
                rows_all.at[pl.ds(slot * BLK, BLK)], fsem[par]).wait()

    @pl.when(s == 0)
    def _init():
        pltpu.sync_copy(zacc, acc_sh)

    fetch(0, 0)
    fetch(1, 1)

    pltpu.sync_copy(batch, batch_v)
    for j in range(num_graphs // LANES):
        cnt_v[pl.ds(j * LANES, LANES)] = jnp.zeros((LANES,), jnp.float32)
    pltpu.sync_copy(dst.at[pl.ds(blk_base * BLK, nblk_full * BLK)],
                    seg_flat.at[pl.ds(0, nblk_full * BLK)])
    if rem_blocks:
        @pl.when(wid < rem_blocks)
        def _extra_ids():
            pltpu.sync_copy(
                dst.at[pl.ds((extra_blk0 + wid) * BLK, BLK)],
                seg_flat.at[pl.ds(nblk_full * BLK, BLK)])
    plsc.subcore_barrier()

    ones16 = jnp.ones((LANES,), jnp.float32)

    def gather_row(b):
        for k in range(BLK // LANES):
            idx16 = seg_flat[pl.ds(b * BLK + k * LANES, LANES)]
            seg16 = plsc.load_gather(batch_v, [idx16])
            seg_flat[pl.ds(b * BLK + k * LANES, LANES)] = seg16
            plsc.addupdate_scatter(cnt_v, [seg16], ones16)

    def gather_body(b, carry):
        gather_row(b)
        return carry

    lax.fori_loop(0, nblk_full, gather_body, 0)
    if rem_blocks:
        @pl.when(wid < rem_blocks)
        def _extra_gather():
            gather_row(nblk_full)

    def do_group(g, par, do_fetch):
        wait_fetch(g, par)
        for j in range(GRP):
            b = g * GRP + j
            slot = par * GRP + j
            for k in range(BLK // LANES):
                seg_slots[slot, pl.ds(k * LANES, LANES)] = (
                    seg_flat[pl.ds(b * BLK + k * LANES, LANES)])
        descs = []
        for j in range(GRP):
            slot = par * GRP + j
            descs.append(pltpu.async_copy(
                rows_all.at[pl.ds(slot * BLK, BLK)],
                acc_sh.at[seg_slots.at[slot]], ssem[par], add=True))
        for d in descs:
            d.wait()
        if do_fetch:
            fetch(g + 2, par)

    def pipe_body(i, carry):
        do_group(2 * i, 0, True)
        do_group(2 * i + 1, 1, True)
        return carry

    lax.fori_loop(0, ngroups // 2 - 1, pipe_body, 0)
    do_group(ngroups - 2, 0, False)
    do_group(ngroups - 1, 1, False)

    if rem_blocks:
        @pl.when(wid < rem_blocks)
        def _extra():
            off = (extra_blk0 + wid) * BLK
            for k in range(BLK // LANES):
                seg_slots[0, pl.ds(k * LANES, LANES)] = (
                    seg_flat[pl.ds(nblk_full * BLK + k * LANES, LANES)])
            pltpu.sync_copy(edge_attr.at[pl.ds(off, BLK)],
                            rows_all.at[pl.ds(0, BLK)])
            pltpu.sync_copy(rows_all.at[pl.ds(0, BLK)],
                            acc_sh.at[seg_slots.at[0]], add=True)

    pltpu.sync_copy(cnt_v, pc.at[pl.ds(wid * num_graphs, num_graphs)])

    plsc.subcore_barrier()

    @pl.when(s == 0)
    def _writeout():
        pltpu.sync_copy(acc_sh, pe.at[c])


def _make_sc_edge_agg(blk0, extra_blk0, n_sc_edges, n_nodes, num_graphs,
                      hidden):
    assert n_sc_edges % BLK == 0
    nblk = n_sc_edges // BLK
    nblk_full = nblk // NUM_TILES
    nblk_full -= nblk_full % (2 * GRP)
    rem_blocks = nblk - nblk_full * NUM_TILES
    assert rem_blocks <= NUM_TILES
    mesh = plsc.VectorSubcoreMesh(core_axis_name="c", subcore_axis_name="s")
    return pl.kernel(
        functools.partial(_sc_edge_agg_body, blk0, extra_blk0, nblk_full,
                          rem_blocks, num_graphs),
        out_type=(
            jax.ShapeDtypeStruct((NUM_CORES, num_graphs, hidden), jnp.float32),
            jax.ShapeDtypeStruct((NUM_TILES * num_graphs,), jnp.float32),
        ),
        mesh=mesh,
        compiler_params=pltpu.CompilerParams(needs_layout_passes=False),
        scratch_types=[
            pltpu.VMEM((n_nodes,), jnp.int32),
            pltpu.VMEM(((nblk_full + 1) * BLK,), jnp.int32),
            pltpu.VMEM((2 * GRP, BLK), jnp.int32),
            pltpu.VMEM((2 * GRP * BLK, hidden), jnp.float32),
            pltpu.VMEM((num_graphs,), jnp.float32),
            pltpu.VMEM_SHARED((num_graphs, hidden), jnp.float32),
            pltpu.SemaphoreType.DMA,
            pltpu.SemaphoreType.DMA,
            pltpu.SemaphoreType.DMA,
            pltpu.SemaphoreType.DMA,
        ],
    )


def _tc_extract_body(ei_ref, o_ref):
    o_ref[...] = ei_ref[1, :]


def _tc_node_body(num_graphs, nsteps, x_ref, b_ref, nm_ref, st_ref, cnt_s):
    i = pl.program_id(0)
    n = x_ref.shape[0]

    @pl.when(i == 0)
    def _zero():
        nm_ref[...] = jnp.zeros_like(nm_ref)
        cnt_s[...] = jnp.zeros_like(cnt_s)

    seg = jnp.broadcast_to(b_ref[0], (num_graphs, n))
    gid = lax.broadcasted_iota(jnp.int32, (num_graphs, n), 0)
    oh = (seg == gid).astype(jnp.float32)
    nm_ref[...] += jax.lax.dot(oh, x_ref[...],
                               precision=jax.lax.Precision.HIGHEST,
                               preferred_element_type=jnp.float32)
    cnt_s[...] += jnp.sum(oh, axis=1, keepdims=True)

    @pl.when(i == nsteps - 1)
    def _finish():
        ncnt = cnt_s[...]
        nm_ref[...] = nm_ref[...] / jnp.maximum(ncnt, 1.0)
        gi = lax.broadcasted_iota(jnp.int32, (num_graphs, num_graphs), 0)
        gj = lax.broadcasted_iota(jnp.int32, (num_graphs, num_graphs), 1)
        ltri = (gj < gi).astype(jnp.float32)
        st_ref[...] = jax.lax.dot(ltri, ncnt,
                                  precision=jax.lax.Precision.HIGHEST,
                                  preferred_element_type=jnp.float32)


def _tc_edge_body(num_graphs, ea_ref, ei_ref, st_ref, es_ref, ec_ref):
    i = pl.program_id(0)

    @pl.when(i == 0)
    def _zero():
        es_ref[...] = jnp.zeros_like(es_ref)
        ec_ref[...] = jnp.zeros_like(ec_ref)

    n = ea_ref.shape[0]
    dstf = ei_ref[1:2, :].astype(jnp.float32)
    cmp = (st_ref[...] <= dstf).astype(jnp.float32)
    eseg = (jnp.sum(cmp, axis=0, keepdims=True) - 1.0).astype(jnp.int32)
    oh = (lax.broadcasted_iota(jnp.int32, (num_graphs, n), 0)
          == eseg).astype(jnp.float32)
    es_ref[...] += jax.lax.dot(oh, ea_ref[...],
                               precision=jax.lax.Precision.HIGHEST,
                               preferred_element_type=jnp.float32)
    ec_ref[...] += jnp.sum(oh, axis=1, keepdims=True)


def _tc_final_body(num_graphs, nm_ref, u_ref, pe_ref, pc_ref, es_ref, ec_ref,
                   w1u_ref, w1n_ref, w1e_ref, b1_ref, w2_ref, b2_ref, o_ref):
    esum = pe_ref[0] + pe_ref[1] + es_ref[...]
    ecnt = lax.dot_general(pc_ref[...], jnp.ones((NUM_TILES, 1), jnp.float32),
                           dimension_numbers=(((0,), (0,)), ((), ())),
                           precision=jax.lax.Precision.HIGHEST,
                           preferred_element_type=jnp.float32) + ec_ref[...]
    emean = esum / jnp.maximum(ecnt, 1.0)
    dot = functools.partial(jax.lax.dot, precision=jax.lax.Precision.HIGHEST,
                            preferred_element_type=jnp.float32)
    h = jnp.maximum(
        dot(u_ref[...], w1u_ref[...]) + dot(nm_ref[...], w1n_ref[...])
        + dot(emean, w1e_ref[...]) + b1_ref[...], 0.0)
    o_ref[...] = dot(h, w2_ref[...]) + b2_ref[...]


def kernel(x, edge_index, edge_attr, u, batch, W1, b1, W2, b2):
    n_nodes, hidden = x.shape
    n_edges = edge_attr.shape[0]
    num_graphs, u_in = u.shape
    e_sc = NUM_TILES * SC_NBLK * BLK
    e_tc = (n_edges - e_sc) // TCB * TCB
    e_rem = n_edges - e_sc - e_tc
    assert e_sc % TCB == 0 and e_rem % BLK == 0 and e_rem // BLK <= NUM_TILES

    batch32 = batch.astype(jnp.int32)
    ei32 = edge_index.astype(jnp.int32)
    zacc = jnp.zeros((num_graphs, hidden), jnp.float32)

    extract = pl.pallas_call(
        _tc_extract_body,
        grid=((n_edges + XB - 1) // XB,),
        in_specs=[pl.BlockSpec((2, XB), lambda i: (0, i))],
        out_specs=pl.BlockSpec((XB,), lambda i: (i,)),
        out_shape=jax.ShapeDtypeStruct((n_edges,), jnp.int32),
    )
    dst = extract(ei32)

    sc_agg = _make_sc_edge_agg(0, (e_sc + e_tc) // BLK, e_sc + e_rem,
                               n_nodes, num_graphs, hidden)
    pe, pc = sc_agg(edge_attr, dst, batch32, zacc)
    pc = pc.reshape(NUM_TILES, num_graphs)

    assert n_nodes % NODE_B == 0
    tc_node = pl.pallas_call(
        functools.partial(_tc_node_body, num_graphs, n_nodes // NODE_B),
        grid=(n_nodes // NODE_B,),
        in_specs=[pl.BlockSpec((NODE_B, hidden), lambda i: (i, 0)),
                  pl.BlockSpec((1, 1, NODE_B), lambda i: (i, 0, 0))],
        out_specs=(pl.BlockSpec((num_graphs, hidden), lambda i: (0, 0)),
                   pl.BlockSpec((num_graphs, 1), lambda i: (0, 0))),
        out_shape=(jax.ShapeDtypeStruct((num_graphs, hidden), jnp.float32),
                   jax.ShapeDtypeStruct((num_graphs, 1), jnp.float32)),
        scratch_shapes=[pltpu.VMEM((num_graphs, 1), jnp.float32)],
    )
    nmean, starts = tc_node(x, batch32.reshape(n_nodes // NODE_B, 1, NODE_B))

    sc_blk = e_sc // TCB
    tc_edge = pl.pallas_call(
        functools.partial(_tc_edge_body, num_graphs),
        grid=(e_tc // TCB,),
        in_specs=[pl.BlockSpec((TCB, hidden), lambda i: (sc_blk + i, 0)),
                  pl.BlockSpec((2, TCB), lambda i: (0, sc_blk + i)),
                  pl.BlockSpec((num_graphs, 1), lambda i: (0, 0))],
        out_specs=(pl.BlockSpec((num_graphs, hidden), lambda i: (0, 0)),
                   pl.BlockSpec((num_graphs, 1), lambda i: (0, 0))),
        out_shape=(jax.ShapeDtypeStruct((num_graphs, hidden), jnp.float32),
                   jax.ShapeDtypeStruct((num_graphs, 1), jnp.float32)),
    )
    es_tc, ec_tc = tc_edge(edge_attr, ei32, starts)

    w1u_t = W1[:, :u_in].T
    w1n_t = W1[:, u_in:u_in + hidden].T
    w1e_t = W1[:, u_in + hidden:].T
    tc_final = pl.pallas_call(
        functools.partial(_tc_final_body, num_graphs),
        out_shape=jax.ShapeDtypeStruct((num_graphs, hidden), jnp.float32),
    )
    return tc_final(nmean, u, pe, pc, es_tc, ec_tc,
                    w1u_t, w1n_t, w1e_t, b1.reshape(1, hidden),
                    W2.T, b2.reshape(1, hidden))

# --- scband reference (transcript-rebuilt; emitter-appended) ---
"""Pipeline reference for scband-global-model-48541720379568 (READ-ONLY COPY).

The authoritative reference and input builder live on the scoring server;
editing this copy changes nothing except your own understanding.
"""

import jax, jax.numpy as jnp
import numpy as np

N_NODES = 10000
N_EDGES = 320000
HIDDEN = 128
U_IN = 16
NUM_GRAPHS = 64


def setup_inputs(seed: int = 0) -> dict:
    key = jax.random.key(seed)
    ks = jax.random.split(key, 10)
    x = jax.random.normal(ks[0], (N_NODES, HIDDEN), dtype=jnp.float32)
    edge_index = jax.random.randint(ks[1], (2, N_EDGES), 0, N_NODES, dtype=jnp.int64)
    edge_attr = jax.random.normal(ks[2], (N_EDGES, HIDDEN), dtype=jnp.float32)
    u = jax.random.normal(ks[3], (NUM_GRAPHS, U_IN), dtype=jnp.float32)
    batch = jnp.sort(jax.random.randint(ks[4], (N_NODES,), 0, NUM_GRAPHS, dtype=jnp.int64))
    in_dim = HIDDEN + HIDDEN + U_IN
    W1 = jax.random.normal(ks[5], (HIDDEN, in_dim), dtype=jnp.float32) * (1.0 / np.sqrt(in_dim))
    b1 = jnp.zeros((HIDDEN,), dtype=jnp.float32)
    W2 = jax.random.normal(ks[6], (HIDDEN, HIDDEN), dtype=jnp.float32) * (1.0 / np.sqrt(HIDDEN))
    b2 = jnp.zeros((HIDDEN,), dtype=jnp.float32)
    return {"x": x, "edge_index": edge_index, "edge_attr": edge_attr, "u": u, "batch": batch,
            "W1": W1, "b1": b1, "W2": W2, "b2": b2}


def reference(x, edge_index, edge_attr, u, batch, W1, b1, W2, b2):
    num_graphs = u.shape[0]
    # scatter_mean(x, batch, dim=0)
    node_sum = jax.ops.segment_sum(x, batch, num_segments=num_graphs)
    node_cnt = jax.ops.segment_sum(jnp.ones((x.shape[0],), dtype=x.dtype), batch, num_segments=num_graphs)
    node_aggregate = node_sum / jnp.clip(node_cnt, 1.0)[:, None]
    # scatter_mean(edge_attr, batch[edge_index[1]], dim=0, out=zeros_like(node_aggregate))
    eseg = batch[edge_index[1]]
    edge_sum = jax.ops.segment_sum(edge_attr, eseg, num_segments=num_graphs)
    edge_cnt = jax.ops.segment_sum(jnp.ones((edge_attr.shape[0],), dtype=edge_attr.dtype), eseg, num_segments=num_graphs)
    edge_aggregate = edge_sum / jnp.clip(edge_cnt, 1.0)[:, None]
    out = jnp.concatenate([u, node_aggregate, edge_aggregate], axis=1)
    h = jax.nn.relu(out @ W1.T + b1)
    return h @ W2.T + b2

if __name__ == "__main__":
    import jax
    _d = setup_inputs()
    print(jax.jit(kernel)(*tuple(_d.values())))

</pallas_src>

<mosaic_0001>
#map = affine_map<(d0, d1) -> (0, 0)>
#map1 = affine_map<(d0, d1) -> (0)>
#map2 = affine_map<(d0, d1) -> (0, 0, 0)>
module attributes {stable_mosaic.version = 14 : i64} {
  func.func @_sc_edge_agg_body(%arg0: i32, %arg1: i32, %arg2: memref<320000x128xf32, #tpu.memory_space<hbm>>, %arg3: memref<320000xi32, #tpu.memory_space<hbm>>, %arg4: memref<10000xi32, #tpu.memory_space<hbm>>, %arg5: memref<64x128xf32, #tpu.memory_space<hbm>>, %arg6: memref<2x64x128xf32, #tpu.memory_space<hbm>>, %arg7: memref<2048xf32, #tpu.memory_space<hbm>>, %arg8: memref<10000xi32, #tpu.memory_space<vmem>>, %arg9: memref<5504xi32, #tpu.memory_space<vmem>>, %arg10: memref<6x128xi32, #tpu.memory_space<vmem>>, %arg11: memref<768x128xf32, #tpu.memory_space<vmem>>, %arg12: memref<64xf32, #tpu.memory_space<vmem>>, %arg13: memref<64x128xf32, #tpu.memory_space<vmem_shared>>, %arg14: memref<!tpu.dma_semaphore, #tpu.memory_space<semaphore_mem>>, %arg15: memref<!tpu.dma_semaphore, #tpu.memory_space<semaphore_mem>>, %arg16: memref<!tpu.dma_semaphore, #tpu.memory_space<semaphore_mem>>, %arg17: memref<!tpu.dma_semaphore, #tpu.memory_space<semaphore_mem>>) attributes {dimension_semantics = [#tpu.dimension_semantics<core_parallel>, #tpu.dimension_semantics<subcore_parallel>], iteration_bounds = array<i64: 2, 16>, scalar_prefetch = 0 : i64, scratch_operands = 10 : i64, tpu.core_type = #tpu.core_type<sc_vector_subcore>, window_params = [{transform_indices = #map}, {transform_indices = #map1}, {transform_indices = #map1}, {transform_indices = #map}, {transform_indices = #map2}, {transform_indices = #map1}]} {
    %mul3A = arith.constant 16 : i32
    %mul3A_0 = arith.muli %arg0, %mul3A : i32
    %add3A = arith.addi %mul3A_0, %arg1 : i32
    %mul3A_1 = arith.constant 42 : i32
    %mul3A_2 = arith.muli %add3A, %mul3A_1 : i32
    %add3A_3 = arith.constant 0 : i32
    %add3A_4 = arith.addi %add3A_3, %mul3A_2 : i32
    %eq3A = arith.constant 0 : i32
    %eq3A_5 = arith.cmpi eq, %arg1, %eq3A : i32
    %convert_element_type3A = arith.extui %eq3A_5 : i1 to i32
    %cond3A = arith.constant 0 : i32
    %cond3A_6 = arith.cmpi ne, %convert_element_type3A, %cond3A : i32
    scf.if %cond3A_6 {
      "tpu.region"() ({
        %run_scoped3A = tpu.sem_alloc : memref<!tpu.dma_semaphore, #tpu.memory_space<semaphore_mem>>
        tpu.enqueue_dma source(%arg5 : memref<64x128xf32, #tpu.memory_space<hbm>>) target(%arg13 : memref<64x128xf32, #tpu.memory_space<vmem_shared>>) target_semaphore(%run_scoped3A : memref<!tpu.dma_semaphore, #tpu.memory_space<semaphore_mem>>)
        tpu.wait_dma2 semaphore(%run_scoped3A : memref<!tpu.dma_semaphore, #tpu.memory_space<semaphore_mem>>) src(%arg5 : memref<64x128xf32, #tpu.memory_space<hbm>>) dst(%arg13 : memref<64x128xf32, #tpu.memory_space<vmem_shared>>)
        tpu.yield
      }) : () -> ()
    } else {
    }
    %add3A_7 = arith.constant 0 : i32
    %add3A_8 = arith.addi %add3A_4, %add3A_7 : i32
    %mul3A_9 = arith.constant 128 : i32
    %mul3A_10 = arith.muli %add3A_8, %mul3A_9 : i32
    %dma_start3A = arith.constant 0 : i32
    %dma_start3A_11 = arith.constant 0 : i32
    %dma_start3A_12 = tpu.memref_slice %arg11[%dma_start3A, %dma_start3A_11] : memref<768x128xf32, #tpu.memory_space<vmem>> -> memref<128x128xf32, #tpu.memory_space<vmem>>
    %dma_start3A_13 = arith.constant 0 : i32
    %dma_start3A_14 = tpu.memref_slice %arg2[%mul3A_10, %dma_start3A_13] : memref<320000x128xf32, #tpu.memory_space<hbm>> -> memref<128x128xf32, #tpu.memory_space<hbm>>
    %dma_start3A_15 = arith.constant 0 : i32
    %dma_start3A_16 = arith.constant 0 : i32
    %dma_start3A_17 = tpu.memref_slice %arg11[%dma_start3A_15, %dma_start3A_16] : memref<768x128xf32, #tpu.memory_space<vmem>> -> memref<128x128xf32, #tpu.memory_space<vmem>>
    %dma_start3A_18 = arith.constant 0 : i32
    %dma_start3A_19 = tpu.memref_slice %arg2[%mul3A_10, %dma_start3A_18] : memref<320000x128xf32, #tpu.memory_space<hbm>> -> memref<128x128xf32, #tpu.memory_space<hbm>>
    tpu.enqueue_dma source(%dma_start3A_19 : memref<128x128xf32, #tpu.memory_space<hbm>>) target(%dma_start3A_17 : memref<128x128xf32, #tpu.memory_space<vmem>>) target_semaphore(%arg14 : memref<!tpu.dma_semaphore, #tpu.memory_space<semaphore_mem>>)
    %add3A_20 = arith.constant 1 : i32
    %add3A_21 = arith.addi %add3A_4, %add3A_20 : i32
    %mul3A_22 = arith.constant 128 : i32
    %mul3A_23 = arith.muli %add3A_21, %mul3A_22 : i32
    %dma_start3A_24 = arith.constant 128 : i32
    %dma_start3A_25 = arith.constant 0 : i32
    %dma_start3A_26 = tpu.memref_slice %arg11[%dma_start3A_24, %dma_start3A_25] : memref<768x128xf32, #tpu.memory_space<vmem>> -> memref<128x128xf32, #tpu.memory_space<vmem>>
    %dma_start3A_27 = arith.constant 0 : i32
    %dma_start3A_28 = tpu.memref_slice %arg2[%mul3A_23, %dma_start3A_27] : memref<320000x128xf32, #tpu.memory_space<hbm>> -> memref<128x128xf32, #tpu.memory_space<hbm>>
    %dma_start3A_29 = arith.constant 128 : i32
    %dma_start3A_30 = arith.constant 0 : i32
    %dma_start3A_31 = tpu.memref_slice %arg11[%dma_start3A_29, %dma_start3A_30] : memref<768x128xf32, #tpu.memory_space<vmem>> -> memref<128x128xf32, #tpu.memory_space<vmem>>
    %dma_start3A_32 = arith.constant 0 : i32
    %dma_start3A_33 = tpu.memref_slice %arg2[%mul3A_23, %dma_start3A_32] : memref<320000x128xf32, #tpu.memory_space<hbm>> -> memref<128x128xf32, #tpu.memory_space<hbm>>
    tpu.enqueue_dma source(%dma_start3A_33 : memref<128x128xf32, #tpu.memory_space<hbm>>) target(%dma_start3A_31 : memref<128x128xf32, #tpu.memory_space<vmem>>) target_semaphore(%arg14 : memref<!tpu.dma_semaphore, #tpu.memory_space<semaphore_mem>>)
    %add3A_34 = arith.constant 2 : i32
    %add3A_35 = arith.addi %add3A_4, %add3A_34 : i32
    %mul3A_36 = arith.constant 128 : i32
    %mul3A_37 = arith.muli %add3A_35, %mul3A_36 : i32
    %dma_start3A_38 = arith.constant 256 : i32
    %dma_start3A_39 = arith.constant 0 : i32
    %dma_start3A_40 = tpu.memref_slice %arg11[%dma_start3A_38, %dma_start3A_39] : memref<768x128xf32, #tpu.memory_space<vmem>> -> memref<128x128xf32, #tpu.memory_space<vmem>>
    %dma_start3A_41 = arith.constant 0 : i32
    %dma_start3A_42 = tpu.memref_slice %arg2[%mul3A_37, %dma_start3A_41] : memref<320000x128xf32, #tpu.memory_space<hbm>> -> memref<128x128xf32, #tpu.memory_space<hbm>>
    %dma_start3A_43 = arith.constant 256 : i32
    %dma_start3A_44 = arith.constant 0 : i32
    %dma_start3A_45 = tpu.memref_slice %arg11[%dma_start3A_43, %dma_start3A_44] : memref<768x128xf32, #tpu.memory_space<vmem>> -> memref<128x128xf32, #tpu.memory_space<vmem>>
    %dma_start3A_46 = arith.constant 0 : i32
    %dma_start3A_47 = tpu.memref_slice %arg2[%mul3A_37, %dma_start3A_46] : memref<320000x128xf32, #tpu.memory_space<hbm>> -> memref<128x128xf32, #tpu.memory_space<hbm>>
    tpu.enqueue_dma source(%dma_start3A_47 : memref<128x128xf32, #tpu.memory_space<hbm>>) target(%dma_start3A_45 : memref<128x128xf32, #tpu.memory_space<vmem>>) target_semaphore(%arg14 : memref<!tpu.dma_semaphore, #tpu.memory_space<semaphore_mem>>)
    %add3A_48 = arith.constant 3 : i32
    %add3A_49 = arith.addi %add3A_4, %add3A_48 : i32
    %mul3A_50 = arith.constant 128 : i32
    %mul3A_51 = arith.muli %add3A_49, %mul3A_50 : i32
    %dma_start3A_52 = arith.constant 384 : i32
    %dma_start3A_53 = arith.constant 0 : i32
    %dma_start3A_54 = tpu.memref_slice %arg11[%dma_start3A_52, %dma_start3A_53] : memref<768x128xf32, #tpu.memory_space<vmem>> -> memref<128x128xf32, #tpu.memory_space<vmem>>
    %dma_start3A_55 = arith.constant 0 : i32
    %dma_start3A_56 = tpu.memref_slice %arg2[%mul3A_51, %dma_start3A_55] : memref<320000x128xf32, #tpu.memory_space<hbm>> -> memref<128x128xf32, #tpu.memory_space<hbm>>
    %dma_start3A_57 = arith.constant 384 : i32
    %dma_start3A_58 = arith.constant 0 : i32
    %dma_start3A_59 = tpu.memref_slice %arg11[%dma_start3A_57, %dma_start3A_58] : memref<768x128xf32, #tpu.memory_space<vmem>> -> memref<128x128xf32, #tpu.memory_space<vmem>>
    %dma_start3A_60 = arith.constant 0 : i32
    %dma_start3A_61 = tpu.memref_slice %arg2[%mul3A_51, %dma_start3A_60] : memref<320000x128xf32, #tpu.memory_space<hbm>> -> memref<128x128xf32, #tpu.memory_space<hbm>>
    tpu.enqueue_dma source(%dma_start3A_61 : memref<128x128xf32, #tpu.memory_space<hbm>>) target(%dma_start3A_59 : memref<128x128xf32, #tpu.memory_space<vmem>>) target_semaphore(%arg15 : memref<!tpu.dma_semaphore, #tpu.memory_space<semaphore_mem>>)
    %add3A_62 = arith.constant 4 : i32
    %add3A_63 = arith.addi %add3A_4, %add3A_62 : i32
    %mul3A_64 = arith.constant 128 : i32
    %mul3A_65 = arith.muli %add3A_63, %mul3A_64 : i32
    %dma_start3A_66 = arith.constant 512 : i32
    %dma_start3A_67 = arith.constant 0 : i32
    %dma_start3A_68 = tpu.memref_slice %arg11[%dma_start3A_66, %dma_start3A_67] : memref<768x128xf32, #tpu.memory_space<vmem>> -> memref<128x128xf32, #tpu.memory_space<vmem>>
    %dma_start3A_69 = arith.constant 0 : i32
    %dma_start3A_70 = tpu.memref_slice %arg2[%mul3A_65, %dma_start3A_69] : memref<320000x128xf32, #tpu.memory_space<hbm>> -> memref<128x128xf32, #tpu.memory_space<hbm>>
    %dma_start3A_71 = arith.constant 512 : i32
    %dma_start3A_72 = arith.constant 0 : i32
    %dma_start3A_73 = tpu.memref_slice %arg11[%dma_start3A_71, %dma_start3A_72] : memref<768x128xf32, #tpu.memory_space<vmem>> -> memref<128x128xf32, #tpu.memory_space<vmem>>
    %dma_start3A_74 = arith.constant 0 : i32
    %dma_start3A_75 = tpu.memref_slice %arg2[%mul3A_65, %dma_start3A_74] : memref<320000x128xf32, #tpu.memory_space<hbm>> -> memref<128x128xf32, #tpu.memory_space<hbm>>
    tpu.enqueue_dma source(%dma_start3A_75 : memref<128x128xf32, #tpu.memory_space<hbm>>) target(%dma_start3A_73 : memref<128x128xf32, #tpu.memory_space<vmem>>) target_semaphore(%arg15 : memref<!tpu.dma_semaphore, #tpu.memory_space<semaphore_mem>>)
    %add3A_76 = arith.constant 5 : i32
    %add3A_77 = arith.addi %add3A_4, %add3A_76 : i32
    %mul3A_78 = arith.constant 128 : i32
    %mul3A_79 = arith.muli %add3A_77, %mul3A_78 : i32
    %dma_start3A_80 = arith.constant 640 : i32
    %dma_start3A_81 = arith.constant 0 : i32
    %dma_start3A_82 = tpu.memref_slice %arg11[%dma_start3A_80, %dma_start3A_81] : memref<768x128xf32, #tpu.memory_space<vmem>> -> memref<128x128xf32, #tpu.memory_space<vmem>>
    %dma_start3A_83 = arith.constant 0 : i32
    %dma_start3A_84 = tpu.memref_slice %arg2[%mul3A_79, %dma_start3A_83] : memref<320000x128xf32, #tpu.memory_space<hbm>> -> memref<128x128xf32, #tpu.memory_space<hbm>>
    %dma_start3A_85 = arith.constant 640 : i32
    %dma_start3A_86 = arith.constant 0 : i32
    %dma_start3A_87 = tpu.memref_slice %arg11[%dma_start3A_85, %dma_start3A_86] : memref<768x128xf32, #tpu.memory_space<vmem>> -> memref<128x128xf32, #tpu.memory_space<vmem>>
    %dma_start3A_88 = arith.constant 0 : i32
    %dma_start3A_89 = tpu.memref_slice %arg2[%mul3A_79, %dma_start3A_88] : memref<320000x128xf32, #tpu.memory_space<hbm>> -> memref<128x128xf32, #tpu.memory_space<hbm>>
    tpu.enqueue_dma source(%dma_start3A_89 : memref<128x128xf32, #tpu.memory_space<hbm>>) target(%dma_start3A_87 : memref<128x128xf32, #tpu.memory_space<vmem>>) target_semaphore(%arg15 : memref<!tpu.dma_semaphore, #tpu.memory_space<semaphore_mem>>)
    "tpu.region"() ({
      %run_scoped3A = tpu.sem_alloc : memref<!tpu.dma_semaphore, #tpu.memory_space<semaphore_mem>>
      tpu.enqueue_dma source(%arg4 : memref<10000xi32, #tpu.memory_space<hbm>>) target(%arg8 : memref<10000xi32, #tpu.memory_space<vmem>>) target_semaphore(%run_scoped3A : memref<!tpu.dma_semaphore, #tpu.memory_space<semaphore_mem>>)
      tpu.wait_dma2 semaphore(%run_scoped3A : memref<!tpu.dma_semaphore, #tpu.memory_space<semaphore_mem>>) src(%arg4 : memref<10000xi32, #tpu.memory_space<hbm>>) dst(%arg8 : memref<10000xi32, #tpu.memory_space<vmem>>)
      tpu.yield
    }) : () -> ()
    %broadcast_in_dim3A = arith.constant 0.000000e+00 : f32
    %broadcast_in_dim3A_90 = vector.broadcast %broadcast_in_dim3A : f32 to vector<16xf32>
    %swap3A = arith.constant 0 : index
    %swap3A_91 = tpu.vector_load %arg12[%swap3A] {strides = array<i32>} : memref<64xf32, #tpu.memory_space<vmem>>, vector<16xf32>,
    tpu.vector_store %arg12[%swap3A], %broadcast_in_dim3A_90 {strides = array<i32>} : memref<64xf32, #tpu.memory_space<vmem>>, vector<16xf32>,
    %broadcast_in_dim3A_92 = arith.constant 0.000000e+00 : f32
    %broadcast_in_dim3A_93 = vector.broadcast %broadcast_in_dim3A_92 : f32 to vector<16xf32>
    %swap3A_94 = arith.constant 16 : index
    %swap3A_95 = tpu.vector_load %arg12[%swap3A_94] {strides = array<i32>} : memref<64xf32, #tpu.memory_space<vmem>>, vector<16xf32>,
    tpu.vector_store %arg12[%swap3A_94], %broadcast_in_dim3A_93 {strides = array<i32>} : memref<64xf32, #tpu.memory_space<vmem>>, vector<16xf32>,
    %broadcast_in_dim3A_96 = arith.constant 0.000000e+00 : f32
    %broadcast_in_dim3A_97 = vector.broadcast %broadcast_in_dim3A_96 : f32 to vector<16xf32>
    %swap3A_98 = arith.constant 32 : index
    %swap3A_99 = tpu.vector_load %arg12[%swap3A_98] {strides = array<i32>} : memref<64xf32, #tpu.memory_space<vmem>>, vector<16xf32>,
    tpu.vector_store %arg12[%swap3A_98], %broadcast_in_dim3A_97 {strides = array<i32>} : memref<64xf32, #tpu.memory_space<vmem>>, vector<16xf32>,
    %broadcast_in_dim3A_100 = arith.constant 0.000000e+00 : f32
    %broadcast_in_dim3A_101 = vector.broadcast %broadcast_in_dim3A_100 : f32 to vector<16xf32>
    %swap3A_102 = arith.constant 48 : index
    %swap3A_103 = tpu.vector_load %arg12[%swap3A_102] {strides = array<i32>} : memref<64xf32, #tpu.memory_space<vmem>>, vector<16xf32>,
    tpu.vector_store %arg12[%swap3A_102], %broadcast_in_dim3A_101 {strides = array<i32>} : memref<64xf32, #tpu.memory_space<vmem>>, vector<16xf32>,
    %mul3A_104 = arith.constant 128 : i32
    %mul3A_105 = arith.muli %add3A_4, %mul3A_104 : i32
    "tpu.region"() ({
      %run_scoped3A = tpu.sem_alloc : memref<!tpu.dma_semaphore, #tpu.memory_space<semaphore_mem>>
      %dma_start3A_631 = arith.constant 0 : i32
      %dma_start3A_632 = tpu.memref_slice %arg9[%dma_start3A_631] : memref<5504xi32, #tpu.memory_space<vmem>> -> memref<5376xi32, #tpu.memory_space<vmem>>
      %dma_start3A_633 = tpu.memref_slice %arg3[%mul3A_105] : memref<320000xi32, #tpu.memory_space<hbm>> -> memref<5376xi32, #tpu.memory_space<hbm>>
      %dma_start3A_634 = arith.constant 0 : i32
      %dma_start3A_635 = tpu.memref_slice %arg9[%dma_start3A_634] : memref<5504xi32, #tpu.memory_space<vmem>> -> memref<5376xi32, #tpu.memory_space<vmem>>
      %dma_start3A_636 = tpu.memref_slice %arg3[%mul3A_105] : memref<320000xi32, #tpu.memory_space<hbm>> -> memref<5376xi32, #tpu.memory_space<hbm>>
      tpu.enqueue_dma source(%dma_start3A_636 : memref<5376xi32, #tpu.memory_space<hbm>>) target(%dma_start3A_635 : memref<5376xi32, #tpu.memory_space<vmem>>) target_semaphore(%run_scoped3A : memref<!tpu.dma_semaphore, #tpu.memory_space<semaphore_mem>>)
      %dma_wait3A_637 = arith.constant 0 : i32
      %dma_wait3A_638 = tpu.memref_slice %arg9[%dma_wait3A_637] : memref<5504xi32, #tpu.memory_space<vmem>> -> memref<5376xi32, #tpu.memory_space<vmem>>
      %dma_wait3A_639 = tpu.memref_slice %arg3[%mul3A_105] : memref<320000xi32, #tpu.memory_space<hbm>> -> memref<5376xi32, #tpu.memory_space<hbm>>
      %dma_wait3A_640 = arith.constant 0 : i32
      %dma_wait3A_641 = tpu.memref_slice %arg9[%dma_wait3A_640] : memref<5504xi32, #tpu.memory_space<vmem>> -> memref<5376xi32, #tpu.memory_space<vmem>>
      %dma_wait3A_642 = tpu.memref_slice %arg3[%mul3A_105] : memref<320000xi32, #tpu.memory_space<hbm>> -> memref<5376xi32, #tpu.memory_space<hbm>>
      tpu.wait_dma2 semaphore(%run_scoped3A : memref<!tpu.dma_semaphore, #tpu.memory_space<semaphore_mem>>) src(%dma_wait3A_642 : memref<5376xi32, #tpu.memory_space<hbm>>) dst(%dma_wait3A_641 : memref<5376xi32, #tpu.memory_space<vmem>>)
      tpu.yield
    }) : () -> ()
    %lt3A = arith.constant 4 : i32
    %lt3A_106 = arith.cmpi slt, %add3A, %lt3A : i32
    %convert_element_type3A_107 = arith.extui %lt3A_106 : i1 to i32
    %cond3A_108 = arith.constant 0 : i32
    %cond3A_109 = arith.cmpi ne, %convert_element_type3A_107, %cond3A_108 : i32
    scf.if %cond3A_109 {
      %add3A_631 = arith.constant 2496 : i32
      %add3A_632 = arith.addi %add3A_631, %add3A : i32
      %mul3A_633 = arith.constant 128 : i32
      %mul3A_634 = arith.muli %add3A_632, %mul3A_633 : i32
      "tpu.region"() ({
        %run_scoped3A = tpu.sem_alloc : memref<!tpu.dma_semaphore, #tpu.memory_space<semaphore_mem>>
        %dma_start3A_635 = arith.constant 5376 : i32
        %dma_start3A_636 = tpu.memref_slice %arg9[%dma_start3A_635] : memref<5504xi32, #tpu.memory_space<vmem>> -> memref<128xi32, #tpu.memory_space<vmem>>
        %dma_start3A_637 = tpu.memref_slice %arg3[%mul3A_634] : memref<320000xi32, #tpu.memory_space<hbm>> -> memref<128xi32, #tpu.memory_space<hbm>>
        %dma_start3A_638 = arith.constant 5376 : i32
        %dma_start3A_639 = tpu.memref_slice %arg9[%dma_start3A_638] : memref<5504xi32, #tpu.memory_space<vmem>> -> memref<128xi32, #tpu.memory_space<vmem>>
        %dma_start3A_640 = tpu.memref_slice %arg3[%mul3A_634] : memref<320000xi32, #tpu.memory_space<hbm>> -> memref<128xi32, #tpu.memory_space<hbm>>
        tpu.enqueue_dma source(%dma_start3A_640 : memref<128xi32, #tpu.memory_space<hbm>>) target(%dma_start3A_639 : memref<128xi32, #tpu.memory_space<vmem>>) target_semaphore(%run_scoped3A : memref<!tpu.dma_semaphore, #tpu.memory_space<semaphore_mem>>)
        %dma_wait3A_641 = arith.constant 5376 : i32
        %dma_wait3A_642 = tpu.memref_slice %arg9[%dma_wait3A_641] : memref<5504xi32, #tpu.memory_space<vmem>> -> memref<128xi32, #tpu.memory_space<vmem>>
        %dma_wait3A_643 = tpu.memref_slice %arg3[%mul3A_634] : memref<320000xi32, #tpu.memory_space<hbm>> -> memref<128xi32, #tpu.memory_space<hbm>>
        %dma_wait3A_644 = arith.constant 5376 : i32
        %dma_wait3A_645 = tpu.memref_slice %arg9[%dma_wait3A_644] : memref<5504xi32, #tpu.memory_space<vmem>> -> memref<128xi32, #tpu.memory_space<vmem>>
        %dma_wait3A_646 = tpu.memref_slice %arg3[%mul3A_634] : memref<320000xi32, #tpu.memory_space<hbm>> -> memref<128xi32, #tpu.memory_space<hbm>>
        tpu.wait_dma2 semaphore(%run_scoped3A : memref<!tpu.dma_semaphore, #tpu.memory_space<semaphore_mem>>) src(%dma_wait3A_646 : memref<128xi32, #tpu.memory_space<hbm>>) dst(%dma_wait3A_645 : memref<128xi32, #tpu.memory_space<vmem>>)
        tpu.yield
      }) : () -> ()
    } else {
    }
    %barrier3A = arith.constant 0 : index
    tpu.barrier barrier_id(%barrier3A)
    %broadcast_in_dim3A_110 = arith.constant 1.000000e+00 : f32
    %broadcast_in_dim3A_111 = vector.broadcast %broadcast_in_dim3A_110 : f32 to vector<16xf32>
    %scan3A = arith.constant 0 : i32
    %scan3A_112 = arith.constant 0 : i32
    %scan3A_113 = arith.constant 42 : i32
    %scan3A_114 = arith.addi %scan3A_112, %scan3A_113 : i32
    %scan3A_115 = arith.constant 1 : i32
    scf.for %scan3A_631 = %scan3A_112 to %scan3A_114 step %scan3A_115  : i32 {
      %mul3A_632 = arith.constant 128 : i32
      %mul3A_633 = arith.muli %scan3A_631, %mul3A_632 : i32
      %add3A_634 = arith.constant 0 : i32
      %add3A_635 = arith.addi %mul3A_633, %add3A_634 : i32
      %get3A_636 = arith.index_cast %add3A_635 : i32 to index
      %get3A_637 = tpu.vector_load %arg9[%get3A_636] {strides = array<i32>} : memref<5504xi32, #tpu.memory_space<vmem>>, vector<16xi32>,
      %gather3A = tpu.vector_load_idx %arg8[%get3A_637] : memref<10000xi32, #tpu.memory_space<vmem>>[vector<16xi32>], vector<16xi32>,
      %mul3A_638 = arith.constant 128 : i32
      %mul3A_639 = arith.muli %scan3A_631, %mul3A_638 : i32
      %add3A_640 = arith.constant 0 : i32
      %add3A_641 = arith.addi %mul3A_639, %add3A_640 : i32
      %swap3A_642 = arith.index_cast %add3A_641 : i32 to index
      %swap3A_643 = tpu.vector_load %arg9[%swap3A_642] {strides = array<i32>} : memref<5504xi32, #tpu.memory_space<vmem>>, vector<16xi32>,
      tpu.vector_store %arg9[%swap3A_642], %gather3A {strides = array<i32>} : memref<5504xi32, #tpu.memory_space<vmem>>, vector<16xi32>,
      tpu.vector_store_idx %arg12[%gather3A], %broadcast_in_dim3A_111 {add = true} : memref<64xf32, #tpu.memory_space<vmem>>[vector<16xi32>], vector<16xf32>,
      %mul3A_644 = arith.constant 128 : i32
      %mul3A_645 = arith.muli %scan3A_631, %mul3A_644 : i32
      %add3A_646 = arith.constant 16 : i32
      %add3A_647 = arith.addi %mul3A_645, %add3A_646 : i32
      %get3A_648 = arith.index_cast %add3A_647 : i32 to index
      %get3A_649 = tpu.vector_load %arg9[%get3A_648] {strides = array<i32>} : memref<5504xi32, #tpu.memory_space<vmem>>, vector<16xi32>,
      %gather3A_650 = tpu.vector_load_idx %arg8[%get3A_649] : memref<10000xi32, #tpu.memory_space<vmem>>[vector<16xi32>], vector<16xi32>,
      %mul3A_651 = arith.constant 128 : i32
      %mul3A_652 = arith.muli %scan3A_631, %mul3A_651 : i32
      %add3A_653 = arith.constant 16 : i32
      %add3A_654 = arith.addi %mul3A_652, %add3A_653 : i32
      %swap3A_655 = arith.index_cast %add3A_654 : i32 to index
      %swap3A_656 = tpu.vector_load %arg9[%swap3A_655] {strides = array<i32>} : memref<5504xi32, #tpu.memory_space<vmem>>, vector<16xi32>,
      tpu.vector_store %arg9[%swap3A_655], %gather3A_650 {strides = array<i32>} : memref<5504xi32, #tpu.memory_space<vmem>>, vector<16xi32>,
      tpu.vector_store_idx %arg12[%gather3A_650], %broadcast_in_dim3A_111 {add = true} : memref<64xf32, #tpu.memory_space<vmem>>[vector<16xi32>], vector<16xf32>,
      %mul3A_657 = arith.constant 128 : i32
      %mul3A_658 = arith.muli %scan3A_631, %mul3A_657 : i32
      %add3A_659 = arith.constant 32 : i32
      %add3A_660 = arith.addi %mul3A_658, %add3A_659 : i32
      %get3A_661 = arith.index_cast %add3A_660 : i32 to index
      %get3A_662 = tpu.vector_load %arg9[%get3A_661] {strides = array<i32>} : memref<5504xi32, #tpu.memory_space<vmem>>, vector<16xi32>,
      %gather3A_663 = tpu.vector_load_idx %arg8[%get3A_662] : memref<10000xi32, #tpu.memory_space<vmem>>[vector<16xi32>], vector<16xi32>,
      %mul3A_664 = arith.constant 128 : i32
      %mul3A_665 = arith.muli %scan3A_631, %mul3A_664 : i32
      %add3A_666 = arith.constant 32 : i32
      %add3A_667 = arith.addi %mul3A_665, %add3A_666 : i32
      %swap3A_668 = arith.index_cast %add3A_667 : i32 to index
      %swap3A_669 = tpu.vector_load %arg9[%swap3A_668] {strides = array<i32>} : memref<5504xi32, #tpu.memory_space<vmem>>, vector<16xi32>,
      tpu.vector_store %arg9[%swap3A_668], %gather3A_663 {strides = array<i32>} : memref<5504xi32, #tpu.memory_space<vmem>>, vector<16xi32>,
      tpu.vector_store_idx %arg12[%gather3A_663], %broadcast_in_dim3A_111 {add = true} : memref<64xf32, #tpu.memory_space<vmem>>[vector<16xi32>], vector<16xf32>,
      %mul3A_670 = arith.constant 128 : i32
      %mul3A_671 = arith.muli %scan3A_631, %mul3A_670 : i32
      %add3A_672 = arith.constant 48 : i32
      %add3A_673 = arith.addi %mul3A_671, %add3A_672 : i32
      %get3A_674 = arith.index_cast %add3A_673 : i32 to index
      %get3A_675 = tpu.vector_load %arg9[%get3A_674] {strides = array<i32>} : memref<5504xi32, #tpu.memory_space<vmem>>, vector<16xi32>,
      %gather3A_676 = tpu.vector_load_idx %arg8[%get3A_675] : memref<10000xi32, #tpu.memory_space<vmem>>[vector<16xi32>], vector<16xi32>,
      %mul3A_677 = arith.constant 128 : i32
      %mul3A_678 = arith.muli %scan3A_631, %mul3A_677 : i32
      %add3A_679 = arith.constant 48 : i32
      %add3A_680 = arith.addi %mul3A_678, %add3A_679 : i32
      %swap3A_681 = arith.index_cast %add3A_680 : i32 to index
      %swap3A_682 = tpu.vector_load %arg9[%swap3A_681] {strides = array<i32>} : memref<5504xi32, #tpu.memory_space<vmem>>, vector<16xi32>,
      tpu.vector_store %arg9[%swap3A_681], %gather3A_676 {strides = array<i32>} : memref<5504xi32, #tpu.memory_space<vmem>>, vector<16xi32>,
      tpu.vector_store_idx %arg12[%gather3A_676], %broadcast_in_dim3A_111 {add = true} : memref<64xf32, #tpu.memory_space<vmem>>[vector<16xi32>], vector<16xf32>,
      %mul3A_683 = arith.constant 128 : i32
      %mul3A_684 = arith.muli %scan3A_631, %mul3A_683 : i32
      %add3A_685 = arith.constant 64 : i32
      %add3A_686 = arith.addi %mul3A_684, %add3A_685 : i32
      %get3A_687 = arith.index_cast %add3A_686 : i32 to index
      %get3A_688 = tpu.vector_load %arg9[%get3A_687] {strides = array<i32>} : memref<5504xi32, #tpu.memory_space<vmem>>, vector<16xi32>,
      %gather3A_689 = tpu.vector_load_idx %arg8[%get3A_688] : memref<10000xi32, #tpu.memory_space<vmem>>[vector<16xi32>], vector<16xi32>,
      %mul3A_690 = arith.constant 128 : i32
      %mul3A_691 = arith.muli %scan3A_631, %mul3A_690 : i32
      %add3A_692 = arith.constant 64 : i32
      %add3A_693 = arith.addi %mul3A_691, %add3A_692 : i32
      %swap3A_694 = arith.index_cast %add3A_693 : i32 to index
      %swap3A_695 = tpu.vector_load %arg9[%swap3A_694] {strides = array<i32>} : memref<5504xi32, #tpu.memory_space<vmem>>, vector<16xi32>,
      tpu.vector_store %arg9[%swap3A_694], %gather3A_689 {strides = array<i32>} : memref<5504xi32, #tpu.memory_space<vmem>>, vector<16xi32>,
      tpu.vector_store_idx %arg12[%gather3A_689], %broadcast_in_dim3A_111 {add = true} : memref<64xf32, #tpu.memory_space<vmem>>[vector<16xi32>], vector<16xf32>,
      %mul3A_696 = arith.constant 128 : i32
      %mul3A_697 = arith.muli %scan3A_631, %mul3A_696 : i32
      %add3A_698 = arith.constant 80 : i32
      %add3A_699 = arith.addi %mul3A_697, %add3A_698 : i32
      %get3A_700 = arith.index_cast %add3A_699 : i32 to index
      %get3A_701 = tpu.vector_load %arg9[%get3A_700] {strides = array<i32>} : memref<5504xi32, #tpu.memory_space<vmem>>, vector<16xi32>,
      %gather3A_702 = tpu.vector_load_idx %arg8[%get3A_701] : memref<10000xi32, #tpu.memory_space<vmem>>[vector<16xi32>], vector<16xi32>,
      %mul3A_703 = arith.constant 128 : i32
      %mul3A_704 = arith.muli %scan3A_631, %mul3A_703 : i32
      %add3A_705 = arith.constant 80 : i32
      %add3A_706 = arith.addi %mul3A_704, %add3A_705 : i32
      %swap3A_707 = arith.index_cast %add3A_706 : i32 to index
      %swap3A_708 = tpu.vector_load %arg9[%swap3A_707] {strides = array<i32>} : memref<5504xi32, #tpu.memory_space<vmem>>, vector<16xi32>,
      tpu.vector_store %arg9[%swap3A_707], %gather3A_702 {strides = array<i32>} : memref<5504xi32, #tpu.memory_space<vmem>>, vector<16xi32>,
      tpu.vector_store_idx %arg12[%gather3A_702], %broadcast_in_dim3A_111 {add = true} : memref<64xf32, #tpu.memory_space<vmem>>[vector<16xi32>], vector<16xf32>,
      %mul3A_709 = arith.constant 128 : i32
      %mul3A_710 = arith.muli %scan3A_631, %mul3A_709 : i32
      %add3A_711 = arith.constant 96 : i32
      %add3A_712 = arith.addi %mul3A_710, %add3A_711 : i32
      %get3A_713 = arith.index_cast %add3A_712 : i32 to index
      %get3A_714 = tpu.vector_load %arg9[%get3A_713] {strides = array<i32>} : memref<5504xi32, #tpu.memory_space<vmem>>, vector<16xi32>,
      %gather3A_715 = tpu.vector_load_idx %arg8[%get3A_714] : memref<10000xi32, #tpu.memory_space<vmem>>[vector<16xi32>], vector<16xi32>,
      %mul3A_716 = arith.constant 128 : i32
      %mul3A_717 = arith.muli %scan3A_631, %mul3A_716 : i32
      %add3A_718 = arith.constant 96 : i32
      %add3A_719 = arith.addi %mul3A_717, %add3A_718 : i32
      %swap3A_720 = arith.index_cast %add3A_719 : i32 to index
      %swap3A_721 = tpu.vector_load %arg9[%swap3A_720] {strides = array<i32>} : memref<5504xi32, #tpu.memory_space<vmem>>, vector<16xi32>,
      tpu.vector_store %arg9[%swap3A_720], %gather3A_715 {strides = array<i32>} : memref<5504xi32, #tpu.memory_space<vmem>>, vector<16xi32>,
      tpu.vector_store_idx %arg12[%gather3A_715], %broadcast_in_dim3A_111 {add = true} : memref<64xf32, #tpu.memory_space<vmem>>[vector<16xi32>], vector<16xf32>,
      %mul3A_722 = arith.constant 128 : i32
      %mul3A_723 = arith.muli %scan3A_631, %mul3A_722 : i32
      %add3A_724 = arith.constant 112 : i32
      %add3A_725 = arith.addi %mul3A_723, %add3A_724 : i32
      %get3A_726 = arith.index_cast %add3A_725 : i32 to index
      %get3A_727 = tpu.vector_load %arg9[%get3A_726] {strides = array<i32>} : memref<5504xi32, #tpu.memory_space<vmem>>, vector<16xi32>,
      %gather3A_728 = tpu.vector_load_idx %arg8[%get3A_727] : memref<10000xi32, #tpu.memory_space<vmem>>[vector<16xi32>], vector<16xi32>,
      %mul3A_729 = arith.constant 128 : i32
      %mul3A_730 = arith.muli %scan3A_631, %mul3A_729 : i32
      %add3A_731 = arith.constant 112 : i32
      %add3A_732 = arith.addi %mul3A_730, %add3A_731 : i32
      %swap3A_733 = arith.index_cast %add3A_732 : i32 to index
      %swap3A_734 = tpu.vector_load %arg9[%swap3A_733] {strides = array<i32>} : memref<5504xi32, #tpu.memory_space<vmem>>, vector<16xi32>,
      tpu.vector_store %arg9[%swap3A_733], %gather3A_728 {strides = array<i32>} : memref<5504xi32, #tpu.memory_space<vmem>>, vector<16xi32>,
      tpu.vector_store_idx %arg12[%gather3A_728], %broadcast_in_dim3A_111 {add = true} : memref<64xf32, #tpu.memory_space<vmem>>[vector<16xi32>], vector<16xf32>,
    }
    %scan3A_116 = arith.constant 42 : i32
    %lt3A_117 = arith.constant 4 : i32
    %lt3A_118 = arith.cmpi slt, %add3A, %lt3A_117 : i32
    %convert_element_type3A_119 = arith.extui %lt3A_118 : i1 to i32
    %cond3A_120 = arith.constant 0 : i32
    %cond3A_121 = arith.cmpi ne, %convert_element_type3A_119, %cond3A_120 : i32
    scf.if %cond3A_121 {
      %get3A_631 = arith.constant 5376 : index
      %get3A_632 = tpu.vector_load %arg9[%get3A_631] {strides = array<i32>} : memref<5504xi32, #tpu.memory_space<vmem>>, vector<16xi32>,
      %gather3A = tpu.vector_load_idx %arg8[%get3A_632] : memref<10000xi32, #tpu.memory_space<vmem>>[vector<16xi32>], vector<16xi32>,
      %swap3A_633 = arith.constant 5376 : index
      %swap3A_634 = tpu.vector_load %arg9[%swap3A_633] {strides = array<i32>} : memref<5504xi32, #tpu.memory_space<vmem>>, vector<16xi32>,
      tpu.vector_store %arg9[%swap3A_633], %gather3A {strides = array<i32>} : memref<5504xi32, #tpu.memory_space<vmem>>, vector<16xi32>,
      tpu.vector_store_idx %arg12[%gather3A], %broadcast_in_dim3A_111 {add = true} : memref<64xf32, #tpu.memory_space<vmem>>[vector<16xi32>], vector<16xf32>,
      %get3A_635 = arith.constant 5392 : index
      %get3A_636 = tpu.vector_load %arg9[%get3A_635] {strides = array<i32>} : memref<5504xi32, #tpu.memory_space<vmem>>, vector<16xi32>,
      %gather3A_637 = tpu.vector_load_idx %arg8[%get3A_636] : memref<10000xi32, #tpu.memory_space<vmem>>[vector<16xi32>], vector<16xi32>,
      %swap3A_638 = arith.constant 5392 : index
      %swap3A_639 = tpu.vector_load %arg9[%swap3A_638] {strides = array<i32>} : memref<5504xi32, #tpu.memory_space<vmem>>, vector<16xi32>,
      tpu.vector_store %arg9[%swap3A_638], %gather3A_637 {strides = array<i32>} : memref<5504xi32, #tpu.memory_space<vmem>>, vector<16xi32>,
      tpu.vector_store_idx %arg12[%gather3A_637], %broadcast_in_dim3A_111 {add = true} : memref<64xf32, #tpu.memory_space<vmem>>[vector<16xi32>], vector<16xf32>,
      %get3A_640 = arith.constant 5408 : index
      %get3A_641 = tpu.vector_load %arg9[%get3A_640] {strides = array<i32>} : memref<5504xi32, #tpu.memory_space<vmem>>, vector<16xi32>,
      %gather3A_642 = tpu.vector_load_idx %arg8[%get3A_641] : memref<10000xi32, #tpu.memory_space<vmem>>[vector<16xi32>], vector<16xi32>,
      %swap3A_643 = arith.constant 5408 : index
      %swap3A_644 = tpu.vector_load %arg9[%swap3A_643] {strides = array<i32>} : memref<5504xi32, #tpu.memory_space<vmem>>, vector<16xi32>,
      tpu.vector_store %arg9[%swap3A_643], %gather3A_642 {strides = array<i32>} : memref<5504xi32, #tpu.memory_space<vmem>>, vector<16xi32>,
      tpu.vector_store_idx %arg12[%gather3A_642], %broadcast_in_dim3A_111 {add = true} : memref<64xf32, #tpu.memory_space<vmem>>[vector<16xi32>], vector<16xf32>,
      %get3A_645 = arith.constant 5424 : index
      %get3A_646 = tpu.vector_load %arg9[%get3A_645] {strides = array<i32>} : memref<5504xi32, #tpu.memory_space<vmem>>, vector<16xi32>,
      %gather3A_647 = tpu.vector_load_idx %arg8[%get3A_646] : memref<10000xi32, #tpu.memory_space<vmem>>[vector<16xi32>], vector<16xi32>,
      %swap3A_648 = arith.constant 5424 : index
      %swap3A_649 = tpu.vector_load %arg9[%swap3A_648] {strides = array<i32>} : memref<5504xi32, #tpu.memory_space<vmem>>, vector<16xi32>,
      tpu.vector_store %arg9[%swap3A_648], %gather3A_647 {strides = array<i32>} : memref<5504xi32, #tpu.memory_space<vmem>>, vector<16xi32>,
      tpu.vector_store_idx %arg12[%gather3A_647], %broadcast_in_dim3A_111 {add = true} : memref<64xf32, #tpu.memory_space<vmem>>[vector<16xi32>], vector<16xf32>,
      %get3A_650 = arith.constant 5440 : index
      %get3A_651 = tpu.vector_load %arg9[%get3A_650] {strides = array<i32>} : memref<5504xi32, #tpu.memory_space<vmem>>, vector<16xi32>,
      %gather3A_652 = tpu.vector_load_idx %arg8[%get3A_651] : memref<10000xi32, #tpu.memory_space<vmem>>[vector<16xi32>], vector<16xi32>,
      %swap3A_653 = arith.constant 5440 : index
      %swap3A_654 = tpu.vector_load %arg9[%swap3A_653] {strides = array<i32>} : memref<5504xi32, #tpu.memory_space<vmem>>, vector<16xi32>,
      tpu.vector_store %arg9[%swap3A_653], %gather3A_652 {strides = array<i32>} : memref<5504xi32, #tpu.memory_space<vmem>>, vector<16xi32>,
      tpu.vector_store_idx %arg12[%gather3A_652], %broadcast_in_dim3A_111 {add = true} : memref<64xf32, #tpu.memory_space<vmem>>[vector<16xi32>], vector<16xf32>,
      %get3A_655 = arith.constant 5456 : index
      %get3A_656 = tpu.vector_load %arg9[%get3A_655] {strides = array<i32>} : memref<5504xi32, #tpu.memory_space<vmem>>, vector<16xi32>,
      %gather3A_657 = tpu.vector_load_idx %arg8[%get3A_656] : memref<10000xi32, #tpu.memory_space<vmem>>[vector<16xi32>], vector<16xi32>,
      %swap3A_658 = arith.constant 5456 : index
      %swap3A_659 = tpu.vector_load %arg9[%swap3A_658] {strides = array<i32>} : memref<5504xi32, #tpu.memory_space<vmem>>, vector<16xi32>,
      tpu.vector_store %arg9[%swap3A_658], %gather3A_657 {strides = array<i32>} : memref<5504xi32, #tpu.memory_space<vmem>>, vector<16xi32>,
      tpu.vector_store_idx %arg12[%gather3A_657], %broadcast_in_dim3A_111 {add = true} : memref<64xf32, #tpu.memory_space<vmem>>[vector<16xi32>], vector<16xf32>,
      %get3A_660 = arith.constant 5472 : index
      %get3A_661 = tpu.vector_load %arg9[%get3A_660] {strides = array<i32>} : memref<5504xi32, #tpu.memory_space<vmem>>, vector<16xi32>,
      %gather3A_662 = tpu.vector_load_idx %arg8[%get3A_661] : memref<10000xi32, #tpu.memory_space<vmem>>[vector<16xi32>], vector<16xi32>,
      %swap3A_663 = arith.constant 5472 : index
      %swap3A_664 = tpu.vector_load %arg9[%swap3A_663] {strides = array<i32>} : memref<5504xi32, #tpu.memory_space<vmem>>, vector<16xi32>,
      tpu.vector_store %arg9[%swap3A_663], %gather3A_662 {strides = array<i32>} : memref<5504xi32, #tpu.memory_space<vmem>>, vector<16xi32>,
      tpu.vector_store_idx %arg12[%gather3A_662], %broadcast_in_dim3A_111 {add = true} : memref<64xf32, #tpu.memory_space<vmem>>[vector<16xi32>], vector<16xf32>,
      %get3A_665 = arith.constant 5488 : index
      %get3A_666 = tpu.vector_load %arg9[%get3A_665] {strides = array<i32>} : memref<5504xi32, #tpu.memory_space<vmem>>, vector<16xi32>,
      %gather3A_667 = tpu.vector_load_idx %arg8[%get3A_666] : memref<10000xi32, #tpu.memory_space<vmem>>[vector<16xi32>], vector<16xi32>,
      %swap3A_668 = arith.constant 5488 : index
      %swap3A_669 = tpu.vector_load %arg9[%swap3A_668] {strides = array<i32>} : memref<5504xi32, #tpu.memory_space<vmem>>, vector<16xi32>,
      tpu.vector_store %arg9[%swap3A_668], %gather3A_667 {strides = array<i32>} : memref<5504xi32, #tpu.memory_space<vmem>>, vector<16xi32>,
      tpu.vector_store_idx %arg12[%gather3A_667], %broadcast_in_dim3A_111 {add = true} : memref<64xf32, #tpu.memory_space<vmem>>[vector<16xi32>], vector<16xf32>,
    } else {
    }
    %scan3A_122 = arith.constant 0 : i32
    %scan3A_123 = arith.constant 0 : i32
    %scan3A_124 = arith.constant 6 : i32
    %scan3A_125 = arith.addi %scan3A_123, %scan3A_124 : i32
    %scan3A_126 = arith.constant 1 : i32
    scf.for %scan3A_631 = %scan3A_123 to %scan3A_125 step %scan3A_126  : i32 {
      %mul3A_632 = arith.constant 2 : i32
      %mul3A_633 = arith.muli %mul3A_632, %scan3A_631 : i32
      %mul3A_634 = arith.constant 3 : i32
      %mul3A_635 = arith.muli %mul3A_633, %mul3A_634 : i32
      %add3A_636 = arith.constant 0 : i32
      %add3A_637 = arith.addi %mul3A_635, %add3A_636 : i32
      %add3A_638 = arith.addi %add3A_4, %add3A_637 : i32
      %mul3A_639 = arith.constant 128 : i32
      %mul3A_640 = arith.muli %add3A_638, %mul3A_639 : i32
      %dma_wait3A_641 = arith.constant 0 : i32
      %dma_wait3A_642 = arith.constant 0 : i32
      %dma_wait3A_643 = tpu.memref_slice %arg11[%dma_wait3A_641, %dma_wait3A_642] : memref<768x128xf32, #tpu.memory_space<vmem>> -> memref<128x128xf32, #tpu.memory_space<vmem>>
      %dma_wait3A_644 = arith.constant 0 : i32
      %dma_wait3A_645 = tpu.memref_slice %arg2[%mul3A_640, %dma_wait3A_644] : memref<320000x128xf32, #tpu.memory_space<hbm>> -> memref<128x128xf32, #tpu.memory_space<hbm>>
      %dma_wait3A_646 = arith.constant 0 : i32
      %dma_wait3A_647 = arith.constant 0 : i32
      %dma_wait3A_648 = tpu.memref_slice %arg11[%dma_wait3A_646, %dma_wait3A_647] : memref<768x128xf32, #tpu.memory_space<vmem>> -> memref<128x128xf32, #tpu.memory_space<vmem>>
      %dma_wait3A_649 = arith.constant 0 : i32
      %dma_wait3A_650 = tpu.memref_slice %arg2[%mul3A_640, %dma_wait3A_649] : memref<320000x128xf32, #tpu.memory_space<hbm>> -> memref<128x128xf32, #tpu.memory_space<hbm>>
      tpu.wait_dma2 semaphore(%arg14 : memref<!tpu.dma_semaphore, #tpu.memory_space<semaphore_mem>>) src(%dma_wait3A_650 : memref<128x128xf32, #tpu.memory_space<hbm>>) dst(%dma_wait3A_648 : memref<128x128xf32, #tpu.memory_space<vmem>>)
      %mul3A_651 = arith.constant 3 : i32
      %mul3A_652 = arith.muli %mul3A_633, %mul3A_651 : i32
      %add3A_653 = arith.constant 1 : i32
      %add3A_654 = arith.addi %mul3A_652, %add3A_653 : i32
      %add3A_655 = arith.addi %add3A_4, %add3A_654 : i32
      %mul3A_656 = arith.constant 128 : i32
      %mul3A_657 = arith.muli %add3A_655, %mul3A_656 : i32
      %dma_wait3A_658 = arith.constant 128 : i32
      %dma_wait3A_659 = arith.constant 0 : i32
      %dma_wait3A_660 = tpu.memref_slice %arg11[%dma_wait3A_658, %dma_wait3A_659] : memref<768x128xf32, #tpu.memory_space<vmem>> -> memref<128x128xf32, #tpu.memory_space<vmem>>
      %dma_wait3A_661 = arith.constant 0 : i32
      %dma_wait3A_662 = tpu.memref_slice %arg2[%mul3A_657, %dma_wait3A_661] : memref<320000x128xf32, #tpu.memory_space<hbm>> -> memref<128x128xf32, #tpu.memory_space<hbm>>
      %dma_wait3A_663 = arith.constant 128 : i32
      %dma_wait3A_664 = arith.constant 0 : i32
      %dma_wait3A_665 = tpu.memref_slice %arg11[%dma_wait3A_663, %dma_wait3A_664] : memref<768x128xf32, #tpu.memory_space<vmem>> -> memref<128x128xf32, #tpu.memory_space<vmem>>
      %dma_wait3A_666 = arith.constant 0 : i32
      %dma_wait3A_667 = tpu.memref_slice %arg2[%mul3A_657, %dma_wait3A_666] : memref<320000x128xf32, #tpu.memory_space<hbm>> -> memref<128x128xf32, #tpu.memory_space<hbm>>
      tpu.wait_dma2 semaphore(%arg14 : memref<!tpu.dma_semaphore, #tpu.memory_space<semaphore_mem>>) src(%dma_wait3A_667 : memref<128x128xf32, #tpu.memory_space<hbm>>) dst(%dma_wait3A_665 : memref<128x128xf32, #tpu.memory_space<vmem>>)
      %mul3A_668 = arith.constant 3 : i32
      %mul3A_669 = arith.muli %mul3A_633, %mul3A_668 : i32
      %add3A_670 = arith.constant 2 : i32
      %add3A_671 = arith.addi %mul3A_669, %add3A_670 : i32
      %add3A_672 = arith.addi %add3A_4, %add3A_671 : i32
      %mul3A_673 = arith.constant 128 : i32
      %mul3A_674 = arith.muli %add3A_672, %mul3A_673 : i32
      %dma_wait3A_675 = arith.constant 256 : i32
      %dma_wait3A_676 = arith.constant 0 : i32
      %dma_wait3A_677 = tpu.memref_slice %arg11[%dma_wait3A_675, %dma_wait3A_676] : memref<768x128xf32, #tpu.memory_space<vmem>> -> memref<128x128xf32, #tpu.memory_space<vmem>>
      %dma_wait3A_678 = arith.constant 0 : i32
      %dma_wait3A_679 = tpu.memref_slice %arg2[%mul3A_674, %dma_wait3A_678] : memref<320000x128xf32, #tpu.memory_space<hbm>> -> memref<128x128xf32, #tpu.memory_space<hbm>>
      %dma_wait3A_680 = arith.constant 256 : i32
      %dma_wait3A_681 = arith.constant 0 : i32
      %dma_wait3A_682 = tpu.memref_slice %arg11[%dma_wait3A_680, %dma_wait3A_681] : memref<768x128xf32, #tpu.memory_space<vmem>> -> memref<128x128xf32, #tpu.memory_space<vmem>>
      %dma_wait3A_683 = arith.constant 0 : i32
      %dma_wait3A_684 = tpu.memref_slice %arg2[%mul3A_674, %dma_wait3A_683] : memref<320000x128xf32, #tpu.memory_space<hbm>> -> memref<128x128xf32, #tpu.memory_space<hbm>>
      tpu.wait_dma2 semaphore(%arg14 : memref<!tpu.dma_semaphore, #tpu.memory_space<semaphore_mem>>) src(%dma_wait3A_684 : memref<128x128xf32, #tpu.memory_space<hbm>>) dst(%dma_wait3A_682 : memref<128x128xf32, #tpu.memory_space<vmem>>)
      %mul3A_685 = arith.constant 3 : i32
      %mul3A_686 = arith.muli %mul3A_633, %mul3A_685 : i32
      %add3A_687 = arith.constant 0 : i32
      %add3A_688 = arith.addi %mul3A_686, %add3A_687 : i32
      %mul3A_689 = arith.constant 128 : i32
      %mul3A_690 = arith.muli %add3A_688, %mul3A_689 : i32
      %add3A_691 = arith.constant 0 : i32
      %add3A_692 = arith.addi %mul3A_690, %add3A_691 : i32
      %get3A_693 = arith.index_cast %add3A_692 : i32 to index
      %get3A_694 = tpu.vector_load %arg9[%get3A_693] {strides = array<i32>} : memref<5504xi32, #tpu.memory_space<vmem>>, vector<16xi32>,
      %swap3A_695 = arith.constant 0 : i32
      %swap3A_696 = arith.index_cast %swap3A_695 : i32 to index
      %swap3A_697 = arith.constant 0 : index
      %swap3A_698 = tpu.vector_load %arg10[%swap3A_696, %swap3A_697] {strides = array<i32>} : memref<6x128xi32, #tpu.memory_space<vmem>>, vector<16xi32>,
      tpu.vector_store %arg10[%swap3A_696, %swap3A_697], %get3A_694 {strides = array<i32>} : memref<6x128xi32, #tpu.memory_space<vmem>>, vector<16xi32>,
      %mul3A_699 = arith.constant 128 : i32
      %mul3A_700 = arith.muli %add3A_688, %mul3A_699 : i32
      %add3A_701 = arith.constant 16 : i32
      %add3A_702 = arith.addi %mul3A_700, %add3A_701 : i32
      %get3A_703 = arith.index_cast %add3A_702 : i32 to index
      %get3A_704 = tpu.vector_load %arg9[%get3A_703] {strides = array<i32>} : memref<5504xi32, #tpu.memory_space<vmem>>, vector<16xi32>,
      %swap3A_705 = arith.constant 0 : i32
      %swap3A_706 = arith.index_cast %swap3A_705 : i32 to index
      %swap3A_707 = arith.constant 16 : index
      %swap3A_708 = tpu.vector_load %arg10[%swap3A_706, %swap3A_707] {strides = array<i32>} : memref<6x128xi32, #tpu.memory_space<vmem>>, vector<16xi32>,
      tpu.vector_store %arg10[%swap3A_706, %swap3A_707], %get3A_704 {strides = array<i32>} : memref<6x128xi32, #tpu.memory_space<vmem>>, vector<16xi32>,
      %mul3A_709 = arith.constant 128 : i32
      %mul3A_710 = arith.muli %add3A_688, %mul3A_709 : i32
      %add3A_711 = arith.constant 32 : i32
      %add3A_712 = arith.addi %mul3A_710, %add3A_711 : i32
      %get3A_713 = arith.index_cast %add3A_712 : i32 to index
      %get3A_714 = tpu.vector_load %arg9[%get3A_713] {strides = array<i32>} : memref<5504xi32, #tpu.memory_space<vmem>>, vector<16xi32>,
      %swap3A_715 = arith.constant 0 : i32
      %swap3A_716 = arith.index_cast %swap3A_715 : i32 to index
      %swap3A_717 = arith.constant 32 : index
      %swap3A_718 = tpu.vector_load %arg10[%swap3A_716, %swap3A_717] {strides = array<i32>} : memref<6x128xi32, #tpu.memory_space<vmem>>, vector<16xi32>,
      tpu.vector_store %arg10[%swap3A_716, %swap3A_717], %get3A_714 {strides = array<i32>} : memref<6x128xi32, #tpu.memory_space<vmem>>, vector<16xi32>,
      %mul3A_719 = arith.constant 128 : i32
      %mul3A_720 = arith.muli %add3A_688, %mul3A_719 : i32
      %add3A_721 = arith.constant 48 : i32
      %add3A_722 = arith.addi %mul3A_720, %add3A_721 : i32
      %get3A_723 = arith.index_cast %add3A_722 : i32 to index
      %get3A_724 = tpu.vector_load %arg9[%get3A_723] {strides = array<i32>} : memref<5504xi32, #tpu.memory_space<vmem>>, vector<16xi32>,
      %swap3A_725 = arith.constant 0 : i32
      %swap3A_726 = arith.index_cast %swap3A_725 : i32 to index
      %swap3A_727 = arith.constant 48 : index
      %swap3A_728 = tpu.vector_load %arg10[%swap3A_726, %swap3A_727] {strides = array<i32>} : memref<6x128xi32, #tpu.memory_space<vmem>>, vector<16xi32>,
      tpu.vector_store %arg10[%swap3A_726, %swap3A_727], %get3A_724 {strides = array<i32>} : memref<6x128xi32, #tpu.memory_space<vmem>>, vector<16xi32>,
      %mul3A_729 = arith.constant 128 : i32
      %mul3A_730 = arith.muli %add3A_688, %mul3A_729 : i32
      %add3A_731 = arith.constant 64 : i32
      %add3A_732 = arith.addi %mul3A_730, %add3A_731 : i32
      %get3A_733 = arith.index_cast %add3A_732 : i32 to index
      %get3A_734 = tpu.vector_load %arg9[%get3A_733] {strides = array<i32>} : memref<5504xi32, #tpu.memory_space<vmem>>, vector<16xi32>,
      %swap3A_735 = arith.constant 0 : i32
      %swap3A_736 = arith.index_cast %swap3A_735 : i32 to index
      %swap3A_737 = arith.constant 64 : index
      %swap3A_738 = tpu.vector_load %arg10[%swap3A_736, %swap3A_737] {strides = array<i32>} : memref<6x128xi32, #tpu.memory_space<vmem>>, vector<16xi32>,
      tpu.vector_store %arg10[%swap3A_736, %swap3A_737], %get3A_734 {strides = array<i32>} : memref<6x128xi32, #tpu.memory_space<vmem>>, vector<16xi32>,
      %mul3A_739 = arith.constant 128 : i32
      %mul3A_740 = arith.muli %add3A_688, %mul3A_739 : i32
      %add3A_741 = arith.constant 80 : i32
      %add3A_742 = arith.addi %mul3A_740, %add3A_741 : i32
      %get3A_743 = arith.index_cast %add3A_742 : i32 to index
      %get3A_744 = tpu.vector_load %arg9[%get3A_743] {strides = array<i32>} : memref<5504xi32, #tpu.memory_space<vmem>>, vector<16xi32>,
      %swap3A_745 = arith.constant 0 : i32
      %swap3A_746 = arith.index_cast %swap3A_745 : i32 to index
      %swap3A_747 = arith.constant 80 : index
      %swap3A_748 = tpu.vector_load %arg10[%swap3A_746, %swap3A_747] {strides = array<i32>} : memref<6x128xi32, #tpu.memory_space<vmem>>, vector<16xi32>,
      tpu.vector_store %arg10[%swap3A_746, %swap3A_747], %get3A_744 {strides = array<i32>} : memref<6x128xi32, #tpu.memory_space<vmem>>, vector<16xi32>,
      %mul3A_749 = arith.constant 128 : i32
      %mul3A_750 = arith.muli %add3A_688, %mul3A_749 : i32
      %add3A_751 = arith.constant 96 : i32
      %add3A_752 = arith.addi %mul3A_750, %add3A_751 : i32
      %get3A_753 = arith.index_cast %add3A_752 : i32 to index
      %get3A_754 = tpu.vector_load %arg9[%get3A_753] {strides = array<i32>} : memref<5504xi32, #tpu.memory_space<vmem>>, vector<16xi32>,
      %swap3A_755 = arith.constant 0 : i32
      %swap3A_756 = arith.index_cast %swap3A_755 : i32 to index
      %swap3A_757 = arith.constant 96 : index
      %swap3A_758 = tpu.vector_load %arg10[%swap3A_756, %swap3A_757] {strides = array<i32>} : memref<6x128xi32, #tpu.memory_space<vmem>>, vector<16xi32>,
      tpu.vector_store %arg10[%swap3A_756, %swap3A_757], %get3A_754 {strides = array<i32>} : memref<6x128xi32, #tpu.memory_space<vmem>>, vector<16xi32>,
      %mul3A_759 = arith.constant 128 : i32
      %mul3A_760 = arith.muli %add3A_688, %mul3A_759 : i32
      %add3A_761 = arith.constant 112 : i32
      %add3A_762 = arith.addi %mul3A_760, %add3A_761 : i32
      %get3A_763 = arith.index_cast %add3A_762 : i32 to index
      %get3A_764 = tpu.vector_load %arg9[%get3A_763] {strides = array<i32>} : memref<5504xi32, #tpu.memory_space<vmem>>, vector<16xi32>,
      %swap3A_765 = arith.constant 0 : i32
      %swap3A_766 = arith.index_cast %swap3A_765 : i32 to index
      %swap3A_767 = arith.constant 112 : index
      %swap3A_768 = tpu.vector_load %arg10[%swap3A_766, %swap3A_767] {strides = array<i32>} : memref<6x128xi32, #tpu.memory_space<vmem>>, vector<16xi32>,
      tpu.vector_store %arg10[%swap3A_766, %swap3A_767], %get3A_764 {strides = array<i32>} : memref<6x128xi32, #tpu.memory_space<vmem>>, vector<16xi32>,
      %mul3A_769 = arith.constant 3 : i32
      %mul3A_770 = arith.muli %mul3A_633, %mul3A_769 : i32
      %add3A_771 = arith.constant 1 : i32
      %add3A_772 = arith.addi %mul3A_770, %add3A_771 : i32
      %mul3A_773 = arith.constant 128 : i32
      %mul3A_774 = arith.muli %add3A_772, %mul3A_773 : i32
      %add3A_775 = arith.constant 0 : i32
      %add3A_776 = arith.addi %mul3A_774, %add3A_775 : i32
      %get3A_777 = arith.index_cast %add3A_776 : i32 to index
      %get3A_778 = tpu.vector_load %arg9[%get3A_777] {strides = array<i32>} : memref<5504xi32, #tpu.memory_space<vmem>>, vector<16xi32>,
      %swap3A_779 = arith.constant 1 : i32
      %swap3A_780 = arith.index_cast %swap3A_779 : i32 to index
      %swap3A_781 = arith.constant 0 : index
      %swap3A_782 = tpu.vector_load %arg10[%swap3A_780, %swap3A_781] {strides = array<i32>} : memref<6x128xi32, #tpu.memory_space<vmem>>, vector<16xi32>,
      tpu.vector_store %arg10[%swap3A_780, %swap3A_781], %get3A_778 {strides = array<i32>} : memref<6x128xi32, #tpu.memory_space<vmem>>, vector<16xi32>,
      %mul3A_783 = arith.constant 128 : i32
      %mul3A_784 = arith.muli %add3A_772, %mul3A_783 : i32
      %add3A_785 = arith.constant 16 : i32
      %add3A_786 = arith.addi %mul3A_784, %add3A_785 : i32
      %get3A_787 = arith.index_cast %add3A_786 : i32 to index
      %get3A_788 = tpu.vector_load %arg9[%get3A_787] {strides = array<i32>} : memref<5504xi32, #tpu.memory_space<vmem>>, vector<16xi32>,
      %swap3A_789 = arith.constant 1 : i32
      %swap3A_790 = arith.index_cast %swap3A_789 : i32 to index
      %swap3A_791 = arith.constant 16 : index
      %swap3A_792 = tpu.vector_load %arg10[%swap3A_790, %swap3A_791] {strides = array<i32>} : memref<6x128xi32, #tpu.memory_space<vmem>>, vector<16xi32>,
      tpu.vector_store %arg10[%swap3A_790, %swap3A_791], %get3A_788 {strides = array<i32>} : memref<6x128xi32, #tpu.memory_space<vmem>>, vector<16xi32>,
      %mul3A_793 = arith.constant 128 : i32
      %mul3A_794 = arith.muli %add3A_772, %mul3A_793 : i32
      %add3A_795 = arith.constant 32 : i32
      %add3A_796 = arith.addi %mul3A_794, %add3A_795 : i32
      %get3A_797 = arith.index_cast %add3A_796 : i32 to index
      %get3A_798 = tpu.vector_load %arg9[%get3A_797] {strides = array<i32>} : memref<5504xi32, #tpu.memory_space<vmem>>, vector<16xi32>,
      %swap3A_799 = arith.constant 1 : i32
      %swap3A_800 = arith.index_cast %swap3A_799 : i32 to index
      %swap3A_801 = arith.constant 32 : index
      %swap3A_802 = tpu.vector_load %arg10[%swap3A_800, %swap3A_801] {strides = array<i32>} : memref<6x128xi32, #tpu.memory_space<vmem>>, vector<16xi32>,
      tpu.vector_store %arg10[%swap3A_800, %swap3A_801], %get3A_798 {strides = array<i32>} : memref<6x128xi32, #tpu.memory_space<vmem>>, vector<16xi32>,
      %mul3A_803 = arith.constant 128 : i32
      %mul3A_804 = arith.muli %add3A_772, %mul3A_803 : i32
      %add3A_805 = arith.constant 48 : i32
      %add3A_806 = arith.addi %mul3A_804, %add3A_805 : i32
      %get3A_807 = arith.index_cast %add3A_806 : i32 to index
      %get3A_808 = tpu.vector_load %arg9[%get3A_807] {strides = array<i32>} : memref<5504xi32, #tpu.memory_space<vmem>>, vector<16xi32>,
      %swap3A_809 = arith.constant 1 : i32
      %swap3A_810 = arith.index_cast %swap3A_809 : i32 to index
      %swap3A_811 = arith.constant 48 : index
      %swap3A_812 = tpu.vector_load %arg10[%swap3A_810, %swap3A_811] {strides = array<i32>} : memref<6x128xi32, #tpu.memory_space<vmem>>, vector<16xi32>,
      tpu.vector_store %arg10[%swap3A_810, %swap3A_811], %get3A_808 {strides = array<i32>} : memref<6x128xi32, #tpu.memory_space<vmem>>, vector<16xi32>,
      %mul3A_813 = arith.constant 128 : i32
      %mul3A_814 = arith.muli %add3A_772, %mul3A_813 : i32
      %add3A_815 = arith.constant 64 : i32
      %add3A_816 = arith.addi %mul3A_814, %add3A_815 : i32
      %get3A_817 = arith.index_cast %add3A_816 : i32 to index
      %get3A_818 = tpu.vector_load %arg9[%get3A_817] {strides = array<i32>} : memref<5504xi32, #tpu.memory_space<vmem>>, vector<16xi32>,
      %swap3A_819 = arith.constant 1 : i32
      %swap3A_820 = arith.index_cast %swap3A_819 : i32 to index
      %swap3A_821 = arith.constant 64 : index
      %swap3A_822 = tpu.vector_load %arg10[%swap3A_820, %swap3A_821] {strides = array<i32>} : memref<6x128xi32, #tpu.memory_space<vmem>>, vector<16xi32>,
      tpu.vector_store %arg10[%swap3A_820, %swap3A_821], %get3A_818 {strides = array<i32>} : memref<6x128xi32, #tpu.memory_space<vmem>>, vector<16xi32>,
      %mul3A_823 = arith.constant 128 : i32
      %mul3A_824 = arith.muli %add3A_772, %mul3A_823 : i32
      %add3A_825 = arith.constant 80 : i32
      %add3A_826 = arith.addi %mul3A_824, %add3A_825 : i32
      %get3A_827 = arith.index_cast %add3A_826 : i32 to index
      %get3A_828 = tpu.vector_load %arg9[%get3A_827] {strides = array<i32>} : memref<5504xi32, #tpu.memory_space<vmem>>, vector<16xi32>,
      %swap3A_829 = arith.constant 1 : i32
      %swap3A_830 = arith.index_cast %swap3A_829 : i32 to index
      %swap3A_831 = arith.constant 80 : index
      %swap3A_832 = tpu.vector_load %arg10[%swap3A_830, %swap3A_831] {strides = array<i32>} : memref<6x128xi32, #tpu.memory_space<vmem>>, vector<16xi32>,
      tpu.vector_store %arg10[%swap3A_830, %swap3A_831], %get3A_828 {strides = array<i32>} : memref<6x128xi32, #tpu.memory_space<vmem>>, vector<16xi32>,
      %mul3A_833 = arith.constant 128 : i32
      %mul3A_834 = arith.muli %add3A_772, %mul3A_833 : i32
      %add3A_835 = arith.constant 96 : i32
      %add3A_836 = arith.addi %mul3A_834, %add3A_835 : i32
      %get3A_837 = arith.index_cast %add3A_836 : i32 to index
      %get3A_838 = tpu.vector_load %arg9[%get3A_837] {strides = array<i32>} : memref<5504xi32, #tpu.memory_space<vmem>>, vector<16xi32>,
      %swap3A_839 = arith.constant 1 : i32
      %swap3A_840 = arith.index_cast %swap3A_839 : i32 to index
      %swap3A_841 = arith.constant 96 : index
      %swap3A_842 = tpu.vector_load %arg10[%swap3A_840, %swap3A_841] {strides = array<i32>} : memref<6x128xi32, #tpu.memory_space<vmem>>, vector<16xi32>,
      tpu.vector_store %arg10[%swap3A_840, %swap3A_841], %get3A_838 {strides = array<i32>} : memref<6x128xi32, #tpu.memory_space<vmem>>, vector<16xi32>,
      %mul3A_843 = arith.constant 128 : i32
      %mul3A_844 = arith.muli %add3A_772, %mul3A_843 : i32
      %add3A_845 = arith.constant 112 : i32
      %add3A_846 = arith.addi %mul3A_844, %add3A_845 : i32
      %get3A_847 = arith.index_cast %add3A_846 : i32 to index
      %get3A_848 = tpu.vector_load %arg9[%get3A_847] {strides = array<i32>} : memref<5504xi32, #tpu.memory_space<vmem>>, vector<16xi32>,
      %swap3A_849 = arith.constant 1 : i32
      %swap3A_850 = arith.index_cast %swap3A_849 : i32 to index
      %swap3A_851 = arith.constant 112 : index
      %swap3A_852 = tpu.vector_load %arg10[%swap3A_850, %swap3A_851] {strides = array<i32>} : memref<6x128xi32, #tpu.memory_space<vmem>>, vector<16xi32>,
      tpu.vector_store %arg10[%swap3A_850, %swap3A_851], %get3A_848 {strides = array<i32>} : memref<6x128xi32, #tpu.memory_space<vmem>>, vector<16xi32>,
      %mul3A_853 = arith.constant 3 : i32
      %mul3A_854 = arith.muli %mul3A_633, %mul3A_853 : i32
      %add3A_855 = arith.constant 2 : i32
      %add3A_856 = arith.addi %mul3A_854, %add3A_855 : i32
      %mul3A_857 = arith.constant 128 : i32
      %mul3A_858 = arith.muli %add3A_856, %mul3A_857 : i32
      %add3A_859 = arith.constant 0 : i32
      %add3A_860 = arith.addi %mul3A_858, %add3A_859 : i32
      %get3A_861 = arith.index_cast %add3A_860 : i32 to index
      %get3A_862 = tpu.vector_load %arg9[%get3A_861] {strides = array<i32>} : memref<5504xi32, #tpu.memory_space<vmem>>, vector<16xi32>,
      %swap3A_863 = arith.constant 2 : i32
      %swap3A_864 = arith.index_cast %swap3A_863 : i32 to index
      %swap3A_865 = arith.constant 0 : index
      %swap3A_866 = tpu.vector_load %arg10[%swap3A_864, %swap3A_865] {strides = array<i32>} : memref<6x128xi32, #tpu.memory_space<vmem>>, vector<16xi32>,
      tpu.vector_store %arg10[%swap3A_864, %swap3A_865], %get3A_862 {strides = array<i32>} : memref<6x128xi32, #tpu.memory_space<vmem>>, vector<16xi32>,
      %mul3A_867 = arith.constant 128 : i32
      %mul3A_868 = arith.muli %add3A_856, %mul3A_867 : i32
      %add3A_869 = arith.constant 16 : i32
      %add3A_870 = arith.addi %mul3A_868, %add3A_869 : i32
      %get3A_871 = arith.index_cast %add3A_870 : i32 to index
      %get3A_872 = tpu.vector_load %arg9[%get3A_871] {strides = array<i32>} : memref<5504xi32, #tpu.memory_space<vmem>>, vector<16xi32>,
      %swap3A_873 = arith.constant 2 : i32
      %swap3A_874 = arith.index_cast %swap3A_873 : i32 to index
      %swap3A_875 = arith.constant 16 : index
      %swap3A_876 = tpu.vector_load %arg10[%swap3A_874, %swap3A_875] {strides = array<i32>} : memref<6x128xi32, #tpu.memory_space<vmem>>, vector<16xi32>,
      tpu.vector_store %arg10[%swap3A_874, %swap3A_875], %get3A_872 {strides = array<i32>} : memref<6x128xi32, #tpu.memory_space<vmem>>, vector<16xi32>,
      %mul3A_877 = arith.constant 128 : i32
      %mul3A_878 = arith.muli %add3A_856, %mul3A_877 : i32
      %add3A_879 = arith.constant 32 : i32
      %add3A_880 = arith.addi %mul3A_878, %add3A_879 : i32
      %get3A_881 = arith.index_cast %add3A_880 : i32 to index
      %get3A_882 = tpu.vector_load %arg9[%get3A_881] {strides = array<i32>} : memref<5504xi32, #tpu.memory_space<vmem>>, vector<16xi32>,
      %swap3A_883 = arith.constant 2 : i32
      %swap3A_884 = arith.index_cast %swap3A_883 : i32 to index
      %swap3A_885 = arith.constant 32 : index
      %swap3A_886 = tpu.vector_load %arg10[%swap3A_884, %swap3A_885] {strides = array<i32>} : memref<6x128xi32, #tpu.memory_space<vmem>>, vector<16xi32>,
      tpu.vector_store %arg10[%swap3A_884, %swap3A_885], %get3A_882 {strides = array<i32>} : memref<6x128xi32, #tpu.memory_space<vmem>>, vector<16xi32>,
      %mul3A_887 = arith.constant 128 : i32
      %mul3A_888 = arith.muli %add3A_856, %mul3A_887 : i32
      %add3A_889 = arith.constant 48 : i32
      %add3A_890 = arith.addi %mul3A_888, %add3A_889 : i32
      %get3A_891 = arith.index_cast %add3A_890 : i32 to index
      %get3A_892 = tpu.vector_load %arg9[%get3A_891] {strides = array<i32>} : memref<5504xi32, #tpu.memory_space<vmem>>, vector<16xi32>,
      %swap3A_893 = arith.constant 2 : i32
      %swap3A_894 = arith.index_cast %swap3A_893 : i32 to index
      %swap3A_895 = arith.constant 48 : index
      %swap3A_896 = tpu.vector_load %arg10[%swap3A_894, %swap3A_895] {strides = array<i32>} : memref<6x128xi32, #tpu.memory_space<vmem>>, vector<16xi32>,
      tpu.vector_store %arg10[%swap3A_894, %swap3A_895], %get3A_892 {strides = array<i32>} : memref<6x128xi32, #tpu.memory_space<vmem>>, vector<16xi32>,
      %mul3A_897 = arith.constant 128 : i32
      %mul3A_898 = arith.muli %add3A_856, %mul3A_897 : i32
      %add3A_899 = arith.constant 64 : i32
      %add3A_900 = arith.addi %mul3A_898, %add3A_899 : i32
      %get3A_901 = arith.index_cast %add3A_900 : i32 to index
      %get3A_902 = tpu.vector_load %arg9[%get3A_901] {strides = array<i32>} : memref<5504xi32, #tpu.memory_space<vmem>>, vector<16xi32>,
      %swap3A_903 = arith.constant 2 : i32
      %swap3A_904 = arith.index_cast %swap3A_903 : i32 to index
      %swap3A_905 = arith.constant 64 : index
      %swap3A_906 = tpu.vector_load %arg10[%swap3A_904, %swap3A_905] {strides = array<i32>} : memref<6x128xi32, #tpu.memory_space<vmem>>, vector<16xi32>,
      tpu.vector_store %arg10[%swap3A_904, %swap3A_905], %get3A_902 {strides = array<i32>} : memref<6x128xi32, #tpu.memory_space<vmem>>, vector<16xi32>,
      %mul3A_907 = arith.constant 128 : i32
      %mul3A_908 = arith.muli %add3A_856, %mul3A_907 : i32
      %add3A_909 = arith.constant 80 : i32
      %add3A_910 = arith.addi %mul3A_908, %add3A_909 : i32
      %get3A_911 = arith.index_cast %add3A_910 : i32 to index
      %get3A_912 = tpu.vector_load %arg9[%get3A_911] {strides = array<i32>} : memref<5504xi32, #tpu.memory_space<vmem>>, vector<16xi32>,
      %swap3A_913 = arith.constant 2 : i32
      %swap3A_914 = arith.index_cast %swap3A_913 : i32 to index
      %swap3A_915 = arith.constant 80 : index
      %swap3A_916 = tpu.vector_load %arg10[%swap3A_914, %swap3A_915] {strides = array<i32>} : memref<6x128xi32, #tpu.memory_space<vmem>>, vector<16xi32>,
      tpu.vector_store %arg10[%swap3A_914, %swap3A_915], %get3A_912 {strides = array<i32>} : memref<6x128xi32, #tpu.memory_space<vmem>>, vector<16xi32>,
      %mul3A_917 = arith.constant 128 : i32
      %mul3A_918 = arith.muli %add3A_856, %mul3A_917 : i32
      %add3A_919 = arith.constant 96 : i32
      %add3A_920 = arith.addi %mul3A_918, %add3A_919 : i32
      %get3A_921 = arith.index_cast %add3A_920 : i32 to index
      %get3A_922 = tpu.vector_load %arg9[%get3A_921] {strides = array<i32>} : memref<5504xi32, #tpu.memory_space<vmem>>, vector<16xi32>,
      %swap3A_923 = arith.constant 2 : i32
      %swap3A_924 = arith.index_cast %swap3A_923 : i32 to index
      %swap3A_925 = arith.constant 96 : index
      %swap3A_926 = tpu.vector_load %arg10[%swap3A_924, %swap3A_925] {strides = array<i32>} : memref<6x128xi32, #tpu.memory_space<vmem>>, vector<16xi32>,
      tpu.vector_store %arg10[%swap3A_924, %swap3A_925], %get3A_922 {strides = array<i32>} : memref<6x128xi32, #tpu.memory_space<vmem>>, vector<16xi32>,
      %mul3A_927 = arith.constant 128 : i32
      %mul3A_928 = arith.muli %add3A_856, %mul3A_927 : i32
      %add3A_929 = arith.constant 112 : i32
      %add3A_930 = arith.addi %mul3A_928, %add3A_929 : i32
      %get3A_931 = arith.index_cast %add3A_930 : i32 to index
      %get3A_932 = tpu.vector_load %arg9[%get3A_931] {strides = array<i32>} : memref<5504xi32, #tpu.memory_space<vmem>>, vector<16xi32>,
      %swap3A_933 = arith.constant 2 : i32
      %swap3A_934 = arith.index_cast %swap3A_933 : i32 to index
      %swap3A_935 = arith.constant 112 : index
      %swap3A_936 = tpu.vector_load %arg10[%swap3A_934, %swap3A_935] {strides = array<i32>} : memref<6x128xi32, #tpu.memory_space<vmem>>, vector<16xi32>,
      tpu.vector_store %arg10[%swap3A_934, %swap3A_935], %get3A_932 {strides = array<i32>} : memref<6x128xi32, #tpu.memory_space<vmem>>, vector<16xi32>,
      %dma_start3A_937 = arith.constant 0 : i32
      %dma_start3A_938 = arith.constant 0 : i32
      %dma_start3A_939 = arith.constant 0 : i32
      %dma_start3A_940 = tpu.memref_slice %arg11[%dma_start3A_938, %dma_start3A_939] : memref<768x128xf32, #tpu.memory_space<vmem>> -> memref<128x128xf32, #tpu.memory_space<vmem>>
      %dma_start3A_941 = arith.constant 0 : i32
      %dma_start3A_942 = tpu.memref_slice %arg10[%dma_start3A_937, %dma_start3A_941] : memref<6x128xi32, #tpu.memory_space<vmem>> -> memref<1x128xi32, #tpu.memory_space<vmem>>
      %dma_start3A_943 = tpu.memref_squeeze %dma_start3A_942 : memref<1x128xi32, #tpu.memory_space<vmem>> -> memref<128xi32, #tpu.memory_space<vmem>>
      %dma_start3A_944 = arith.constant 0 : i32
      %dma_start3A_945 = arith.constant 0 : i32
      %dma_start3A_946 = tpu.memref_slice %arg13[%dma_start3A_944, %dma_start3A_945] : memref<64x128xf32, #tpu.memory_space<vmem_shared>> -> memref<64x128xf32, #tpu.memory_space<vmem_shared>>
      tpu.enqueue_indirect_dma source(%dma_start3A_940 : memref<128x128xf32, #tpu.memory_space<vmem>>) target(%dma_start3A_946 : memref<64x128xf32, #tpu.memory_space<vmem_shared>>) offsets(%dma_start3A_943 : memref<128xi32, #tpu.memory_space<vmem>>) semaphore(%arg16 : memref<!tpu.dma_semaphore, #tpu.memory_space<semaphore_mem>>) {add = true}
      %dma_start3A_947 = arith.constant 1 : i32
      %dma_start3A_948 = arith.constant 128 : i32
      %dma_start3A_949 = arith.constant 0 : i32
      %dma_start3A_950 = tpu.memref_slice %arg11[%dma_start3A_948, %dma_start3A_949] : memref<768x128xf32, #tpu.memory_space<vmem>> -> memref<128x128xf32, #tpu.memory_space<vmem>>
      %dma_start3A_951 = arith.constant 0 : i32
      %dma_start3A_952 = tpu.memref_slice %arg10[%dma_start3A_947, %dma_start3A_951] : memref<6x128xi32, #tpu.memory_space<vmem>> -> memref<1x128xi32, #tpu.memory_space<vmem>>
      %dma_start3A_953 = tpu.memref_squeeze %dma_start3A_952 : memref<1x128xi32, #tpu.memory_space<vmem>> -> memref<128xi32, #tpu.memory_space<vmem>>
      %dma_start3A_954 = arith.constant 0 : i32
      %dma_start3A_955 = arith.constant 0 : i32
      %dma_start3A_956 = tpu.memref_slice %arg13[%dma_start3A_954, %dma_start3A_955] : memref<64x128xf32, #tpu.memory_space<vmem_shared>> -> memref<64x128xf32, #tpu.memory_space<vmem_shared>>
      tpu.enqueue_indirect_dma source(%dma_start3A_950 : memref<128x128xf32, #tpu.memory_space<vmem>>) target(%dma_start3A_956 : memref<64x128xf32, #tpu.memory_space<vmem_shared>>) offsets(%dma_start3A_953 : memref<128xi32, #tpu.memory_space<vmem>>) semaphore(%arg16 : memref<!tpu.dma_semaphore, #tpu.memory_space<semaphore_mem>>) {add = true}
      %dma_start3A_957 = arith.constant 2 : i32
      %dma_start3A_958 = arith.constant 256 : i32
      %dma_start3A_959 = arith.constant 0 : i32
      %dma_start3A_960 = tpu.memref_slice %arg11[%dma_start3A_958, %dma_start3A_959] : memref<768x128xf32, #tpu.memory_space<vmem>> -> memref<128x128xf32, #tpu.memory_space<vmem>>
      %dma_start3A_961 = arith.constant 0 : i32
      %dma_start3A_962 = tpu.memref_slice %arg10[%dma_start3A_957, %dma_start3A_961] : memref<6x128xi32, #tpu.memory_space<vmem>> -> memref<1x128xi32, #tpu.memory_space<vmem>>
      %dma_start3A_963 = tpu.memref_squeeze %dma_start3A_962 : memref<1x128xi32, #tpu.memory_space<vmem>> -> memref<128xi32, #tpu.memory_space<vmem>>
      %dma_start3A_964 = arith.constant 0 : i32
      %dma_start3A_965 = arith.constant 0 : i32
      %dma_start3A_966 = tpu.memref_slice %arg13[%dma_start3A_964, %dma_start3A_965] : memref<64x128xf32, #tpu.memory_space<vmem_shared>> -> memref<64x128xf32, #tpu.memory_space<vmem_shared>>
      tpu.enqueue_indirect_dma source(%dma_start3A_960 : memref<128x128xf32, #tpu.memory_space<vmem>>) target(%dma_start3A_966 : memref<64x128xf32, #tpu.memory_space<vmem_shared>>) offsets(%dma_start3A_963 : memref<128xi32, #tpu.memory_space<vmem>>) semaphore(%arg16 : memref<!tpu.dma_semaphore, #tpu.memory_space<semaphore_mem>>) {add = true}
      %dma_wait3A_967 = arith.constant 0 : i32
      %dma_wait3A_968 = arith.constant 0 : i32
      %dma_wait3A_969 = arith.constant 0 : i32
      %dma_wait3A_970 = tpu.memref_slice %arg11[%dma_wait3A_968, %dma_wait3A_969] : memref<768x128xf32, #tpu.memory_space<vmem>> -> memref<128x128xf32, #tpu.memory_space<vmem>>
      %dma_wait3A_971 = arith.constant 0 : i32
      %dma_wait3A_972 = tpu.memref_slice %arg10[%dma_wait3A_967, %dma_wait3A_971] : memref<6x128xi32, #tpu.memory_space<vmem>> -> memref<1x128xi32, #tpu.memory_space<vmem>>
      %dma_wait3A_973 = tpu.memref_squeeze %dma_wait3A_972 : memref<1x128xi32, #tpu.memory_space<vmem>> -> memref<128xi32, #tpu.memory_space<vmem>>
      %dma_wait3A_974 = arith.constant 0 : i32
      %dma_wait3A_975 = arith.constant 0 : i32
      %dma_wait3A_976 = tpu.memref_slice %arg13[%dma_wait3A_974, %dma_wait3A_975] : memref<64x128xf32, #tpu.memory_space<vmem_shared>> -> memref<64x128xf32, #tpu.memory_space<vmem_shared>>
      tpu.wait_indirect_dma semaphore(%arg16 : memref<!tpu.dma_semaphore, #tpu.memory_space<semaphore_mem>>) src(%dma_wait3A_970 : memref<128x128xf32, #tpu.memory_space<vmem>>) dst(%dma_wait3A_976 : memref<64x128xf32, #tpu.memory_space<vmem_shared>>)
      %dma_wait3A_977 = arith.constant 1 : i32
      %dma_wait3A_978 = arith.constant 128 : i32
      %dma_wait3A_979 = arith.constant 0 : i32
      %dma_wait3A_980 = tpu.memref_slice %arg11[%dma_wait3A_978, %dma_wait3A_979] : memref<768x128xf32, #tpu.memory_space<vmem>> -> memref<128x128xf32, #tpu.memory_space<vmem>>
      %dma_wait3A_981 = arith.constant 0 : i32
      %dma_wait3A_982 = tpu.memref_slice %arg10[%dma_wait3A_977, %dma_wait3A_981] : memref<6x128xi32, #tpu.memory_space<vmem>> -> memref<1x128xi32, #tpu.memory_space<vmem>>
      %dma_wait3A_983 = tpu.memref_squeeze %dma_wait3A_982 : memref<1x128xi32, #tpu.memory_space<vmem>> -> memref<128xi32, #tpu.memory_space<vmem>>
      %dma_wait3A_984 = arith.constant 0 : i32
      %dma_wait3A_985 = arith.constant 0 : i32
      %dma_wait3A_986 = tpu.memref_slice %arg13[%dma_wait3A_984, %dma_wait3A_985] : memref<64x128xf32, #tpu.memory_space<vmem_shared>> -> memref<64x128xf32, #tpu.memory_space<vmem_shared>>
      tpu.wait_indirect_dma semaphore(%arg16 : memref<!tpu.dma_semaphore, #tpu.memory_space<semaphore_mem>>) src(%dma_wait3A_980 : memref<128x128xf32, #tpu.memory_space<vmem>>) dst(%dma_wait3A_986 : memref<64x128xf32, #tpu.memory_space<vmem_shared>>)
      %dma_wait3A_987 = arith.constant 2 : i32
      %dma_wait3A_988 = arith.constant 256 : i32
      %dma_wait3A_989 = arith.constant 0 : i32
      %dma_wait3A_990 = tpu.memref_slice %arg11[%dma_wait3A_988, %dma_wait3A_989] : memref<768x128xf32, #tpu.memory_space<vmem>> -> memref<128x128xf32, #tpu.memory_space<vmem>>
      %dma_wait3A_991 = arith.constant 0 : i32
      %dma_wait3A_992 = tpu.memref_slice %arg10[%dma_wait3A_987, %dma_wait3A_991] : memref<6x128xi32, #tpu.memory_space<vmem>> -> memref<1x128xi32, #tpu.memory_space<vmem>>
      %dma_wait3A_993 = tpu.memref_squeeze %dma_wait3A_992 : memref<1x128xi32, #tpu.memory_space<vmem>> -> memref<128xi32, #tpu.memory_space<vmem>>
      %dma_wait3A_994 = arith.constant 0 : i32
      %dma_wait3A_995 = arith.constant 0 : i32
      %dma_wait3A_996 = tpu.memref_slice %arg13[%dma_wait3A_994, %dma_wait3A_995] : memref<64x128xf32, #tpu.memory_space<vmem_shared>> -> memref<64x128xf32, #tpu.memory_space<vmem_shared>>
      tpu.wait_indirect_dma semaphore(%arg16 : memref<!tpu.dma_semaphore, #tpu.memory_space<semaphore_mem>>) src(%dma_wait3A_990 : memref<128x128xf32, #tpu.memory_space<vmem>>) dst(%dma_wait3A_996 : memref<64x128xf32, #tpu.memory_space<vmem_shared>>)
      %add3A_997 = arith.constant 2 : i32
      %add3A_998 = arith.addi %mul3A_633, %add3A_997 : i32
      %mul3A_999 = arith.constant 3 : i32
      %mul3A_1000 = arith.muli %add3A_998, %mul3A_999 : i32
      %add3A_1001 = arith.constant 0 : i32
      %add3A_1002 = arith.addi %mul3A_1000, %add3A_1001 : i32
      %add3A_1003 = arith.addi %add3A_4, %add3A_1002 : i32
      %mul3A_1004 = arith.constant 128 : i32
      %mul3A_1005 = arith.muli %add3A_1003, %mul3A_1004 : i32
      %dma_start3A_1006 = arith.constant 0 : i32
      %dma_start3A_1007 = arith.constant 0 : i32
      %dma_start3A_1008 = tpu.memref_slice %arg11[%dma_start3A_1006, %dma_start3A_1007] : memref<768x128xf32, #tpu.memory_space<vmem>> -> memref<128x128xf32, #tpu.memory_space<vmem>>
      %dma_start3A_1009 = arith.constant 0 : i32
      %dma_start3A_1010 = tpu.memref_slice %arg2[%mul3A_1005, %dma_start3A_1009] : memref<320000x128xf32, #tpu.memory_space<hbm>> -> memref<128x128xf32, #tpu.memory_space<hbm>>
      %dma_start3A_1011 = arith.constant 0 : i32
      %dma_start3A_1012 = arith.constant 0 : i32
      %dma_start3A_1013 = tpu.memref_slice %arg11[%dma_start3A_1011, %dma_start3A_1012] : memref<768x128xf32, #tpu.memory_space<vmem>> -> memref<128x128xf32, #tpu.memory_space<vmem>>
      %dma_start3A_1014 = arith.constant 0 : i32
      %dma_start3A_1015 = tpu.memref_slice %arg2[%mul3A_1005, %dma_start3A_1014] : memref<320000x128xf32, #tpu.memory_space<hbm>> -> memref<128x128xf32, #tpu.memory_space<hbm>>
      tpu.enqueue_dma source(%dma_start3A_1015 : memref<128x128xf32, #tpu.memory_space<hbm>>) target(%dma_start3A_1013 : memref<128x128xf32, #tpu.memory_space<vmem>>) target_semaphore(%arg14 : memref<!tpu.dma_semaphore, #tpu.memory_space<semaphore_mem>>)
      %mul3A_1016 = arith.constant 3 : i32
      %mul3A_1017 = arith.muli %add3A_998, %mul3A_1016 : i32
      %add3A_1018 = arith.constant 1 : i32
      %add3A_1019 = arith.addi %mul3A_1017, %add3A_1018 : i32
      %add3A_1020 = arith.addi %add3A_4, %add3A_1019 : i32
      %mul3A_1021 = arith.constant 128 : i32
      %mul3A_1022 = arith.muli %add3A_1020, %mul3A_1021 : i32
      %dma_start3A_1023 = arith.constant 128 : i32
      %dma_start3A_1024 = arith.constant 0 : i32
      %dma_start3A_1025 = tpu.memref_slice %arg11[%dma_start3A_1023, %dma_start3A_1024] : memref<768x128xf32, #tpu.memory_space<vmem>> -> memref<128x128xf32, #tpu.memory_space<vmem>>
      %dma_start3A_1026 = arith.constant 0 : i32
      %dma_start3A_1027 = tpu.memref_slice %arg2[%mul3A_1022, %dma_start3A_1026] : memref<320000x128xf32, #tpu.memory_space<hbm>> -> memref<128x128xf32, #tpu.memory_space<hbm>>
      %dma_start3A_1028 = arith.constant 128 : i32
      %dma_start3A_1029 = arith.constant 0 : i32
      %dma_start3A_1030 = tpu.memref_slice %arg11[%dma_start3A_1028, %dma_start3A_1029] : memref<768x128xf32, #tpu.memory_space<vmem>> -> memref<128x128xf32, #tpu.memory_space<vmem>>
      %dma_start3A_1031 = arith.constant 0 : i32
      %dma_start3A_1032 = tpu.memref_slice %arg2[%mul3A_1022, %dma_start3A_1031] : memref<320000x128xf32, #tpu.memory_space<hbm>> -> memref<128x128xf32, #tpu.memory_space<hbm>>
      tpu.enqueue_dma source(%dma_start3A_1032 : memref<128x128xf32, #tpu.memory_space<hbm>>) target(%dma_start3A_1030 : memref<128x128xf32, #tpu.memory_space<vmem>>) target_semaphore(%arg14 : memref<!tpu.dma_semaphore, #tpu.memory_space<semaphore_mem>>)
      %mul3A_1033 = arith.constant 3 : i32
      %mul3A_1034 = arith.muli %add3A_998, %mul3A_1033 : i32
      %add3A_1035 = arith.constant 2 : i32
      %add3A_1036 = arith.addi %mul3A_1034, %add3A_1035 : i32
      %add3A_1037 = arith.addi %add3A_4, %add3A_1036 : i32
      %mul3A_1038 = arith.constant 128 : i32
      %mul3A_1039 = arith.muli %add3A_1037, %mul3A_1038 : i32
      %dma_start3A_1040 = arith.constant 256 : i32
      %dma_start3A_1041 = arith.constant 0 : i32
      %dma_start3A_1042 = tpu.memref_slice %arg11[%dma_start3A_1040, %dma_start3A_1041] : memref<768x128xf32, #tpu.memory_space<vmem>> -> memref<128x128xf32, #tpu.memory_space<vmem>>
      %dma_start3A_1043 = arith.constant 0 : i32
      %dma_start3A_1044 = tpu.memref_slice %arg2[%mul3A_1039, %dma_start3A_1043] : memref<320000x128xf32, #tpu.memory_space<hbm>> -> memref<128x128xf32, #tpu.memory_space<hbm>>
      %dma_start3A_1045 = arith.constant 256 : i32
      %dma_start3A_1046 = arith.constant 0 : i32
      %dma_start3A_1047 = tpu.memref_slice %arg11[%dma_start3A_1045, %dma_start3A_1046] : memref<768x128xf32, #tpu.memory_space<vmem>> -> memref<128x128xf32, #tpu.memory_space<vmem>>
      %dma_start3A_1048 = arith.constant 0 : i32
      %dma_start3A_1049 = tpu.memref_slice %arg2[%mul3A_1039, %dma_start3A_1048] : memref<320000x128xf32, #tpu.memory_space<hbm>> -> memref<128x128xf32, #tpu.memory_space<hbm>>
      tpu.enqueue_dma source(%dma_start3A_1049 : memref<128x128xf32, #tpu.memory_space<hbm>>) target(%dma_start3A_1047 : memref<128x128xf32, #tpu.memory_space<vmem>>) target_semaphore(%arg14 : memref<!tpu.dma_semaphore, #tpu.memory_space<semaphore_mem>>)
      %mul3A_1050 = arith.constant 2 : i32
      %mul3A_1051 = arith.muli %mul3A_1050, %scan3A_631 : i32
      %add3A_1052 = arith.constant 1 : i32
      %add3A_1053 = arith.addi %mul3A_1051, %add3A_1052 : i32
      %mul3A_1054 = arith.constant 3 : i32
      %mul3A_1055 = arith.muli %add3A_1053, %mul3A_1054 : i32
      %add3A_1056 = arith.constant 0 : i32
      %add3A_1057 = arith.addi %mul3A_1055, %add3A_1056 : i32
      %add3A_1058 = arith.addi %add3A_4, %add3A_1057 : i32
      %mul3A_1059 = arith.constant 128 : i32
      %mul3A_1060 = arith.muli %add3A_1058, %mul3A_1059 : i32
      %dma_wait3A_1061 = arith.constant 384 : i32
      %dma_wait3A_1062 = arith.constant 0 : i32
      %dma_wait3A_1063 = tpu.memref_slice %arg11[%dma_wait3A_1061, %dma_wait3A_1062] : memref<768x128xf32, #tpu.memory_space<vmem>> -> memref<128x128xf32, #tpu.memory_space<vmem>>
      %dma_wait3A_1064 = arith.constant 0 : i32
      %dma_wait3A_1065 = tpu.memref_slice %arg2[%mul3A_1060, %dma_wait3A_1064] : memref<320000x128xf32, #tpu.memory_space<hbm>> -> memref<128x128xf32, #tpu.memory_space<hbm>>
      %dma_wait3A_1066 = arith.constant 384 : i32
      %dma_wait3A_1067 = arith.constant 0 : i32
      %dma_wait3A_1068 = tpu.memref_slice %arg11[%dma_wait3A_1066, %dma_wait3A_1067] : memref<768x128xf32, #tpu.memory_space<vmem>> -> memref<128x128xf32, #tpu.memory_space<vmem>>
      %dma_wait3A_1069 = arith.constant 0 : i32
      %dma_wait3A_1070 = tpu.memref_slice %arg2[%mul3A_1060, %dma_wait3A_1069] : memref<320000x128xf32, #tpu.memory_space<hbm>> -> memref<128x128xf32, #tpu.memory_space<hbm>>
      tpu.wait_dma2 semaphore(%arg15 : memref<!tpu.dma_semaphore, #tpu.memory_space<semaphore_mem>>) src(%dma_wait3A_1070 : memref<128x128xf32, #tpu.memory_space<hbm>>) dst(%dma_wait3A_1068 : memref<128x128xf32, #tpu.memory_space<vmem>>)
      %mul3A_1071 = arith.constant 3 : i32
      %mul3A_1072 = arith.muli %add3A_1053, %mul3A_1071 : i32
      %add3A_1073 = arith.constant 1 : i32
      %add3A_1074 = arith.addi %mul3A_1072, %add3A_1073 : i32
      %add3A_1075 = arith.addi %add3A_4, %add3A_1074 : i32
      %mul3A_1076 = arith.constant 128 : i32
      %mul3A_1077 = arith.muli %add3A_1075, %mul3A_1076 : i32
      %dma_wait3A_1078 = arith.constant 512 : i32
      %dma_wait3A_1079 = arith.constant 0 : i32
      %dma_wait3A_1080 = tpu.memref_slice %arg11[%dma_wait3A_1078, %dma_wait3A_1079] : memref<768x128xf32, #tpu.memory_space<vmem>> -> memref<128x128xf32, #tpu.memory_space<vmem>>
      %dma_wait3A_1081 = arith.constant 0 : i32
      %dma_wait3A_1082 = tpu.memref_slice %arg2[%mul3A_1077, %dma_wait3A_1081] : memref<320000x128xf32, #tpu.memory_space<hbm>> -> memref<128x128xf32, #tpu.memory_space<hbm>>
      %dma_wait3A_1083 = arith.constant 512 : i32
      %dma_wait3A_1084 = arith.constant 0 : i32
      %dma_wait3A_1085 = tpu.memref_slice %arg11[%dma_wait3A_1083, %dma_wait3A_1084] : memref<768x128xf32, #tpu.memory_space<vmem>> -> memref<128x128xf32, #tpu.memory_space<vmem>>
      %dma_wait3A_1086 = arith.constant 0 : i32
      %dma_wait3A_1087 = tpu.memref_slice %arg2[%mul3A_1077, %dma_wait3A_1086] : memref<320000x128xf32, #tpu.memory_space<hbm>> -> memref<128x128xf32, #tpu.memory_space<hbm>>
      tpu.wait_dma2 semaphore(%arg15 : memref<!tpu.dma_semaphore, #tpu.memory_space<semaphore_mem>>) src(%dma_wait3A_1087 : memref<128x128xf32, #tpu.memory_space<hbm>>) dst(%dma_wait3A_1085 : memref<128x128xf32, #tpu.memory_space<vmem>>)
      %mul3A_1088 = arith.constant 3 : i32
      %mul3A_1089 = arith.muli %add3A_1053, %mul3A_1088 : i32
      %add3A_1090 = arith.constant 2 : i32
      %add3A_1091 = arith.addi %mul3A_1089, %add3A_1090 : i32
      %add3A_1092 = arith.addi %add3A_4, %add3A_1091 : i32
      %mul3A_1093 = arith.constant 128 : i32
      %mul3A_1094 = arith.muli %add3A_1092, %mul3A_1093 : i32
      %dma_wait3A_1095 = arith.constant 640 : i32
      %dma_wait3A_1096 = arith.constant 0 : i32
      %dma_wait3A_1097 = tpu.memref_slice %arg11[%dma_wait3A_1095, %dma_wait3A_1096] : memref<768x128xf32, #tpu.memory_space<vmem>> -> memref<128x128xf32, #tpu.memory_space<vmem>>
      %dma_wait3A_1098 = arith.constant 0 : i32
      %dma_wait3A_1099 = tpu.memref_slice %arg2[%mul3A_1094, %dma_wait3A_1098] : memref<320000x128xf32, #tpu.memory_space<hbm>> -> memref<128x128xf32, #tpu.memory_space<hbm>>
      %dma_wait3A_1100 = arith.constant 640 : i32
      %dma_wait3A_1101 = arith.constant 0 : i32
      %dma_wait3A_1102 = tpu.memref_slice %arg11[%dma_wait3A_1100, %dma_wait3A_1101] : memref<768x128xf32, #tpu.memory_space<vmem>> -> memref<128x128xf32, #tpu.memory_space<vmem>>
      %dma_wait3A_1103 = arith.constant 0 : i32
      %dma_wait3A_1104 = tpu.memref_slice %arg2[%mul3A_1094, %dma_wait3A_1103] : memref<320000x128xf32, #tpu.memory_space<hbm>> -> memref<128x128xf32, #tpu.memory_space<hbm>>
      tpu.wait_dma2 semaphore(%arg15 : memref<!tpu.dma_semaphore, #tpu.memory_space<semaphore_mem>>) src(%dma_wait3A_1104 : memref<128x128xf32, #tpu.memory_space<hbm>>) dst(%dma_wait3A_1102 : memref<128x128xf32, #tpu.memory_space<vmem>>)
      %mul3A_1105 = arith.constant 3 : i32
      %mul3A_1106 = arith.muli %add3A_1053, %mul3A_1105 : i32
      %add3A_1107 = arith.constant 0 : i32
      %add3A_1108 = arith.addi %mul3A_1106, %add3A_1107 : i32
      %mul3A_1109 = arith.constant 128 : i32
      %mul3A_1110 = arith.muli %add3A_1108, %mul3A_1109 : i32
      %add3A_1111 = arith.constant 0 : i32
      %add3A_1112 = arith.addi %mul3A_1110, %add3A_1111 : i32
      %get3A_1113 = arith.index_cast %add3A_1112 : i32 to index
      %get3A_1114 = tpu.vector_load %arg9[%get3A_1113] {strides = array<i32>} : memref<5504xi32, #tpu.memory_space<vmem>>, vector<16xi32>,
      %swap3A_1115 = arith.constant 3 : i32
      %swap3A_1116 = arith.index_cast %swap3A_1115 : i32 to index
      %swap3A_1117 = arith.constant 0 : index
      %swap3A_1118 = tpu.vector_load %arg10[%swap3A_1116, %swap3A_1117] {strides = array<i32>} : memref<6x128xi32, #tpu.memory_space<vmem>>, vector<16xi32>,
      tpu.vector_store %arg10[%swap3A_1116, %swap3A_1117], %get3A_1114 {strides = array<i32>} : memref<6x128xi32, #tpu.memory_space<vmem>>, vector<16xi32>,
      %mul3A_1119 = arith.constant 128 : i32
      %mul3A_1120 = arith.muli %add3A_1108, %mul3A_1119 : i32
      %add3A_1121 = arith.constant 16 : i32
      %add3A_1122 = arith.addi %mul3A_1120, %add3A_1121 : i32
      %get3A_1123 = arith.index_cast %add3A_1122 : i32 to index
      %get3A_1124 = tpu.vector_load %arg9[%get3A_1123] {strides = array<i32>} : memref<5504xi32, #tpu.memory_space<vmem>>, vector<16xi32>,
      %swap3A_1125 = arith.constant 3 : i32
      %swap3A_1126 = arith.index_cast %swap3A_1125 : i32 to index
      %swap3A_1127 = arith.constant 16 : index
      %swap3A_1128 = tpu.vector_load %arg10[%swap3A_1126, %swap3A_1127] {strides = array<i32>} : memref<6x128xi32, #tpu.memory_space<vmem>>, vector<16xi32>,
      tpu.vector_store %arg10[%swap3A_1126, %swap3A_1127], %get3A_1124 {strides = array<i32>} : memref<6x128xi32, #tpu.memory_space<vmem>>, vector<16xi32>,
      %mul3A_1129 = arith.constant 128 : i32
      %mul3A_1130 = arith.muli %add3A_1108, %mul3A_1129 : i32
      %add3A_1131 = arith.constant 32 : i32
      %add3A_1132 = arith.addi %mul3A_1130, %add3A_1131 : i32
      %get3A_1133 = arith.index_cast %add3A_1132 : i32 to index
      %get3A_1134 = tpu.vector_load %arg9[%get3A_1133] {strides = array<i32>} : memref<5504xi32, #tpu.memory_space<vmem>>, vector<16xi32>,
      %swap3A_1135 = arith.constant 3 : i32
      %swap3A_1136 = arith.index_cast %swap3A_1135 : i32 to index
      %swap3A_1137 = arith.constant 32 : index
      %swap3A_1138 = tpu.vector_load %arg10[%swap3A_1136, %swap3A_1137] {strides = array<i32>} : memref<6x128xi32, #tpu.memory_space<vmem>>, vector<16xi32>,
      tpu.vector_store %arg10[%swap3A_1136, %swap3A_1137], %get3A_1134 {strides = array<i32>} : memref<6x128xi32, #tpu.memory_space<vmem>>, vector<16xi32>,
      %mul3A_1139 = arith.constant 128 : i32
      %mul3A_1140 = arith.muli %add3A_1108, %mul3A_1139 : i32
      %add3A_1141 = arith.constant 48 : i32
      %add3A_1142 = arith.addi %mul3A_1140, %add3A_1141 : i32
      %get3A_1143 = arith.index_cast %add3A_1142 : i32 to index
      %get3A_1144 = tpu.vector_load %arg9[%get3A_1143] {strides = array<i32>} : memref<5504xi32, #tpu.memory_space<vmem>>, vector<16xi32>,
      %swap3A_1145 = arith.constant 3 : i32
      %swap3A_1146 = arith.index_cast %swap3A_1145 : i32 to index
      %swap3A_1147 = arith.constant 48 : index
      %swap3A_1148 = tpu.vector_load %arg10[%swap3A_1146, %swap3A_1147] {strides = array<i32>} : memref<6x128xi32, #tpu.memory_space<vmem>>, vector<16xi32>,
      tpu.vector_store %arg10[%swap3A_1146, %swap3A_1147], %get3A_1144 {strides = array<i32>} : memref<6x128xi32, #tpu.memory_space<vmem>>, vector<16xi32>,
      %mul3A_1149 = arith.constant 128 : i32
      %mul3A_1150 = arith.muli %add3A_1108, %mul3A_1149 : i32
      %add3A_1151 = arith.constant 64 : i32
      %add3A_1152 = arith.addi %mul3A_1150, %add3A_1151 : i32
      %get3A_1153 = arith.index_cast %add3A_1152 : i32 to index
      %get3A_1154 = tpu.vector_load %arg9[%get3A_1153] {strides = array<i32>} : memref<5504xi32, #tpu.memory_space<vmem>>, vector<16xi32>,
      %swap3A_1155 = arith.constant 3 : i32
      %swap3A_1156 = arith.index_cast %swap3A_1155 : i32 to index
      %swap3A_1157 = arith.constant 64 : index
      %swap3A_1158 = tpu.vector_load %arg10[%swap3A_1156, %swap3A_1157] {strides = array<i32>} : memref<6x128xi32, #tpu.memory_space<vmem>>, vector<16xi32>,
      tpu.vector_store %arg10[%swap3A_1156, %swap3A_1157], %get3A_1154 {strides = array<i32>} : memref<6x128xi32, #tpu.memory_space<vmem>>, vector<16xi32>,
      %mul3A_1159 = arith.constant 128 : i32
      %mul3A_1160 = arith.muli %add3A_1108, %mul3A_1159 : i32
      %add3A_1161 = arith.constant 80 : i32
      %add3A_1162 = arith.addi %mul3A_1160, %add3A_1161 : i32
      %get3A_1163 = arith.index_cast %add3A_1162 : i32 to index
      %get3A_1164 = tpu.vector_load %arg9[%get3A_1163] {strides = array<i32>} : memref<5504xi32, #tpu.memory_space<vmem>>, vector<16xi32>,
      %swap3A_1165 = arith.constant 3 : i32
      %swap3A_1166 = arith.index_cast %swap3A_1165 : i32 to index
      %swap3A_1167 = arith.constant 80 : index
      %swap3A_1168 = tpu.vector_load %arg10[%swap3A_1166, %swap3A_1167] {strides = array<i32>} : memref<6x128xi32, #tpu.memory_space<vmem>>, vector<16xi32>,
      tpu.vector_store %arg10[%swap3A_1166, %swap3A_1167], %get3A_1164 {strides = array<i32>} : memref<6x128xi32, #tpu.memory_space<vmem>>, vector<16xi32>,
      %mul3A_1169 = arith.constant 128 : i32
      %mul3A_1170 = arith.muli %add3A_1108, %mul3A_1169 : i32
      %add3A_1171 = arith.constant 96 : i32
      %add3A_1172 = arith.addi %mul3A_1170, %add3A_1171 : i32
      %get3A_1173 = arith.index_cast %add3A_1172 : i32 to index
      %get3A_1174 = tpu.vector_load %arg9[%get3A_1173] {strides = array<i32>} : memref<5504xi32, #tpu.memory_space<vmem>>, vector<16xi32>,
      %swap3A_1175 = arith.constant 3 : i32
      %swap3A_1176 = arith.index_cast %swap3A_1175 : i32 to index
      %swap3A_1177 = arith.constant 96 : index
      %swap3A_1178 = tpu.vector_load %arg10[%swap3A_1176, %swap3A_1177] {strides = array<i32>} : memref<6x128xi32, #tpu.memory_space<vmem>>, vector<16xi32>,
      tpu.vector_store %arg10[%swap3A_1176, %swap3A_1177], %get3A_1174 {strides = array<i32>} : memref<6x128xi32, #tpu.memory_space<vmem>>, vector<16xi32>,
      %mul3A_1179 = arith.constant 128 : i32
      %mul3A_1180 = arith.muli %add3A_1108, %mul3A_1179 : i32
      %add3A_1181 = arith.constant 112 : i32
      %add3A_1182 = arith.addi %mul3A_1180, %add3A_1181 : i32
      %get3A_1183 = arith.index_cast %add3A_1182 : i32 to index
      %get3A_1184 = tpu.vector_load %arg9[%get3A_1183] {strides = array<i32>} : memref<5504xi32, #tpu.memory_space<vmem>>, vector<16xi32>,
      %swap3A_1185 = arith.constant 3 : i32
      %swap3A_1186 = arith.index_cast %swap3A_1185 : i32 to index
      %swap3A_1187 = arith.constant 112 : index
      %swap3A_1188 = tpu.vector_load %arg10[%swap3A_1186, %swap3A_1187] {strides = array<i32>} : memref<6x128xi32, #tpu.memory_space<vmem>>, vector<16xi32>,
      tpu.vector_store %arg10[%swap3A_1186, %swap3A_1187], %get3A_1184 {strides = array<i32>} : memref<6x128xi32, #tpu.memory_space<vmem>>, vector<16xi32>,
      %mul3A_1189 = arith.constant 3 : i32
      %mul3A_1190 = arith.muli %add3A_1053, %mul3A_1189 : i32
      %add3A_1191 = arith.constant 1 : i32
      %add3A_1192 = arith.addi %mul3A_1190, %add3A_1191 : i32
      %mul3A_1193 = arith.constant 128 : i32
      %mul3A_1194 = arith.muli %add3A_1192, %mul3A_1193 : i32
      %add3A_1195 = arith.constant 0 : i32
      %add3A_1196 = arith.addi %mul3A_1194, %add3A_1195 : i32
      %get3A_1197 = arith.index_cast %add3A_1196 : i32 to index
      %get3A_1198 = tpu.vector_load %arg9[%get3A_1197] {strides = array<i32>} : memref<5504xi32, #tpu.memory_space<vmem>>, vector<16xi32>,
      %swap3A_1199 = arith.constant 4 : i32
      %swap3A_1200 = arith.index_cast %swap3A_1199 : i32 to index
      %swap3A_1201 = arith.constant 0 : index
      %swap3A_1202 = tpu.vector_load %arg10[%swap3A_1200, %swap3A_1201] {strides = array<i32>} : memref<6x128xi32, #tpu.memory_space<vmem>>, vector<16xi32>,
      tpu.vector_store %arg10[%swap3A_1200, %swap3A_1201], %get3A_1198 {strides = array<i32>} : memref<6x128xi32, #tpu.memory_space<vmem>>, vector<16xi32>,
      %mul3A_1203 = arith.constant 128 : i32
      %mul3A_1204 = arith.muli %add3A_1192, %mul3A_1203 : i32
      %add3A_1205 = arith.constant 16 : i32
      %add3A_1206 = arith.addi %mul3A_1204, %add3A_1205 : i32
      %get3A_1207 = arith.index_cast %add3A_1206 : i32 to index
      %get3A_1208 = tpu.vector_load %arg9[%get3A_1207] {strides = array<i32>} : memref<5504xi32, #tpu.memory_space<vmem>>, vector<16xi32>,
      %swap3A_1209 = arith.constant 4 : i32
      %swap3A_1210 = arith.index_cast %swap3A_1209 : i32 to index
      %swap3A_1211 = arith.constant 16 : index
      %swap3A_1212 = tpu.vector_load %arg10[%swap3A_1210, %swap3A_1211] {strides = array<i32>} : memref<6x128xi32, #tpu.memory_space<vmem>>, vector<16xi32>,
      tpu.vector_store %arg10[%swap3A_1210, %swap3A_1211], %get3A_1208 {strides = array<i32>} : memref<6x128xi32, #tpu.memory_space<vmem>>, vector<16xi32>,
      %mul3A_1213 = arith.constant 128 : i32
      %mul3A_1214 = arith.muli %add3A_1192, %mul3A_1213 : i32
      %add3A_1215 = arith.constant 32 : i32
      %add3A_1216 = arith.addi %mul3A_1214, %add3A_1215 : i32
      %get3A_1217 = arith.index_cast %add3A_1216 : i32 to index
      %get3A_1218 = tpu.vector_load %arg9[%get3A_1217] {strides = array<i32>} : memref<5504xi32, #tpu.memory_space<vmem>>, vector<16xi32>,
      %swap3A_1219 = arith.constant 4 : i32
      %swap3A_1220 = arith.index_cast %swap3A_1219 : i32 to index
      %swap3A_1221 = arith.constant 32 : index
      %swap3A_1222 = tpu.vector_load %arg10[%swap3A_1220, %swap3A_1221] {strides = array<i32>} : memref<6x128xi32, #tpu.memory_space<vmem>>, vector<16xi32>,
      tpu.vector_store %arg10[%swap3A_1220, %swap3A_1221], %get3A_1218 {strides = array<i32>} : memref<6x128xi32, #tpu.memory_space<vmem>>, vector<16xi32>,
      %mul3A_1223 = arith.constant 128 : i32
      %mul3A_1224 = arith.muli %add3A_1192, %mul3A_1223 : i32
      %add3A_1225 = arith.constant 48 : i32
      %add3A_1226 = arith.addi %mul3A_1224, %add3A_1225 : i32
      %get3A_1227 = arith.index_cast %add3A_1226 : i32 to index
      %get3A_1228 = tpu.vector_load %arg9[%get3A_1227] {strides = array<i32>} : memref<5504xi32, #tpu.memory_space<vmem>>, vector<16xi32>,
      %swap3A_1229 = arith.constant 4 : i32
      %swap3A_1230 = arith.index_cast %swap3A_1229 : i32 to index
      %swap3A_1231 = arith.constant 48 : index
      %swap3A_1232 = tpu.vector_load %arg10[%swap3A_1230, %swap3A_1231] {strides = array<i32>} : memref<6x128xi32, #tpu.memory_space<vmem>>, vector<16xi32>,
      tpu.vector_store %arg10[%swap3A_1230, %swap3A_1231], %get3A_1228 {strides = array<i32>} : memref<6x128xi32, #tpu.memory_space<vmem>>, vector<16xi32>,
      %mul3A_1233 = arith.constant 128 : i32
      %mul3A_1234 = arith.muli %add3A_1192, %mul3A_1233 : i32
      %add3A_1235 = arith.constant 64 : i32
      %add3A_1236 = arith.addi %mul3A_1234, %add3A_1235 : i32
      %get3A_1237 = arith.index_cast %add3A_1236 : i32 to index
      %get3A_1238 = tpu.vector_load %arg9[%get3A_1237] {strides = array<i32>} : memref<5504xi32, #tpu.memory_space<vmem>>, vector<16xi32>,
      %swap3A_1239 = arith.constant 4 : i32
      %swap3A_1240 = arith.index_cast %swap3A_1239 : i32 to index
      %swap3A_1241 = arith.constant 64 : index
      %swap3A_1242 = tpu.vector_load %arg10[%swap3A_1240, %swap3A_1241] {strides = array<i32>} : memref<6x128xi32, #tpu.memory_space<vmem>>, vector<16xi32>,
      tpu.vector_store %arg10[%swap3A_1240, %swap3A_1241], %get3A_1238 {strides = array<i32>} : memref<6x128xi32, #tpu.memory_space<vmem>>, vector<16xi32>,
      %mul3A_1243 = arith.constant 128 : i32
      %mul3A_1244 = arith.muli %add3A_1192, %mul3A_1243 : i32
      %add3A_1245 = arith.constant 80 : i32
      %add3A_1246 = arith.addi %mul3A_1244, %add3A_1245 : i32
      %get3A_1247 = arith.index_cast %add3A_1246 : i32 to index
      %get3A_1248 = tpu.vector_load %arg9[%get3A_1247] {strides = array<i32>} : memref<5504xi32, #tpu.memory_space<vmem>>, vector<16xi32>,
      %swap3A_1249 = arith.constant 4 : i32
      %swap3A_1250 = arith.index_cast %swap3A_1249 : i32 to index
      %swap3A_1251 = arith.constant 80 : index
      %swap3A_1252 = tpu.vector_load %arg10[%swap3A_1250, %swap3A_1251] {strides = array<i32>} : memref<6x128xi32, #tpu.memory_space<vmem>>, vector<16xi32>,
      tpu.vector_store %arg10[%swap3A_1250, %swap3A_1251], %get3A_1248 {strides = array<i32>} : memref<6x128xi32, #tpu.memory_space<vmem>>, vector<16xi32>,
      %mul3A_1253 = arith.constant 128 : i32
      %mul3A_1254 = arith.muli %add3A_1192, %mul3A_1253 : i32
      %add3A_1255 = arith.constant 96 : i32
      %add3A_1256 = arith.addi %mul3A_1254, %add3A_1255 : i32
      %get3A_1257 = arith.index_cast %add3A_1256 : i32 to index
      %get3A_1258 = tpu.vector_load %arg9[%get3A_1257] {strides = array<i32>} : memref<5504xi32, #tpu.memory_space<vmem>>, vector<16xi32>,
      %swap3A_1259 = arith.constant 4 : i32
      %swap3A_1260 = arith.index_cast %swap3A_1259 : i32 to index
      %swap3A_1261 = arith.constant 96 : index
      %swap3A_1262 = tpu.vector_load %arg10[%swap3A_1260, %swap3A_1261] {strides = array<i32>} : memref<6x128xi32, #tpu.memory_space<vmem>>, vector<16xi32>,
      tpu.vector_store %arg10[%swap3A_1260, %swap3A_1261], %get3A_1258 {strides = array<i32>} : memref<6x128xi32, #tpu.memory_space<vmem>>, vector<16xi32>,
      %mul3A_1263 = arith.constant 128 : i32
      %mul3A_1264 = arith.muli %add3A_1192, %mul3A_1263 : i32
      %add3A_1265 = arith.constant 112 : i32
      %add3A_1266 = arith.addi %mul3A_1264, %add3A_1265 : i32
      %get3A_1267 = arith.index_cast %add3A_1266 : i32 to index
      %get3A_1268 = tpu.vector_load %arg9[%get3A_1267] {strides = array<i32>} : memref<5504xi32, #tpu.memory_space<vmem>>, vector<16xi32>,
      %swap3A_1269 = arith.constant 4 : i32
      %swap3A_1270 = arith.index_cast %swap3A_1269 : i32 to index
      %swap3A_1271 = arith.constant 112 : index
      %swap3A_1272 = tpu.vector_load %arg10[%swap3A_1270, %swap3A_1271] {strides = array<i32>} : memref<6x128xi32, #tpu.memory_space<vmem>>, vector<16xi32>,
      tpu.vector_store %arg10[%swap3A_1270, %swap3A_1271], %get3A_1268 {strides = array<i32>} : memref<6x128xi32, #tpu.memory_space<vmem>>, vector<16xi32>,
      %mul3A_1273 = arith.constant 3 : i32
      %mul3A_1274 = arith.muli %add3A_1053, %mul3A_1273 : i32
      %add3A_1275 = arith.constant 2 : i32
      %add3A_1276 = arith.addi %mul3A_1274, %add3A_1275 : i32
      %mul3A_1277 = arith.constant 128 : i32
      %mul3A_1278 = arith.muli %add3A_1276, %mul3A_1277 : i32
      %add3A_1279 = arith.constant 0 : i32
      %add3A_1280 = arith.addi %mul3A_1278, %add3A_1279 : i32
      %get3A_1281 = arith.index_cast %add3A_1280 : i32 to index
      %get3A_1282 = tpu.vector_load %arg9[%get3A_1281] {strides = array<i32>} : memref<5504xi32, #tpu.memory_space<vmem>>, vector<16xi32>,
      %swap3A_1283 = arith.constant 5 : i32
      %swap3A_1284 = arith.index_cast %swap3A_1283 : i32 to index
      %swap3A_1285 = arith.constant 0 : index
      %swap3A_1286 = tpu.vector_load %arg10[%swap3A_1284, %swap3A_1285] {strides = array<i32>} : memref<6x128xi32, #tpu.memory_space<vmem>>, vector<16xi32>,
      tpu.vector_store %arg10[%swap3A_1284, %swap3A_1285], %get3A_1282 {strides = array<i32>} : memref<6x128xi32, #tpu.memory_space<vmem>>, vector<16xi32>,
      %mul3A_1287 = arith.constant 128 : i32
      %mul3A_1288 = arith.muli %add3A_1276, %mul3A_1287 : i32
      %add3A_1289 = arith.constant 16 : i32
      %add3A_1290 = arith.addi %mul3A_1288, %add3A_1289 : i32
      %get3A_1291 = arith.index_cast %add3A_1290 : i32 to index
      %get3A_1292 = tpu.vector_load %arg9[%get3A_1291] {strides = array<i32>} : memref<5504xi32, #tpu.memory_space<vmem>>, vector<16xi32>,
      %swap3A_1293 = arith.constant 5 : i32
      %swap3A_1294 = arith.index_cast %swap3A_1293 : i32 to index
      %swap3A_1295 = arith.constant 16 : index
      %swap3A_1296 = tpu.vector_load %arg10[%swap3A_1294, %swap3A_1295] {strides = array<i32>} : memref<6x128xi32, #tpu.memory_space<vmem>>, vector<16xi32>,
      tpu.vector_store %arg10[%swap3A_1294, %swap3A_1295], %get3A_1292 {strides = array<i32>} : memref<6x128xi32, #tpu.memory_space<vmem>>, vector<16xi32>,
      %mul3A_1297 = arith.constant 128 : i32
      %mul3A_1298 = arith.muli %add3A_1276, %mul3A_1297 : i32
      %add3A_1299 = arith.constant 32 : i32
      %add3A_1300 = arith.addi %mul3A_1298, %add3A_1299 : i32
      %get3A_1301 = arith.index_cast %add3A_1300 : i32 to index
      %get3A_1302 = tpu.vector_load %arg9[%get3A_1301] {strides = array<i32>} : memref<5504xi32, #tpu.memory_space<vmem>>, vector<16xi32>,
      %swap3A_1303 = arith.constant 5 : i32
      %swap3A_1304 = arith.index_cast %swap3A_1303 : i32 to index
      %swap3A_1305 = arith.constant 32 : index
      %swap3A_1306 = tpu.vector_load %arg10[%swap3A_1304, %swap3A_1305] {strides = array<i32>} : memref<6x128xi32, #tpu.memory_space<vmem>>, vector<16xi32>,
      tpu.vector_store %arg10[%swap3A_1304, %swap3A_1305], %get3A_1302 {strides = array<i32>} : memref<6x128xi32, #tpu.memory_space<vmem>>, vector<16xi32>,
      %mul3A_1307 = arith.constant 128 : i32
      %mul3A_1308 = arith.muli %add3A_1276, %mul3A_1307 : i32
      %add3A_1309 = arith.constant 48 : i32
      %add3A_1310 = arith.addi %mul3A_1308, %add3A_1309 : i32
      %get3A_1311 = arith.index_cast %add3A_1310 : i32 to index
      %get3A_1312 = tpu.vector_load %arg9[%get3A_1311] {strides = array<i32>} : memref<5504xi32, #tpu.memory_space<vmem>>, vector<16xi32>,
      %swap3A_1313 = arith.constant 5 : i32
      %swap3A_1314 = arith.index_cast %swap3A_1313 : i32 to index
      %swap3A_1315 = arith.constant 48 : index
      %swap3A_1316 = tpu.vector_load %arg10[%swap3A_1314, %swap3A_1315] {strides = array<i32>} : memref<6x128xi32, #tpu.memory_space<vmem>>, vector<16xi32>,
      tpu.vector_store %arg10[%swap3A_1314, %swap3A_1315], %get3A_1312 {strides = array<i32>} : memref<6x128xi32, #tpu.memory_space<vmem>>, vector<16xi32>,
      %mul3A_1317 = arith.constant 128 : i32
      %mul3A_1318 = arith.muli %add3A_1276, %mul3A_1317 : i32
      %add3A_1319 = arith.constant 64 : i32
      %add3A_1320 = arith.addi %mul3A_1318, %add3A_1319 : i32
      %get3A_1321 = arith.index_cast %add3A_1320 : i32 to index
      %get3A_1322 = tpu.vector_load %arg9[%get3A_1321] {strides = array<i32>} : memref<5504xi32, #tpu.memory_space<vmem>>, vector<16xi32>,
      %swap3A_1323 = arith.constant 5 : i32
      %swap3A_1324 = arith.index_cast %swap3A_1323 : i32 to index
      %swap3A_1325 = arith.constant 64 : index
      %swap3A_1326 = tpu.vector_load %arg10[%swap3A_1324, %swap3A_1325] {strides = array<i32>} : memref<6x128xi32, #tpu.memory_space<vmem>>, vector<16xi32>,
      tpu.vector_store %arg10[%swap3A_1324, %swap3A_1325], %get3A_1322 {strides = array<i32>} : memref<6x128xi32, #tpu.memory_space<vmem>>, vector<16xi32>,
      %mul3A_1327 = arith.constant 128 : i32
      %mul3A_1328 = arith.muli %add3A_1276, %mul3A_1327 : i32
      %add3A_1329 = arith.constant 80 : i32
      %add3A_1330 = arith.addi %mul3A_1328, %add3A_1329 : i32
      %get3A_1331 = arith.index_cast %add3A_1330 : i32 to index
      %get3A_1332 = tpu.vector_load %arg9[%get3A_1331] {strides = array<i32>} : memref<5504xi32, #tpu.memory_space<vmem>>, vector<16xi32>,
      %swap3A_1333 = arith.constant 5 : i32
      %swap3A_1334 = arith.index_cast %swap3A_1333 : i32 to index
      %swap3A_1335 = arith.constant 80 : index
      %swap3A_1336 = tpu.vector_load %arg10[%swap3A_1334, %swap3A_1335] {strides = array<i32>} : memref<6x128xi32, #tpu.memory_space<vmem>>, vector<16xi32>,
      tpu.vector_store %arg10[%swap3A_1334, %swap3A_1335], %get3A_1332 {strides = array<i32>} : memref<6x128xi32, #tpu.memory_space<vmem>>, vector<16xi32>,
      %mul3A_1337 = arith.constant 128 : i32
      %mul3A_1338 = arith.muli %add3A_1276, %mul3A_1337 : i32
      %add3A_1339 = arith.constant 96 : i32
      %add3A_1340 = arith.addi %mul3A_1338, %add3A_1339 : i32
      %get3A_1341 = arith.index_cast %add3A_1340 : i32 to index
      %get3A_1342 = tpu.vector_load %arg9[%get3A_1341] {strides = array<i32>} : memref<5504xi32, #tpu.memory_space<vmem>>, vector<16xi32>,
      %swap3A_1343 = arith.constant 5 : i32
      %swap3A_1344 = arith.index_cast %swap3A_1343 : i32 to index
      %swap3A_1345 = arith.constant 96 : index
      %swap3A_1346 = tpu.vector_load %arg10[%swap3A_1344, %swap3A_1345] {strides = array<i32>} : memref<6x128xi32, #tpu.memory_space<vmem>>, vector<16xi32>,
      tpu.vector_store %arg10[%swap3A_1344, %swap3A_1345], %get3A_1342 {strides = array<i32>} : memref<6x128xi32, #tpu.memory_space<vmem>>, vector<16xi32>,
      %mul3A_1347 = arith.constant 128 : i32
      %mul3A_1348 = arith.muli %add3A_1276, %mul3A_1347 : i32
      %add3A_1349 = arith.constant 112 : i32
      %add3A_1350 = arith.addi %mul3A_1348, %add3A_1349 : i32
      %get3A_1351 = arith.index_cast %add3A_1350 : i32 to index
      %get3A_1352 = tpu.vector_load %arg9[%get3A_1351] {strides = array<i32>} : memref<5504xi32, #tpu.memory_space<vmem>>, vector<16xi32>,
      %swap3A_1353 = arith.constant 5 : i32
      %swap3A_1354 = arith.index_cast %swap3A_1353 : i32 to index
      %swap3A_1355 = arith.constant 112 : index
      %swap3A_1356 = tpu.vector_load %arg10[%swap3A_1354, %swap3A_1355] {strides = array<i32>} : memref<6x128xi32, #tpu.memory_space<vmem>>, vector<16xi32>,
      tpu.vector_store %arg10[%swap3A_1354, %swap3A_1355], %get3A_1352 {strides = array<i32>} : memref<6x128xi32, #tpu.memory_space<vmem>>, vector<16xi32>,
      %dma_start3A_1357 = arith.constant 3 : i32
      %dma_start3A_1358 = arith.constant 384 : i32
      %dma_start3A_1359 = arith.constant 0 : i32
      %dma_start3A_1360 = tpu.memref_slice %arg11[%dma_start3A_1358, %dma_start3A_1359] : memref<768x128xf32, #tpu.memory_space<vmem>> -> memref<128x128xf32, #tpu.memory_space<vmem>>
      %dma_start3A_1361 = arith.constant 0 : i32
      %dma_start3A_1362 = tpu.memref_slice %arg10[%dma_start3A_1357, %dma_start3A_1361] : memref<6x128xi32, #tpu.memory_space<vmem>> -> memref<1x128xi32, #tpu.memory_space<vmem>>
      %dma_start3A_1363 = tpu.memref_squeeze %dma_start3A_1362 : memref<1x128xi32, #tpu.memory_space<vmem>> -> memref<128xi32, #tpu.memory_space<vmem>>
      %dma_start3A_1364 = arith.constant 0 : i32
      %dma_start3A_1365 = arith.constant 0 : i32
      %dma_start3A_1366 = tpu.memref_slice %arg13[%dma_start3A_1364, %dma_start3A_1365] : memref<64x128xf32, #tpu.memory_space<vmem_shared>> -> memref<64x128xf32, #tpu.memory_space<vmem_shared>>
      tpu.enqueue_indirect_dma source(%dma_start3A_1360 : memref<128x128xf32, #tpu.memory_space<vmem>>) target(%dma_start3A_1366 : memref<64x128xf32, #tpu.memory_space<vmem_shared>>) offsets(%dma_start3A_1363 : memref<128xi32, #tpu.memory_space<vmem>>) semaphore(%arg17 : memref<!tpu.dma_semaphore, #tpu.memory_space<semaphore_mem>>) {add = true}
      %dma_start3A_1367 = arith.constant 4 : i32
      %dma_start3A_1368 = arith.constant 512 : i32
      %dma_start3A_1369 = arith.constant 0 : i32
      %dma_start3A_1370 = tpu.memref_slice %arg11[%dma_start3A_1368, %dma_start3A_1369] : memref<768x128xf32, #tpu.memory_space<vmem>> -> memref<128x128xf32, #tpu.memory_space<vmem>>
      %dma_start3A_1371 = arith.constant 0 : i32
      %dma_start3A_1372 = tpu.memref_slice %arg10[%dma_start3A_1367, %dma_start3A_1371] : memref<6x128xi32, #tpu.memory_space<vmem>> -> memref<1x128xi32, #tpu.memory_space<vmem>>
      %dma_start3A_1373 = tpu.memref_squeeze %dma_start3A_1372 : memref<1x128xi32, #tpu.memory_space<vmem>> -> memref<128xi32, #tpu.memory_space<vmem>>
      %dma_start3A_1374 = arith.constant 0 : i32
      %dma_start3A_1375 = arith.constant 0 : i32
      %dma_start3A_1376 = tpu.memref_slice %arg13[%dma_start3A_1374, %dma_start3A_1375] : memref<64x128xf32, #tpu.memory_space<vmem_shared>> -> memref<64x128xf32, #tpu.memory_space<vmem_shared>>
      tpu.enqueue_indirect_dma source(%dma_start3A_1370 : memref<128x128xf32, #tpu.memory_space<vmem>>) target(%dma_start3A_1376 : memref<64x128xf32, #tpu.memory_space<vmem_shared>>) offsets(%dma_start3A_1373 : memref<128xi32, #tpu.memory_space<vmem>>) semaphore(%arg17 : memref<!tpu.dma_semaphore, #tpu.memory_space<semaphore_mem>>) {add = true}
      %dma_start3A_1377 = arith.constant 5 : i32
      %dma_start3A_1378 = arith.constant 640 : i32
      %dma_start3A_1379 = arith.constant 0 : i32
      %dma_start3A_1380 = tpu.memref_slice %arg11[%dma_start3A_1378, %dma_start3A_1379] : memref<768x128xf32, #tpu.memory_space<vmem>> -> memref<128x128xf32, #tpu.memory_space<vmem>>
      %dma_start3A_1381 = arith.constant 0 : i32
      %dma_start3A_1382 = tpu.memref_slice %arg10[%dma_start3A_1377, %dma_start3A_1381] : memref<6x128xi32, #tpu.memory_space<vmem>> -> memref<1x128xi32, #tpu.memory_space<vmem>>
      %dma_start3A_1383 = tpu.memref_squeeze %dma_start3A_1382 : memref<1x128xi32, #tpu.memory_space<vmem>> -> memref<128xi32, #tpu.memory_space<vmem>>
      %dma_start3A_1384 = arith.constant 0 : i32
      %dma_start3A_1385 = arith.constant 0 : i32
      %dma_start3A_1386 = tpu.memref_slice %arg13[%dma_start3A_1384, %dma_start3A_1385] : memref<64x128xf32, #tpu.memory_space<vmem_shared>> -> memref<64x128xf32, #tpu.memory_space<vmem_shared>>
      tpu.enqueue_indirect_dma source(%dma_start3A_1380 : memref<128x128xf32, #tpu.memory_space<vmem>>) target(%dma_start3A_1386 : memref<64x128xf32, #tpu.memory_space<vmem_shared>>) offsets(%dma_start3A_1383 : memref<128xi32, #tpu.memory_space<vmem>>) semaphore(%arg17 : memref<!tpu.dma_semaphore, #tpu.memory_space<semaphore_mem>>) {add = true}
      %dma_wait3A_1387 = arith.constant 3 : i32
      %dma_wait3A_1388 = arith.constant 384 : i32
      %dma_wait3A_1389 = arith.constant 0 : i32
      %dma_wait3A_1390 = tpu.memref_slice %arg11[%dma_wait3A_1388, %dma_wait3A_1389] : memref<768x128xf32, #tpu.memory_space<vmem>> -> memref<128x128xf32, #tpu.memory_space<vmem>>
      %dma_wait3A_1391 = arith.constant 0 : i32
      %dma_wait3A_1392 = tpu.memref_slice %arg10[%dma_wait3A_1387, %dma_wait3A_1391] : memref<6x128xi32, #tpu.memory_space<vmem>> -> memref<1x128xi32, #tpu.memory_space<vmem>>
      %dma_wait3A_1393 = tpu.memref_squeeze %dma_wait3A_1392 : memref<1x128xi32, #tpu.memory_space<vmem>> -> memref<128xi32, #tpu.memory_space<vmem>>
      %dma_wait3A_1394 = arith.constant 0 : i32
      %dma_wait3A_1395 = arith.constant 0 : i32
      %dma_wait3A_1396 = tpu.memref_slice %arg13[%dma_wait3A_1394, %dma_wait3A_1395] : memref<64x128xf32, #tpu.memory_space<vmem_shared>> -> memref<64x128xf32, #tpu.memory_space<vmem_shared>>
      tpu.wait_indirect_dma semaphore(%arg17 : memref<!tpu.dma_semaphore, #tpu.memory_space<semaphore_mem>>) src(%dma_wait3A_1390 : memref<128x128xf32, #tpu.memory_space<vmem>>) dst(%dma_wait3A_1396 : memref<64x128xf32, #tpu.memory_space<vmem_shared>>)
      %dma_wait3A_1397 = arith.constant 4 : i32
      %dma_wait3A_1398 = arith.constant 512 : i32
      %dma_wait3A_1399 = arith.constant 0 : i32
      %dma_wait3A_1400 = tpu.memref_slice %arg11[%dma_wait3A_1398, %dma_wait3A_1399] : memref<768x128xf32, #tpu.memory_space<vmem>> -> memref<128x128xf32, #tpu.memory_space<vmem>>
      %dma_wait3A_1401 = arith.constant 0 : i32
      %dma_wait3A_1402 = tpu.memref_slice %arg10[%dma_wait3A_1397, %dma_wait3A_1401] : memref<6x128xi32, #tpu.memory_space<vmem>> -> memref<1x128xi32, #tpu.memory_space<vmem>>
      %dma_wait3A_1403 = tpu.memref_squeeze %dma_wait3A_1402 : memref<1x128xi32, #tpu.memory_space<vmem>> -> memref<128xi32, #tpu.memory_space<vmem>>
      %dma_wait3A_1404 = arith.constant 0 : i32
      %dma_wait3A_1405 = arith.constant 0 : i32
      %dma_wait3A_1406 = tpu.memref_slice %arg13[%dma_wait3A_1404, %dma_wait3A_1405] : memref<64x128xf32, #tpu.memory_space<vmem_shared>> -> memref<64x128xf32, #tpu.memory_space<vmem_shared>>
      tpu.wait_indirect_dma semaphore(%arg17 : memref<!tpu.dma_semaphore, #tpu.memory_space<semaphore_mem>>) src(%dma_wait3A_1400 : memref<128x128xf32, #tpu.memory_space<vmem>>) dst(%dma_wait3A_1406 : memref<64x128xf32, #tpu.memory_space<vmem_shared>>)
      %dma_wait3A_1407 = arith.constant 5 : i32
      %dma_wait3A_1408 = arith.constant 640 : i32
      %dma_wait3A_1409 = arith.constant 0 : i32
      %dma_wait3A_1410 = tpu.memref_slice %arg11[%dma_wait3A_1408, %dma_wait3A_1409] : memref<768x128xf32, #tpu.memory_space<vmem>> -> memref<128x128xf32, #tpu.memory_space<vmem>>
      %dma_wait3A_1411 = arith.constant 0 : i32
      %dma_wait3A_1412 = tpu.memref_slice %arg10[%dma_wait3A_1407, %dma_wait3A_1411] : memref<6x128xi32, #tpu.memory_space<vmem>> -> memref<1x128xi32, #tpu.memory_space<vmem>>
      %dma_wait3A_1413 = tpu.memref_squeeze %dma_wait3A_1412 : memref<1x128xi32, #tpu.memory_space<vmem>> -> memref<128xi32, #tpu.memory_space<vmem>>
      %dma_wait3A_1414 = arith.constant 0 : i32
      %dma_wait3A_1415 = arith.constant 0 : i32
      %dma_wait3A_1416 = tpu.memref_slice %arg13[%dma_wait3A_1414, %dma_wait3A_1415] : memref<64x128xf32, #tpu.memory_space<vmem_shared>> -> memref<64x128xf32, #tpu.memory_space<vmem_shared>>
      tpu.wait_indirect_dma semaphore(%arg17 : memref<!tpu.dma_semaphore, #tpu.memory_space<semaphore_mem>>) src(%dma_wait3A_1410 : memref<128x128xf32, #tpu.memory_space<vmem>>) dst(%dma_wait3A_1416 : memref<64x128xf32, #tpu.memory_space<vmem_shared>>)
      %add3A_1417 = arith.constant 2 : i32
      %add3A_1418 = arith.addi %add3A_1053, %add3A_1417 : i32
      %mul3A_1419 = arith.constant 3 : i32
      %mul3A_1420 = arith.muli %add3A_1418, %mul3A_1419 : i32
      %add3A_1421 = arith.constant 0 : i32
      %add3A_1422 = arith.addi %mul3A_1420, %add3A_1421 : i32
      %add3A_1423 = arith.addi %add3A_4, %add3A_1422 : i32
      %mul3A_1424 = arith.constant 128 : i32
      %mul3A_1425 = arith.muli %add3A_1423, %mul3A_1424 : i32
      %dma_start3A_1426 = arith.constant 384 : i32
      %dma_start3A_1427 = arith.constant 0 : i32
      %dma_start3A_1428 = tpu.memref_slice %arg11[%dma_start3A_1426, %dma_start3A_1427] : memref<768x128xf32, #tpu.memory_space<vmem>> -> memref<128x128xf32, #tpu.memory_space<vmem>>
      %dma_start3A_1429 = arith.constant 0 : i32
      %dma_start3A_1430 = tpu.memref_slice %arg2[%mul3A_1425, %dma_start3A_1429] : memref<320000x128xf32, #tpu.memory_space<hbm>> -> memref<128x128xf32, #tpu.memory_space<hbm>>
      %dma_start3A_1431 = arith.constant 384 : i32
      %dma_start3A_1432 = arith.constant 0 : i32
      %dma_start3A_1433 = tpu.memref_slice %arg11[%dma_start3A_1431, %dma_start3A_1432] : memref<768x128xf32, #tpu.memory_space<vmem>> -> memref<128x128xf32, #tpu.memory_space<vmem>>
      %dma_start3A_1434 = arith.constant 0 : i32
      %dma_start3A_1435 = tpu.memref_slice %arg2[%mul3A_1425, %dma_start3A_1434] : memref<320000x128xf32, #tpu.memory_space<hbm>> -> memref<128x128xf32, #tpu.memory_space<hbm>>
      tpu.enqueue_dma source(%dma_start3A_1435 : memref<128x128xf32, #tpu.memory_space<hbm>>) target(%dma_start3A_1433 : memref<128x128xf32, #tpu.memory_space<vmem>>) target_semaphore(%arg15 : memref<!tpu.dma_semaphore, #tpu.memory_space<semaphore_mem>>)
      %mul3A_1436 = arith.constant 3 : i32
      %mul3A_1437 = arith.muli %add3A_1418, %mul3A_1436 : i32
      %add3A_1438 = arith.constant 1 : i32
      %add3A_1439 = arith.addi %mul3A_1437, %add3A_1438 : i32
      %add3A_1440 = arith.addi %add3A_4, %add3A_1439 : i32
      %mul3A_1441 = arith.constant 128 : i32
      %mul3A_1442 = arith.muli %add3A_1440, %mul3A_1441 : i32
      %dma_start3A_1443 = arith.constant 512 : i32
      %dma_start3A_1444 = arith.constant 0 : i32
      %dma_start3A_1445 = tpu.memref_slice %arg11[%dma_start3A_1443, %dma_start3A_1444] : memref<768x128xf32, #tpu.memory_space<vmem>> -> memref<128x128xf32, #tpu.memory_space<vmem>>
      %dma_start3A_1446 = arith.constant 0 : i32
      %dma_start3A_1447 = tpu.memref_slice %arg2[%mul3A_1442, %dma_start3A_1446] : memref<320000x128xf32, #tpu.memory_space<hbm>> -> memref<128x128xf32, #tpu.memory_space<hbm>>
      %dma_start3A_1448 = arith.constant 512 : i32
      %dma_start3A_1449 = arith.constant 0 : i32
      %dma_start3A_1450 = tpu.memref_slice %arg11[%dma_start3A_1448, %dma_start3A_1449] : memref<768x128xf32, #tpu.memory_space<vmem>> -> memref<128x128xf32, #tpu.memory_space<vmem>>
      %dma_start3A_1451 = arith.constant 0 : i32
      %dma_start3A_1452 = tpu.memref_slice %arg2[%mul3A_1442, %dma_start3A_1451] : memref<320000x128xf32, #tpu.memory_space<hbm>> -> memref<128x128xf32, #tpu.memory_space<hbm>>
      tpu.enqueue_dma source(%dma_start3A_1452 : memref<128x128xf32, #tpu.memory_space<hbm>>) target(%dma_start3A_1450 : memref<128x128xf32, #tpu.memory_space<vmem>>) target_semaphore(%arg15 : memref<!tpu.dma_semaphore, #tpu.memory_space<semaphore_mem>>)
      %mul3A_1453 = arith.constant 3 : i32
      %mul3A_1454 = arith.muli %add3A_1418, %mul3A_1453 : i32
      %add3A_1455 = arith.constant 2 : i32
      %add3A_1456 = arith.addi %mul3A_1454, %add3A_1455 : i32
      %add3A_1457 = arith.addi %add3A_4, %add3A_1456 : i32
      %mul3A_1458 = arith.constant 128 : i32
      %mul3A_1459 = arith.muli %add3A_1457, %mul3A_1458 : i32
      %dma_start3A_1460 = arith.constant 640 : i32
      %dma_start3A_1461 = arith.constant 0 : i32
      %dma_start3A_1462 = tpu.memref_slice %arg11[%dma_start3A_1460, %dma_start3A_1461] : memref<768x128xf32, #tpu.memory_space<vmem>> -> memref<128x128xf32, #tpu.memory_space<vmem>>
      %dma_start3A_1463 = arith.constant 0 : i32
      %dma_start3A_1464 = tpu.memref_slice %arg2[%mul3A_1459, %dma_start3A_1463] : memref<320000x128xf32, #tpu.memory_space<hbm>> -> memref<128x128xf32, #tpu.memory_space<hbm>>
      %dma_start3A_1465 = arith.constant 640 : i32
      %dma_start3A_1466 = arith.constant 0 : i32
      %dma_start3A_1467 = tpu.memref_slice %arg11[%dma_start3A_1465, %dma_start3A_1466] : memref<768x128xf32, #tpu.memory_space<vmem>> -> memref<128x128xf32, #tpu.memory_space<vmem>>
      %dma_start3A_1468 = arith.constant 0 : i32
      %dma_start3A_1469 = tpu.memref_slice %arg2[%mul3A_1459, %dma_start3A_1468] : memref<320000x128xf32, #tpu.memory_space<hbm>> -> memref<128x128xf32, #tpu.memory_space<hbm>>
      tpu.enqueue_dma source(%dma_start3A_1469 : memref<128x128xf32, #tpu.memory_space<hbm>>) target(%dma_start3A_1467 : memref<128x128xf32, #tpu.memory_space<vmem>>) target_semaphore(%arg15 : memref<!tpu.dma_semaphore, #tpu.memory_space<semaphore_mem>>)
    }
    %scan3A_127 = arith.constant 6 : i32
    %add3A_128 = arith.constant 36 : i32
    %add3A_129 = arith.addi %add3A_4, %add3A_128 : i32
    %mul3A_130 = arith.constant 128 : i32
    %mul3A_131 = arith.muli %add3A_129, %mul3A_130 : i32
    %dma_wait3A = arith.constant 0 : i32
    %dma_wait3A_132 = arith.constant 0 : i32
    %dma_wait3A_133 = tpu.memref_slice %arg11[%dma_wait3A, %dma_wait3A_132] : memref<768x128xf32, #tpu.memory_space<vmem>> -> memref<128x128xf32, #tpu.memory_space<vmem>>
    %dma_wait3A_134 = arith.constant 0 : i32
    %dma_wait3A_135 = tpu.memref_slice %arg2[%mul3A_131, %dma_wait3A_134] : memref<320000x128xf32, #tpu.memory_space<hbm>> -> memref<128x128xf32, #tpu.memory_space<hbm>>
    %dma_wait3A_136 = arith.constant 0 : i32
    %dma_wait3A_137 = arith.constant 0 : i32
    %dma_wait3A_138 = tpu.memref_slice %arg11[%dma_wait3A_136, %dma_wait3A_137] : memref<768x128xf32, #tpu.memory_space<vmem>> -> memref<128x128xf32, #tpu.memory_space<vmem>>
    %dma_wait3A_139 = arith.constant 0 : i32
    %dma_wait3A_140 = tpu.memref_slice %arg2[%mul3A_131, %dma_wait3A_139] : memref<320000x128xf32, #tpu.memory_space<hbm>> -> memref<128x128xf32, #tpu.memory_space<hbm>>
    tpu.wait_dma2 semaphore(%arg14 : memref<!tpu.dma_semaphore, #tpu.memory_space<semaphore_mem>>) src(%dma_wait3A_140 : memref<128x128xf32, #tpu.memory_space<hbm>>) dst(%dma_wait3A_138 : memref<128x128xf32, #tpu.memory_space<vmem>>)
    %add3A_141 = arith.constant 37 : i32
    %add3A_142 = arith.addi %add3A_4, %add3A_141 : i32
    %mul3A_143 = arith.constant 128 : i32
    %mul3A_144 = arith.muli %add3A_142, %mul3A_143 : i32
    %dma_wait3A_145 = arith.constant 128 : i32
    %dma_wait3A_146 = arith.constant 0 : i32
    %dma_wait3A_147 = tpu.memref_slice %arg11[%dma_wait3A_145, %dma_wait3A_146] : memref<768x128xf32, #tpu.memory_space<vmem>> -> memref<128x128xf32, #tpu.memory_space<vmem>>
    %dma_wait3A_148 = arith.constant 0 : i32
    %dma_wait3A_149 = tpu.memref_slice %arg2[%mul3A_144, %dma_wait3A_148] : memref<320000x128xf32, #tpu.memory_space<hbm>> -> memref<128x128xf32, #tpu.memory_space<hbm>>
    %dma_wait3A_150 = arith.constant 128 : i32
    %dma_wait3A_151 = arith.constant 0 : i32
    %dma_wait3A_152 = tpu.memref_slice %arg11[%dma_wait3A_150, %dma_wait3A_151] : memref<768x128xf32, #tpu.memory_space<vmem>> -> memref<128x128xf32, #tpu.memory_space<vmem>>
    %dma_wait3A_153 = arith.constant 0 : i32
    %dma_wait3A_154 = tpu.memref_slice %arg2[%mul3A_144, %dma_wait3A_153] : memref<320000x128xf32, #tpu.memory_space<hbm>> -> memref<128x128xf32, #tpu.memory_space<hbm>>
    tpu.wait_dma2 semaphore(%arg14 : memref<!tpu.dma_semaphore, #tpu.memory_space<semaphore_mem>>) src(%dma_wait3A_154 : memref<128x128xf32, #tpu.memory_space<hbm>>) dst(%dma_wait3A_152 : memref<128x128xf32, #tpu.memory_space<vmem>>)
    %add3A_155 = arith.constant 38 : i32
    %add3A_156 = arith.addi %add3A_4, %add3A_155 : i32
    %mul3A_157 = arith.constant 128 : i32
    %mul3A_158 = arith.muli %add3A_156, %mul3A_157 : i32
    %dma_wait3A_159 = arith.constant 256 : i32
    %dma_wait3A_160 = arith.constant 0 : i32
    %dma_wait3A_161 = tpu.memref_slice %arg11[%dma_wait3A_159, %dma_wait3A_160] : memref<768x128xf32, #tpu.memory_space<vmem>> -> memref<128x128xf32, #tpu.memory_space<vmem>>
    %dma_wait3A_162 = arith.constant 0 : i32
    %dma_wait3A_163 = tpu.memref_slice %arg2[%mul3A_158, %dma_wait3A_162] : memref<320000x128xf32, #tpu.memory_space<hbm>> -> memref<128x128xf32, #tpu.memory_space<hbm>>
    %dma_wait3A_164 = arith.constant 256 : i32
    %dma_wait3A_165 = arith.constant 0 : i32
    %dma_wait3A_166 = tpu.memref_slice %arg11[%dma_wait3A_164, %dma_wait3A_165] : memref<768x128xf32, #tpu.memory_space<vmem>> -> memref<128x128xf32, #tpu.memory_space<vmem>>
    %dma_wait3A_167 = arith.constant 0 : i32
    %dma_wait3A_168 = tpu.memref_slice %arg2[%mul3A_158, %dma_wait3A_167] : memref<320000x128xf32, #tpu.memory_space<hbm>> -> memref<128x128xf32, #tpu.memory_space<hbm>>
    tpu.wait_dma2 semaphore(%arg14 : memref<!tpu.dma_semaphore, #tpu.memory_space<semaphore_mem>>) src(%dma_wait3A_168 : memref<128x128xf32, #tpu.memory_space<hbm>>) dst(%dma_wait3A_166 : memref<128x128xf32, #tpu.memory_space<vmem>>)
    %get3A = arith.constant 4608 : index
    %get3A_169 = tpu.vector_load %arg9[%get3A] {strides = array<i32>} : memref<5504xi32, #tpu.memory_space<vmem>>, vector<16xi32>,
    %swap3A_170 = arith.constant 0 : i32
    %swap3A_171 = arith.index_cast %swap3A_170 : i32 to index
    %swap3A_172 = arith.constant 0 : index
    %swap3A_173 = tpu.vector_load %arg10[%swap3A_171, %swap3A_172] {strides = array<i32>} : memref<6x128xi32, #tpu.memory_space<vmem>>, vector<16xi32>,
    tpu.vector_store %arg10[%swap3A_171, %swap3A_172], %get3A_169 {strides = array<i32>} : memref<6x128xi32, #tpu.memory_space<vmem>>, vector<16xi32>,
    %get3A_174 = arith.constant 4624 : index
    %get3A_175 = tpu.vector_load %arg9[%get3A_174] {strides = array<i32>} : memref<5504xi32, #tpu.memory_space<vmem>>, vector<16xi32>,
    %swap3A_176 = arith.constant 0 : i32
    %swap3A_177 = arith.index_cast %swap3A_176 : i32 to index
    %swap3A_178 = arith.constant 16 : index
    %swap3A_179 = tpu.vector_load %arg10[%swap3A_177, %swap3A_178] {strides = array<i32>} : memref<6x128xi32, #tpu.memory_space<vmem>>, vector<16xi32>,
    tpu.vector_store %arg10[%swap3A_177, %swap3A_178], %get3A_175 {strides = array<i32>} : memref<6x128xi32, #tpu.memory_space<vmem>>, vector<16xi32>,
    %get3A_180 = arith.constant 4640 : index
    %get3A_181 = tpu.vector_load %arg9[%get3A_180] {strides = array<i32>} : memref<5504xi32, #tpu.memory_space<vmem>>, vector<16xi32>,
    %swap3A_182 = arith.constant 0 : i32
    %swap3A_183 = arith.index_cast %swap3A_182 : i32 to index
    %swap3A_184 = arith.constant 32 : index
    %swap3A_185 = tpu.vector_load %arg10[%swap3A_183, %swap3A_184] {strides = array<i32>} : memref<6x128xi32, #tpu.memory_space<vmem>>, vector<16xi32>,
    tpu.vector_store %arg10[%swap3A_183, %swap3A_184], %get3A_181 {strides = array<i32>} : memref<6x128xi32, #tpu.memory_space<vmem>>, vector<16xi32>,
    %get3A_186 = arith.constant 4656 : index
    %get3A_187 = tpu.vector_load %arg9[%get3A_186] {strides = array<i32>} : memref<5504xi32, #tpu.memory_space<vmem>>, vector<16xi32>,
    %swap3A_188 = arith.constant 0 : i32
    %swap3A_189 = arith.index_cast %swap3A_188 : i32 to index
    %swap3A_190 = arith.constant 48 : index
    %swap3A_191 = tpu.vector_load %arg10[%swap3A_189, %swap3A_190] {strides = array<i32>} : memref<6x128xi32, #tpu.memory_space<vmem>>, vector<16xi32>,
    tpu.vector_store %arg10[%swap3A_189, %swap3A_190], %get3A_187 {strides = array<i32>} : memref<6x128xi32, #tpu.memory_space<vmem>>, vector<16xi32>,
    %get3A_192 = arith.constant 4672 : index
    %get3A_193 = tpu.vector_load %arg9[%get3A_192] {strides = array<i32>} : memref<5504xi32, #tpu.memory_space<vmem>>, vector<16xi32>,
    %swap3A_194 = arith.constant 0 : i32
    %swap3A_195 = arith.index_cast %swap3A_194 : i32 to index
    %swap3A_196 = arith.constant 64 : index
    %swap3A_197 = tpu.vector_load %arg10[%swap3A_195, %swap3A_196] {strides = array<i32>} : memref<6x128xi32, #tpu.memory_space<vmem>>, vector<16xi32>,
    tpu.vector_store %arg10[%swap3A_195, %swap3A_196], %get3A_193 {strides = array<i32>} : memref<6x128xi32, #tpu.memory_space<vmem>>, vector<16xi32>,
    %get3A_198 = arith.constant 4688 : index
    %get3A_199 = tpu.vector_load %arg9[%get3A_198] {strides = array<i32>} : memref<5504xi32, #tpu.memory_space<vmem>>, vector<16xi32>,
    %swap3A_200 = arith.constant 0 : i32
    %swap3A_201 = arith.index_cast %swap3A_200 : i32 to index
    %swap3A_202 = arith.constant 80 : index
    %swap3A_203 = tpu.vector_load %arg10[%swap3A_201, %swap3A_202] {strides = array<i32>} : memref<6x128xi32, #tpu.memory_space<vmem>>, vector<16xi32>,
    tpu.vector_store %arg10[%swap3A_201, %swap3A_202], %get3A_199 {strides = array<i32>} : memref<6x128xi32, #tpu.memory_space<vmem>>, vector<16xi32>,
    %get3A_204 = arith.constant 4704 : index
    %get3A_205 = tpu.vector_load %arg9[%get3A_204] {strides = array<i32>} : memref<5504xi32, #tpu.memory_space<vmem>>, vector<16xi32>,
    %swap3A_206 = arith.constant 0 : i32
    %swap3A_207 = arith.index_cast %swap3A_206 : i32 to index
    %swap3A_208 = arith.constant 96 : index
    %swap3A_209 = tpu.vector_load %arg10[%swap3A_207, %swap3A_208] {strides = array<i32>} : memref<6x128xi32, #tpu.memory_space<vmem>>, vector<16xi32>,
    tpu.vector_store %arg10[%swap3A_207, %swap3A_208], %get3A_205 {strides = array<i32>} : memref<6x128xi32, #tpu.memory_space<vmem>>, vector<16xi32>,
    %get3A_210 = arith.constant 4720 : index
    %get3A_211 = tpu.vector_load %arg9[%get3A_210] {strides = array<i32>} : memref<5504xi32, #tpu.memory_space<vmem>>, vector<16xi32>,
    %swap3A_212 = arith.constant 0 : i32
    %swap3A_213 = arith.index_cast %swap3A_212 : i32 to index
    %swap3A_214 = arith.constant 112 : index
    %swap3A_215 = tpu.vector_load %arg10[%swap3A_213, %swap3A_214] {strides = array<i32>} : memref<6x128xi32, #tpu.memory_space<vmem>>, vector<16xi32>,
    tpu.vector_store %arg10[%swap3A_213, %swap3A_214], %get3A_211 {strides = array<i32>} : memref<6x128xi32, #tpu.memory_space<vmem>>, vector<16xi32>,
    %get3A_216 = arith.constant 4736 : index
    %get3A_217 = tpu.vector_load %arg9[%get3A_216] {strides = array<i32>} : memref<5504xi32, #tpu.memory_space<vmem>>, vector<16xi32>,
    %swap3A_218 = arith.constant 1 : i32
    %swap3A_219 = arith.index_cast %swap3A_218 : i32 to index
    %swap3A_220 = arith.constant 0 : index
    %swap3A_221 = tpu.vector_load %arg10[%swap3A_219, %swap3A_220] {strides = array<i32>} : memref<6x128xi32, #tpu.memory_space<vmem>>, vector<16xi32>,
    tpu.vector_store %arg10[%swap3A_219, %swap3A_220], %get3A_217 {strides = array<i32>} : memref<6x128xi32, #tpu.memory_space<vmem>>, vector<16xi32>,
    %get3A_222 = arith.constant 4752 : index
    %get3A_223 = tpu.vector_load %arg9[%get3A_222] {strides = array<i32>} : memref<5504xi32, #tpu.memory_space<vmem>>, vector<16xi32>,
    %swap3A_224 = arith.constant 1 : i32
    %swap3A_225 = arith.index_cast %swap3A_224 : i32 to index
    %swap3A_226 = arith.constant 16 : index
    %swap3A_227 = tpu.vector_load %arg10[%swap3A_225, %swap3A_226] {strides = array<i32>} : memref<6x128xi32, #tpu.memory_space<vmem>>, vector<16xi32>,
    tpu.vector_store %arg10[%swap3A_225, %swap3A_226], %get3A_223 {strides = array<i32>} : memref<6x128xi32, #tpu.memory_space<vmem>>, vector<16xi32>,
    %get3A_228 = arith.constant 4768 : index
    %get3A_229 = tpu.vector_load %arg9[%get3A_228] {strides = array<i32>} : memref<5504xi32, #tpu.memory_space<vmem>>, vector<16xi32>,
    %swap3A_230 = arith.constant 1 : i32
    %swap3A_231 = arith.index_cast %swap3A_230 : i32 to index
    %swap3A_232 = arith.constant 32 : index
    %swap3A_233 = tpu.vector_load %arg10[%swap3A_231, %swap3A_232] {strides = array<i32>} : memref<6x128xi32, #tpu.memory_space<vmem>>, vector<16xi32>,
    tpu.vector_store %arg10[%swap3A_231, %swap3A_232], %get3A_229 {strides = array<i32>} : memref<6x128xi32, #tpu.memory_space<vmem>>, vector<16xi32>,
    %get3A_234 = arith.constant 4784 : index
    %get3A_235 = tpu.vector_load %arg9[%get3A_234] {strides = array<i32>} : memref<5504xi32, #tpu.memory_space<vmem>>, vector<16xi32>,
    %swap3A_236 = arith.constant 1 : i32
    %swap3A_237 = arith.index_cast %swap3A_236 : i32 to index
    %swap3A_238 = arith.constant 48 : index
    %swap3A_239 = tpu.vector_load %arg10[%swap3A_237, %swap3A_238] {strides = array<i32>} : memref<6x128xi32, #tpu.memory_space<vmem>>, vector<16xi32>,
    tpu.vector_store %arg10[%swap3A_237, %swap3A_238], %get3A_235 {strides = array<i32>} : memref<6x128xi32, #tpu.memory_space<vmem>>, vector<16xi32>,
    %get3A_240 = arith.constant 4800 : index
    %get3A_241 = tpu.vector_load %arg9[%get3A_240] {strides = array<i32>} : memref<5504xi32, #tpu.memory_space<vmem>>, vector<16xi32>,
    %swap3A_242 = arith.constant 1 : i32
    %swap3A_243 = arith.index_cast %swap3A_242 : i32 to index
    %swap3A_244 = arith.constant 64 : index
    %swap3A_245 = tpu.vector_load %arg10[%swap3A_243, %swap3A_244] {strides = array<i32>} : memref<6x128xi32, #tpu.memory_space<vmem>>, vector<16xi32>,
    tpu.vector_store %arg10[%swap3A_243, %swap3A_244], %get3A_241 {strides = array<i32>} : memref<6x128xi32, #tpu.memory_space<vmem>>, vector<16xi32>,
    %get3A_246 = arith.constant 4816 : index
    %get3A_247 = tpu.vector_load %arg9[%get3A_246] {strides = array<i32>} : memref<5504xi32, #tpu.memory_space<vmem>>, vector<16xi32>,
    %swap3A_248 = arith.constant 1 : i32
    %swap3A_249 = arith.index_cast %swap3A_248 : i32 to index
    %swap3A_250 = arith.constant 80 : index
    %swap3A_251 = tpu.vector_load %arg10[%swap3A_249, %swap3A_250] {strides = array<i32>} : memref<6x128xi32, #tpu.memory_space<vmem>>, vector<16xi32>,
    tpu.vector_store %arg10[%swap3A_249, %swap3A_250], %get3A_247 {strides = array<i32>} : memref<6x128xi32, #tpu.memory_space<vmem>>, vector<16xi32>,
    %get3A_252 = arith.constant 4832 : index
    %get3A_253 = tpu.vector_load %arg9[%get3A_252] {strides = array<i32>} : memref<5504xi32, #tpu.memory_space<vmem>>, vector<16xi32>,
    %swap3A_254 = arith.constant 1 : i32
    %swap3A_255 = arith.index_cast %swap3A_254 : i32 to index
    %swap3A_256 = arith.constant 96 : index
    %swap3A_257 = tpu.vector_load %arg10[%swap3A_255, %swap3A_256] {strides = array<i32>} : memref<6x128xi32, #tpu.memory_space<vmem>>, vector<16xi32>,
    tpu.vector_store %arg10[%swap3A_255, %swap3A_256], %get3A_253 {strides = array<i32>} : memref<6x128xi32, #tpu.memory_space<vmem>>, vector<16xi32>,
    %get3A_258 = arith.constant 4848 : index
    %get3A_259 = tpu.vector_load %arg9[%get3A_258] {strides = array<i32>} : memref<5504xi32, #tpu.memory_space<vmem>>, vector<16xi32>,
    %swap3A_260 = arith.constant 1 : i32
    %swap3A_261 = arith.index_cast %swap3A_260 : i32 to index
    %swap3A_262 = arith.constant 112 : index
    %swap3A_263 = tpu.vector_load %arg10[%swap3A_261, %swap3A_262] {strides = array<i32>} : memref<6x128xi32, #tpu.memory_space<vmem>>, vector<16xi32>,
    tpu.vector_store %arg10[%swap3A_261, %swap3A_262], %get3A_259 {strides = array<i32>} : memref<6x128xi32, #tpu.memory_space<vmem>>, vector<16xi32>,
    %get3A_264 = arith.constant 4864 : index
    %get3A_265 = tpu.vector_load %arg9[%get3A_264] {strides = array<i32>} : memref<5504xi32, #tpu.memory_space<vmem>>, vector<16xi32>,
    %swap3A_266 = arith.constant 2 : i32
    %swap3A_267 = arith.index_cast %swap3A_266 : i32 to index
    %swap3A_268 = arith.constant 0 : index
    %swap3A_269 = tpu.vector_load %arg10[%swap3A_267, %swap3A_268] {strides = array<i32>} : memref<6x128xi32, #tpu.memory_space<vmem>>, vector<16xi32>,
    tpu.vector_store %arg10[%swap3A_267, %swap3A_268], %get3A_265 {strides = array<i32>} : memref<6x128xi32, #tpu.memory_space<vmem>>, vector<16xi32>,
    %get3A_270 = arith.constant 4880 : index
    %get3A_271 = tpu.vector_load %arg9[%get3A_270] {strides = array<i32>} : memref<5504xi32, #tpu.memory_space<vmem>>, vector<16xi32>,
    %swap3A_272 = arith.constant 2 : i32
    %swap3A_273 = arith.index_cast %swap3A_272 : i32 to index
    %swap3A_274 = arith.constant 16 : index
    %swap3A_275 = tpu.vector_load %arg10[%swap3A_273, %swap3A_274] {strides = array<i32>} : memref<6x128xi32, #tpu.memory_space<vmem>>, vector<16xi32>,
    tpu.vector_store %arg10[%swap3A_273, %swap3A_274], %get3A_271 {strides = array<i32>} : memref<6x128xi32, #tpu.memory_space<vmem>>, vector<16xi32>,
    %get3A_276 = arith.constant 4896 : index
    %get3A_277 = tpu.vector_load %arg9[%get3A_276] {strides = array<i32>} : memref<5504xi32, #tpu.memory_space<vmem>>, vector<16xi32>,
    %swap3A_278 = arith.constant 2 : i32
    %swap3A_279 = arith.index_cast %swap3A_278 : i32 to index
    %swap3A_280 = arith.constant 32 : index
    %swap3A_281 = tpu.vector_load %arg10[%swap3A_279, %swap3A_280] {strides = array<i32>} : memref<6x128xi32, #tpu.memory_space<vmem>>, vector<16xi32>,
    tpu.vector_store %arg10[%swap3A_279, %swap3A_280], %get3A_277 {strides = array<i32>} : memref<6x128xi32, #tpu.memory_space<vmem>>, vector<16xi32>,
    %get3A_282 = arith.constant 4912 : index
    %get3A_283 = tpu.vector_load %arg9[%get3A_282] {strides = array<i32>} : memref<5504xi32, #tpu.memory_space<vmem>>, vector<16xi32>,
    %swap3A_284 = arith.constant 2 : i32
    %swap3A_285 = arith.index_cast %swap3A_284 : i32 to index
    %swap3A_286 = arith.constant 48 : index
    %swap3A_287 = tpu.vector_load %arg10[%swap3A_285, %swap3A_286] {strides = array<i32>} : memref<6x128xi32, #tpu.memory_space<vmem>>, vector<16xi32>,
    tpu.vector_store %arg10[%swap3A_285, %swap3A_286], %get3A_283 {strides = array<i32>} : memref<6x128xi32, #tpu.memory_space<vmem>>, vector<16xi32>,
    %get3A_288 = arith.constant 4928 : index
    %get3A_289 = tpu.vector_load %arg9[%get3A_288] {strides = array<i32>} : memref<5504xi32, #tpu.memory_space<vmem>>, vector<16xi32>,
    %swap3A_290 = arith.constant 2 : i32
    %swap3A_291 = arith.index_cast %swap3A_290 : i32 to index
    %swap3A_292 = arith.constant 64 : index
    %swap3A_293 = tpu.vector_load %arg10[%swap3A_291, %swap3A_292] {strides = array<i32>} : memref<6x128xi32, #tpu.memory_space<vmem>>, vector<16xi32>,
    tpu.vector_store %arg10[%swap3A_291, %swap3A_292], %get3A_289 {strides = array<i32>} : memref<6x128xi32, #tpu.memory_space<vmem>>, vector<16xi32>,
    %get3A_294 = arith.constant 4944 : index
    %get3A_295 = tpu.vector_load %arg9[%get3A_294] {strides = array<i32>} : memref<5504xi32, #tpu.memory_space<vmem>>, vector<16xi32>,
    %swap3A_296 = arith.constant 2 : i32
    %swap3A_297 = arith.index_cast %swap3A_296 : i32 to index
    %swap3A_298 = arith.constant 80 : index
    %swap3A_299 = tpu.vector_load %arg10[%swap3A_297, %swap3A_298] {strides = array<i32>} : memref<6x128xi32, #tpu.memory_space<vmem>>, vector<16xi32>,
    tpu.vector_store %arg10[%swap3A_297, %swap3A_298], %get3A_295 {strides = array<i32>} : memref<6x128xi32, #tpu.memory_space<vmem>>, vector<16xi32>,
    %get3A_300 = arith.constant 4960 : index
    %get3A_301 = tpu.vector_load %arg9[%get3A_300] {strides = array<i32>} : memref<5504xi32, #tpu.memory_space<vmem>>, vector<16xi32>,
    %swap3A_302 = arith.constant 2 : i32
    %swap3A_303 = arith.index_cast %swap3A_302 : i32 to index
    %swap3A_304 = arith.constant 96 : index
    %swap3A_305 = tpu.vector_load %arg10[%swap3A_303, %swap3A_304] {strides = array<i32>} : memref<6x128xi32, #tpu.memory_space<vmem>>, vector<16xi32>,
    tpu.vector_store %arg10[%swap3A_303, %swap3A_304], %get3A_301 {strides = array<i32>} : memref<6x128xi32, #tpu.memory_space<vmem>>, vector<16xi32>,
    %get3A_306 = arith.constant 4976 : index
    %get3A_307 = tpu.vector_load %arg9[%get3A_306] {strides = array<i32>} : memref<5504xi32, #tpu.memory_space<vmem>>, vector<16xi32>,
    %swap3A_308 = arith.constant 2 : i32
    %swap3A_309 = arith.index_cast %swap3A_308 : i32 to index
    %swap3A_310 = arith.constant 112 : index
    %swap3A_311 = tpu.vector_load %arg10[%swap3A_309, %swap3A_310] {strides = array<i32>} : memref<6x128xi32, #tpu.memory_space<vmem>>, vector<16xi32>,
    tpu.vector_store %arg10[%swap3A_309, %swap3A_310], %get3A_307 {strides = array<i32>} : memref<6x128xi32, #tpu.memory_space<vmem>>, vector<16xi32>,
    %dma_start3A_312 = arith.constant 0 : i32
    %dma_start3A_313 = arith.constant 0 : i32
    %dma_start3A_314 = arith.constant 0 : i32
    %dma_start3A_315 = tpu.memref_slice %arg11[%dma_start3A_313, %dma_start3A_314] : memref<768x128xf32, #tpu.memory_space<vmem>> -> memref<128x128xf32, #tpu.memory_space<vmem>>
    %dma_start3A_316 = arith.constant 0 : i32
    %dma_start3A_317 = tpu.memref_slice %arg10[%dma_start3A_312, %dma_start3A_316] : memref<6x128xi32, #tpu.memory_space<vmem>> -> memref<1x128xi32, #tpu.memory_space<vmem>>
    %dma_start3A_318 = tpu.memref_squeeze %dma_start3A_317 : memref<1x128xi32, #tpu.memory_space<vmem>> -> memref<128xi32, #tpu.memory_space<vmem>>
    %dma_start3A_319 = arith.constant 0 : i32
    %dma_start3A_320 = arith.constant 0 : i32
    %dma_start3A_321 = tpu.memref_slice %arg13[%dma_start3A_319, %dma_start3A_320] : memref<64x128xf32, #tpu.memory_space<vmem_shared>> -> memref<64x128xf32, #tpu.memory_space<vmem_shared>>
    tpu.enqueue_indirect_dma source(%dma_start3A_315 : memref<128x128xf32, #tpu.memory_space<vmem>>) target(%dma_start3A_321 : memref<64x128xf32, #tpu.memory_space<vmem_shared>>) offsets(%dma_start3A_318 : memref<128xi32, #tpu.memory_space<vmem>>) semaphore(%arg16 : memref<!tpu.dma_semaphore, #tpu.memory_space<semaphore_mem>>) {add = true}
    %dma_start3A_322 = arith.constant 1 : i32
    %dma_start3A_323 = arith.constant 128 : i32
    %dma_start3A_324 = arith.constant 0 : i32
    %dma_start3A_325 = tpu.memref_slice %arg11[%dma_start3A_323, %dma_start3A_324] : memref<768x128xf32, #tpu.memory_space<vmem>> -> memref<128x128xf32, #tpu.memory_space<vmem>>
    %dma_start3A_326 = arith.constant 0 : i32
    %dma_start3A_327 = tpu.memref_slice %arg10[%dma_start3A_322, %dma_start3A_326] : memref<6x128xi32, #tpu.memory_space<vmem>> -> memref<1x128xi32, #tpu.memory_space<vmem>>
    %dma_start3A_328 = tpu.memref_squeeze %dma_start3A_327 : memref<1x128xi32, #tpu.memory_space<vmem>> -> memref<128xi32, #tpu.memory_space<vmem>>
    %dma_start3A_329 = arith.constant 0 : i32
    %dma_start3A_330 = arith.constant 0 : i32
    %dma_start3A_331 = tpu.memref_slice %arg13[%dma_start3A_329, %dma_start3A_330] : memref<64x128xf32, #tpu.memory_space<vmem_shared>> -> memref<64x128xf32, #tpu.memory_space<vmem_shared>>
    tpu.enqueue_indirect_dma source(%dma_start3A_325 : memref<128x128xf32, #tpu.memory_space<vmem>>) target(%dma_start3A_331 : memref<64x128xf32, #tpu.memory_space<vmem_shared>>) offsets(%dma_start3A_328 : memref<128xi32, #tpu.memory_space<vmem>>) semaphore(%arg16 : memref<!tpu.dma_semaphore, #tpu.memory_space<semaphore_mem>>) {add = true}
    %dma_start3A_332 = arith.constant 2 : i32
    %dma_start3A_333 = arith.constant 256 : i32
    %dma_start3A_334 = arith.constant 0 : i32
    %dma_start3A_335 = tpu.memref_slice %arg11[%dma_start3A_333, %dma_start3A_334] : memref<768x128xf32, #tpu.memory_space<vmem>> -> memref<128x128xf32, #tpu.memory_space<vmem>>
    %dma_start3A_336 = arith.constant 0 : i32
    %dma_start3A_337 = tpu.memref_slice %arg10[%dma_start3A_332, %dma_start3A_336] : memref<6x128xi32, #tpu.memory_space<vmem>> -> memref<1x128xi32, #tpu.memory_space<vmem>>
    %dma_start3A_338 = tpu.memref_squeeze %dma_start3A_337 : memref<1x128xi32, #tpu.memory_space<vmem>> -> memref<128xi32, #tpu.memory_space<vmem>>
    %dma_start3A_339 = arith.constant 0 : i32
    %dma_start3A_340 = arith.constant 0 : i32
    %dma_start3A_341 = tpu.memref_slice %arg13[%dma_start3A_339, %dma_start3A_340] : memref<64x128xf32, #tpu.memory_space<vmem_shared>> -> memref<64x128xf32, #tpu.memory_space<vmem_shared>>
    tpu.enqueue_indirect_dma source(%dma_start3A_335 : memref<128x128xf32, #tpu.memory_space<vmem>>) target(%dma_start3A_341 : memref<64x128xf32, #tpu.memory_space<vmem_shared>>) offsets(%dma_start3A_338 : memref<128xi32, #tpu.memory_space<vmem>>) semaphore(%arg16 : memref<!tpu.dma_semaphore, #tpu.memory_space<semaphore_mem>>) {add = true}
    %dma_wait3A_342 = arith.constant 0 : i32
    %dma_wait3A_343 = arith.constant 0 : i32
    %dma_wait3A_344 = arith.constant 0 : i32
    %dma_wait3A_345 = tpu.memref_slice %arg11[%dma_wait3A_343, %dma_wait3A_344] : memref<768x128xf32, #tpu.memory_space<vmem>> -> memref<128x128xf32, #tpu.memory_space<vmem>>
    %dma_wait3A_346 = arith.constant 0 : i32
    %dma_wait3A_347 = tpu.memref_slice %arg10[%dma_wait3A_342, %dma_wait3A_346] : memref<6x128xi32, #tpu.memory_space<vmem>> -> memref<1x128xi32, #tpu.memory_space<vmem>>
    %dma_wait3A_348 = tpu.memref_squeeze %dma_wait3A_347 : memref<1x128xi32, #tpu.memory_space<vmem>> -> memref<128xi32, #tpu.memory_space<vmem>>
    %dma_wait3A_349 = arith.constant 0 : i32
    %dma_wait3A_350 = arith.constant 0 : i32
    %dma_wait3A_351 = tpu.memref_slice %arg13[%dma_wait3A_349, %dma_wait3A_350] : memref<64x128xf32, #tpu.memory_space<vmem_shared>> -> memref<64x128xf32, #tpu.memory_space<vmem_shared>>
    tpu.wait_indirect_dma semaphore(%arg16 : memref<!tpu.dma_semaphore, #tpu.memory_space<semaphore_mem>>) src(%dma_wait3A_345 : memref<128x128xf32, #tpu.memory_space<vmem>>) dst(%dma_wait3A_351 : memref<64x128xf32, #tpu.memory_space<vmem_shared>>)
    %dma_wait3A_352 = arith.constant 1 : i32
    %dma_wait3A_353 = arith.constant 128 : i32
    %dma_wait3A_354 = arith.constant 0 : i32
    %dma_wait3A_355 = tpu.memref_slice %arg11[%dma_wait3A_353, %dma_wait3A_354] : memref<768x128xf32, #tpu.memory_space<vmem>> -> memref<128x128xf32, #tpu.memory_space<vmem>>
    %dma_wait3A_356 = arith.constant 0 : i32
    %dma_wait3A_357 = tpu.memref_slice %arg10[%dma_wait3A_352, %dma_wait3A_356] : memref<6x128xi32, #tpu.memory_space<vmem>> -> memref<1x128xi32, #tpu.memory_space<vmem>>
    %dma_wait3A_358 = tpu.memref_squeeze %dma_wait3A_357 : memref<1x128xi32, #tpu.memory_space<vmem>> -> memref<128xi32, #tpu.memory_space<vmem>>
    %dma_wait3A_359 = arith.constant 0 : i32
    %dma_wait3A_360 = arith.constant 0 : i32
    %dma_wait3A_361 = tpu.memref_slice %arg13[%dma_wait3A_359, %dma_wait3A_360] : memref<64x128xf32, #tpu.memory_space<vmem_shared>> -> memref<64x128xf32, #tpu.memory_space<vmem_shared>>
    tpu.wait_indirect_dma semaphore(%arg16 : memref<!tpu.dma_semaphore, #tpu.memory_space<semaphore_mem>>) src(%dma_wait3A_355 : memref<128x128xf32, #tpu.memory_space<vmem>>) dst(%dma_wait3A_361 : memref<64x128xf32, #tpu.memory_space<vmem_shared>>)
    %dma_wait3A_362 = arith.constant 2 : i32
    %dma_wait3A_363 = arith.constant 256 : i32
    %dma_wait3A_364 = arith.constant 0 : i32
    %dma_wait3A_365 = tpu.memref_slice %arg11[%dma_wait3A_363, %dma_wait3A_364] : memref<768x128xf32, #tpu.memory_space<vmem>> -> memref<128x128xf32, #tpu.memory_space<vmem>>
    %dma_wait3A_366 = arith.constant 0 : i32
    %dma_wait3A_367 = tpu.memref_slice %arg10[%dma_wait3A_362, %dma_wait3A_366] : memref<6x128xi32, #tpu.memory_space<vmem>> -> memref<1x128xi32, #tpu.memory_space<vmem>>
    %dma_wait3A_368 = tpu.memref_squeeze %dma_wait3A_367 : memref<1x128xi32, #tpu.memory_space<vmem>> -> memref<128xi32, #tpu.memory_space<vmem>>
    %dma_wait3A_369 = arith.constant 0 : i32
    %dma_wait3A_370 = arith.constant 0 : i32
    %dma_wait3A_371 = tpu.memref_slice %arg13[%dma_wait3A_369, %dma_wait3A_370] : memref<64x128xf32, #tpu.memory_space<vmem_shared>> -> memref<64x128xf32, #tpu.memory_space<vmem_shared>>
    tpu.wait_indirect_dma semaphore(%arg16 : memref<!tpu.dma_semaphore, #tpu.memory_space<semaphore_mem>>) src(%dma_wait3A_365 : memref<128x128xf32, #tpu.memory_space<vmem>>) dst(%dma_wait3A_371 : memref<64x128xf32, #tpu.memory_space<vmem_shared>>)
    %add3A_372 = arith.constant 39 : i32
    %add3A_373 = arith.addi %add3A_4, %add3A_372 : i32
    %mul3A_374 = arith.constant 128 : i32
    %mul3A_375 = arith.muli %add3A_373, %mul3A_374 : i32
    %dma_wait3A_376 = arith.constant 384 : i32
    %dma_wait3A_377 = arith.constant 0 : i32
    %dma_wait3A_378 = tpu.memref_slice %arg11[%dma_wait3A_376, %dma_wait3A_377] : memref<768x128xf32, #tpu.memory_space<vmem>> -> memref<128x128xf32, #tpu.memory_space<vmem>>
    %dma_wait3A_379 = arith.constant 0 : i32
    %dma_wait3A_380 = tpu.memref_slice %arg2[%mul3A_375, %dma_wait3A_379] : memref<320000x128xf32, #tpu.memory_space<hbm>> -> memref<128x128xf32, #tpu.memory_space<hbm>>
    %dma_wait3A_381 = arith.constant 384 : i32
    %dma_wait3A_382 = arith.constant 0 : i32
    %dma_wait3A_383 = tpu.memref_slice %arg11[%dma_wait3A_381, %dma_wait3A_382] : memref<768x128xf32, #tpu.memory_space<vmem>> -> memref<128x128xf32, #tpu.memory_space<vmem>>
    %dma_wait3A_384 = arith.constant 0 : i32
    %dma_wait3A_385 = tpu.memref_slice %arg2[%mul3A_375, %dma_wait3A_384] : memref<320000x128xf32, #tpu.memory_space<hbm>> -> memref<128x128xf32, #tpu.memory_space<hbm>>
    tpu.wait_dma2 semaphore(%arg15 : memref<!tpu.dma_semaphore, #tpu.memory_space<semaphore_mem>>) src(%dma_wait3A_385 : memref<128x128xf32, #tpu.memory_space<hbm>>) dst(%dma_wait3A_383 : memref<128x128xf32, #tpu.memory_space<vmem>>)
    %add3A_386 = arith.constant 40 : i32
    %add3A_387 = arith.addi %add3A_4, %add3A_386 : i32
    %mul3A_388 = arith.constant 128 : i32
    %mul3A_389 = arith.muli %add3A_387, %mul3A_388 : i32
    %dma_wait3A_390 = arith.constant 512 : i32
    %dma_wait3A_391 = arith.constant 0 : i32
    %dma_wait3A_392 = tpu.memref_slice %arg11[%dma_wait3A_390, %dma_wait3A_391] : memref<768x128xf32, #tpu.memory_space<vmem>> -> memref<128x128xf32, #tpu.memory_space<vmem>>
    %dma_wait3A_393 = arith.constant 0 : i32
    %dma_wait3A_394 = tpu.memref_slice %arg2[%mul3A_389, %dma_wait3A_393] : memref<320000x128xf32, #tpu.memory_space<hbm>> -> memref<128x128xf32, #tpu.memory_space<hbm>>
    %dma_wait3A_395 = arith.constant 512 : i32
    %dma_wait3A_396 = arith.constant 0 : i32
    %dma_wait3A_397 = tpu.memref_slice %arg11[%dma_wait3A_395, %dma_wait3A_396] : memref<768x128xf32, #tpu.memory_space<vmem>> -> memref<128x128xf32, #tpu.memory_space<vmem>>
    %dma_wait3A_398 = arith.constant 0 : i32
    %dma_wait3A_399 = tpu.memref_slice %arg2[%mul3A_389, %dma_wait3A_398] : memref<320000x128xf32, #tpu.memory_space<hbm>> -> memref<128x128xf32, #tpu.memory_space<hbm>>
    tpu.wait_dma2 semaphore(%arg15 : memref<!tpu.dma_semaphore, #tpu.memory_space<semaphore_mem>>) src(%dma_wait3A_399 : memref<128x128xf32, #tpu.memory_space<hbm>>) dst(%dma_wait3A_397 : memref<128x128xf32, #tpu.memory_space<vmem>>)
    %add3A_400 = arith.constant 41 : i32
    %add3A_401 = arith.addi %add3A_4, %add3A_400 : i32
    %mul3A_402 = arith.constant 128 : i32
    %mul3A_403 = arith.muli %add3A_401, %mul3A_402 : i32
    %dma_wait3A_404 = arith.constant 640 : i32
    %dma_wait3A_405 = arith.constant 0 : i32
    %dma_wait3A_406 = tpu.memref_slice %arg11[%dma_wait3A_404, %dma_wait3A_405] : memref<768x128xf32, #tpu.memory_space<vmem>> -> memref<128x128xf32, #tpu.memory_space<vmem>>
    %dma_wait3A_407 = arith.constant 0 : i32
    %dma_wait3A_408 = tpu.memref_slice %arg2[%mul3A_403, %dma_wait3A_407] : memref<320000x128xf32, #tpu.memory_space<hbm>> -> memref<128x128xf32, #tpu.memory_space<hbm>>
    %dma_wait3A_409 = arith.constant 640 : i32
    %dma_wait3A_410 = arith.constant 0 : i32
    %dma_wait3A_411 = tpu.memref_slice %arg11[%dma_wait3A_409, %dma_wait3A_410] : memref<768x128xf32, #tpu.memory_space<vmem>> -> memref<128x128xf32, #tpu.memory_space<vmem>>
    %dma_wait3A_412 = arith.constant 0 : i32
    %dma_wait3A_413 = tpu.memref_slice %arg2[%mul3A_403, %dma_wait3A_412] : memref<320000x128xf32, #tpu.memory_space<hbm>> -> memref<128x128xf32, #tpu.memory_space<hbm>>
    tpu.wait_dma2 semaphore(%arg15 : memref<!tpu.dma_semaphore, #tpu.memory_space<semaphore_mem>>) src(%dma_wait3A_413 : memref<128x128xf32, #tpu.memory_space<hbm>>) dst(%dma_wait3A_411 : memref<128x128xf32, #tpu.memory_space<vmem>>)
    %get3A_414 = arith.constant 4992 : index
    %get3A_415 = tpu.vector_load %arg9[%get3A_414] {strides = array<i32>} : memref<5504xi32, #tpu.memory_space<vmem>>, vector<16xi32>,
    %swap3A_416 = arith.constant 3 : i32
    %swap3A_417 = arith.index_cast %swap3A_416 : i32 to index
    %swap3A_418 = arith.constant 0 : index
    %swap3A_419 = tpu.vector_load %arg10[%swap3A_417, %swap3A_418] {strides = array<i32>} : memref<6x128xi32, #tpu.memory_space<vmem>>, vector<16xi32>,
    tpu.vector_store %arg10[%swap3A_417, %swap3A_418], %get3A_415 {strides = array<i32>} : memref<6x128xi32, #tpu.memory_space<vmem>>, vector<16xi32>,
    %get3A_420 = arith.constant 5008 : index
    %get3A_421 = tpu.vector_load %arg9[%get3A_420] {strides = array<i32>} : memref<5504xi32, #tpu.memory_space<vmem>>, vector<16xi32>,
    %swap3A_422 = arith.constant 3 : i32
    %swap3A_423 = arith.index_cast %swap3A_422 : i32 to index
    %swap3A_424 = arith.constant 16 : index
    %swap3A_425 = tpu.vector_load %arg10[%swap3A_423, %swap3A_424] {strides = array<i32>} : memref<6x128xi32, #tpu.memory_space<vmem>>, vector<16xi32>,
    tpu.vector_store %arg10[%swap3A_423, %swap3A_424], %get3A_421 {strides = array<i32>} : memref<6x128xi32, #tpu.memory_space<vmem>>, vector<16xi32>,
    %get3A_426 = arith.constant 5024 : index
    %get3A_427 = tpu.vector_load %arg9[%get3A_426] {strides = array<i32>} : memref<5504xi32, #tpu.memory_space<vmem>>, vector<16xi32>,
    %swap3A_428 = arith.constant 3 : i32
    %swap3A_429 = arith.index_cast %swap3A_428 : i32 to index
    %swap3A_430 = arith.constant 32 : index
    %swap3A_431 = tpu.vector_load %arg10[%swap3A_429, %swap3A_430] {strides = array<i32>} : memref<6x128xi32, #tpu.memory_space<vmem>>, vector<16xi32>,
    tpu.vector_store %arg10[%swap3A_429, %swap3A_430], %get3A_427 {strides = array<i32>} : memref<6x128xi32, #tpu.memory_space<vmem>>, vector<16xi32>,
    %get3A_432 = arith.constant 5040 : index
    %get3A_433 = tpu.vector_load %arg9[%get3A_432] {strides = array<i32>} : memref<5504xi32, #tpu.memory_space<vmem>>, vector<16xi32>,
    %swap3A_434 = arith.constant 3 : i32
    %swap3A_435 = arith.index_cast %swap3A_434 : i32 to index
    %swap3A_436 = arith.constant 48 : index
    %swap3A_437 = tpu.vector_load %arg10[%swap3A_435, %swap3A_436] {strides = array<i32>} : memref<6x128xi32, #tpu.memory_space<vmem>>, vector<16xi32>,
    tpu.vector_store %arg10[%swap3A_435, %swap3A_436], %get3A_433 {strides = array<i32>} : memref<6x128xi32, #tpu.memory_space<vmem>>, vector<16xi32>,
    %get3A_438 = arith.constant 5056 : index
    %get3A_439 = tpu.vector_load %arg9[%get3A_438] {strides = array<i32>} : memref<5504xi32, #tpu.memory_space<vmem>>, vector<16xi32>,
    %swap3A_440 = arith.constant 3 : i32
    %swap3A_441 = arith.index_cast %swap3A_440 : i32 to index
    %swap3A_442 = arith.constant 64 : index
    %swap3A_443 = tpu.vector_load %arg10[%swap3A_441, %swap3A_442] {strides = array<i32>} : memref<6x128xi32, #tpu.memory_space<vmem>>, vector<16xi32>,
    tpu.vector_store %arg10[%swap3A_441, %swap3A_442], %get3A_439 {strides = array<i32>} : memref<6x128xi32, #tpu.memory_space<vmem>>, vector<16xi32>,
    %get3A_444 = arith.constant 5072 : index
    %get3A_445 = tpu.vector_load %arg9[%get3A_444] {strides = array<i32>} : memref<5504xi32, #tpu.memory_space<vmem>>, vector<16xi32>,
    %swap3A_446 = arith.constant 3 : i32
    %swap3A_447 = arith.index_cast %swap3A_446 : i32 to index
    %swap3A_448 = arith.constant 80 : index
    %swap3A_449 = tpu.vector_load %arg10[%swap3A_447, %swap3A_448] {strides = array<i32>} : memref<6x128xi32, #tpu.memory_space<vmem>>, vector<16xi32>,
    tpu.vector_store %arg10[%swap3A_447, %swap3A_448], %get3A_445 {strides = array<i32>} : memref<6x128xi32, #tpu.memory_space<vmem>>, vector<16xi32>,
    %get3A_450 = arith.constant 5088 : index
    %get3A_451 = tpu.vector_load %arg9[%get3A_450] {strides = array<i32>} : memref<5504xi32, #tpu.memory_space<vmem>>, vector<16xi32>,
    %swap3A_452 = arith.constant 3 : i32
    %swap3A_453 = arith.index_cast %swap3A_452 : i32 to index
    %swap3A_454 = arith.constant 96 : index
    %swap3A_455 = tpu.vector_load %arg10[%swap3A_453, %swap3A_454] {strides = array<i32>} : memref<6x128xi32, #tpu.memory_space<vmem>>, vector<16xi32>,
    tpu.vector_store %arg10[%swap3A_453, %swap3A_454], %get3A_451 {strides = array<i32>} : memref<6x128xi32, #tpu.memory_space<vmem>>, vector<16xi32>,
    %get3A_456 = arith.constant 5104 : index
    %get3A_457 = tpu.vector_load %arg9[%get3A_456] {strides = array<i32>} : memref<5504xi32, #tpu.memory_space<vmem>>, vector<16xi32>,
    %swap3A_458 = arith.constant 3 : i32
    %swap3A_459 = arith.index_cast %swap3A_458 : i32 to index
    %swap3A_460 = arith.constant 112 : index
    %swap3A_461 = tpu.vector_load %arg10[%swap3A_459, %swap3A_460] {strides = array<i32>} : memref<6x128xi32, #tpu.memory_space<vmem>>, vector<16xi32>,
    tpu.vector_store %arg10[%swap3A_459, %swap3A_460], %get3A_457 {strides = array<i32>} : memref<6x128xi32, #tpu.memory_space<vmem>>, vector<16xi32>,
    %get3A_462 = arith.constant 5120 : index
    %get3A_463 = tpu.vector_load %arg9[%get3A_462] {strides = array<i32>} : memref<5504xi32, #tpu.memory_space<vmem>>, vector<16xi32>,
    %swap3A_464 = arith.constant 4 : i32
    %swap3A_465 = arith.index_cast %swap3A_464 : i32 to index
    %swap3A_466 = arith.constant 0 : index
    %swap3A_467 = tpu.vector_load %arg10[%swap3A_465, %swap3A_466] {strides = array<i32>} : memref<6x128xi32, #tpu.memory_space<vmem>>, vector<16xi32>,
    tpu.vector_store %arg10[%swap3A_465, %swap3A_466], %get3A_463 {strides = array<i32>} : memref<6x128xi32, #tpu.memory_space<vmem>>, vector<16xi32>,
    %get3A_468 = arith.constant 5136 : index
    %get3A_469 = tpu.vector_load %arg9[%get3A_468] {strides = array<i32>} : memref<5504xi32, #tpu.memory_space<vmem>>, vector<16xi32>,
    %swap3A_470 = arith.constant 4 : i32
    %swap3A_471 = arith.index_cast %swap3A_470 : i32 to index
    %swap3A_472 = arith.constant 16 : index
    %swap3A_473 = tpu.vector_load %arg10[%swap3A_471, %swap3A_472] {strides = array<i32>} : memref<6x128xi32, #tpu.memory_space<vmem>>, vector<16xi32>,
    tpu.vector_store %arg10[%swap3A_471, %swap3A_472], %get3A_469 {strides = array<i32>} : memref<6x128xi32, #tpu.memory_space<vmem>>, vector<16xi32>,
    %get3A_474 = arith.constant 5152 : index
    %get3A_475 = tpu.vector_load %arg9[%get3A_474] {strides = array<i32>} : memref<5504xi32, #tpu.memory_space<vmem>>, vector<16xi32>,
    %swap3A_476 = arith.constant 4 : i32
    %swap3A_477 = arith.index_cast %swap3A_476 : i32 to index
    %swap3A_478 = arith.constant 32 : index
    %swap3A_479 = tpu.vector_load %arg10[%swap3A_477, %swap3A_478] {strides = array<i32>} : memref<6x128xi32, #tpu.memory_space<vmem>>, vector<16xi32>,
    tpu.vector_store %arg10[%swap3A_477, %swap3A_478], %get3A_475 {strides = array<i32>} : memref<6x128xi32, #tpu.memory_space<vmem>>, vector<16xi32>,
    %get3A_480 = arith.constant 5168 : index
    %get3A_481 = tpu.vector_load %arg9[%get3A_480] {strides = array<i32>} : memref<5504xi32, #tpu.memory_space<vmem>>, vector<16xi32>,
    %swap3A_482 = arith.constant 4 : i32
    %swap3A_483 = arith.index_cast %swap3A_482 : i32 to index
    %swap3A_484 = arith.constant 48 : index
    %swap3A_485 = tpu.vector_load %arg10[%swap3A_483, %swap3A_484] {strides = array<i32>} : memref<6x128xi32, #tpu.memory_space<vmem>>, vector<16xi32>,
    tpu.vector_store %arg10[%swap3A_483, %swap3A_484], %get3A_481 {strides = array<i32>} : memref<6x128xi32, #tpu.memory_space<vmem>>, vector<16xi32>,
    %get3A_486 = arith.constant 5184 : index
    %get3A_487 = tpu.vector_load %arg9[%get3A_486] {strides = array<i32>} : memref<5504xi32, #tpu.memory_space<vmem>>, vector<16xi32>,
    %swap3A_488 = arith.constant 4 : i32
    %swap3A_489 = arith.index_cast %swap3A_488 : i32 to index
    %swap3A_490 = arith.constant 64 : index
    %swap3A_491 = tpu.vector_load %arg10[%swap3A_489, %swap3A_490] {strides = array<i32>} : memref<6x128xi32, #tpu.memory_space<vmem>>, vector<16xi32>,
    tpu.vector_store %arg10[%swap3A_489, %swap3A_490], %get3A_487 {strides = array<i32>} : memref<6x128xi32, #tpu.memory_space<vmem>>, vector<16xi32>,
    %get3A_492 = arith.constant 5200 : index
    %get3A_493 = tpu.vector_load %arg9[%get3A_492] {strides = array<i32>} : memref<5504xi32, #tpu.memory_space<vmem>>, vector<16xi32>,
    %swap3A_494 = arith.constant 4 : i32
    %swap3A_495 = arith.index_cast %swap3A_494 : i32 to index
    %swap3A_496 = arith.constant 80 : index
    %swap3A_497 = tpu.vector_load %arg10[%swap3A_495, %swap3A_496] {strides = array<i32>} : memref<6x128xi32, #tpu.memory_space<vmem>>, vector<16xi32>,
    tpu.vector_store %arg10[%swap3A_495, %swap3A_496], %get3A_493 {strides = array<i32>} : memref<6x128xi32, #tpu.memory_space<vmem>>, vector<16xi32>,
    %get3A_498 = arith.constant 5216 : index
    %get3A_499 = tpu.vector_load %arg9[%get3A_498] {strides = array<i32>} : memref<5504xi32, #tpu.memory_space<vmem>>, vector<16xi32>,
    %swap3A_500 = arith.constant 4 : i32
    %swap3A_501 = arith.index_cast %swap3A_500 : i32 to index
    %swap3A_502 = arith.constant 96 : index
    %swap3A_503 = tpu.vector_load %arg10[%swap3A_501, %swap3A_502] {strides = array<i32>} : memref<6x128xi32, #tpu.memory_space<vmem>>, vector<16xi32>,
    tpu.vector_store %arg10[%swap3A_501, %swap3A_502], %get3A_499 {strides = array<i32>} : memref<6x128xi32, #tpu.memory_space<vmem>>, vector<16xi32>,
    %get3A_504 = arith.constant 5232 : index
    %get3A_505 = tpu.vector_load %arg9[%get3A_504] {strides = array<i32>} : memref<5504xi32, #tpu.memory_space<vmem>>, vector<16xi32>,
    %swap3A_506 = arith.constant 4 : i32
    %swap3A_507 = arith.index_cast %swap3A_506 : i32 to index
    %swap3A_508 = arith.constant 112 : index
    %swap3A_509 = tpu.vector_load %arg10[%swap3A_507, %swap3A_508] {strides = array<i32>} : memref<6x128xi32, #tpu.memory_space<vmem>>, vector<16xi32>,
    tpu.vector_store %arg10[%swap3A_507, %swap3A_508], %get3A_505 {strides = array<i32>} : memref<6x128xi32, #tpu.memory_space<vmem>>, vector<16xi32>,
    %get3A_510 = arith.constant 5248 : index
    %get3A_511 = tpu.vector_load %arg9[%get3A_510] {strides = array<i32>} : memref<5504xi32, #tpu.memory_space<vmem>>, vector<16xi32>,
    %swap3A_512 = arith.constant 5 : i32
    %swap3A_513 = arith.index_cast %swap3A_512 : i32 to index
    %swap3A_514 = arith.constant 0 : index
    %swap3A_515 = tpu.vector_load %arg10[%swap3A_513, %swap3A_514] {strides = array<i32>} : memref<6x128xi32, #tpu.memory_space<vmem>>, vector<16xi32>,
    tpu.vector_store %arg10[%swap3A_513, %swap3A_514], %get3A_511 {strides = array<i32>} : memref<6x128xi32, #tpu.memory_space<vmem>>, vector<16xi32>,
    %get3A_516 = arith.constant 5264 : index
    %get3A_517 = tpu.vector_load %arg9[%get3A_516] {strides = array<i32>} : memref<5504xi32, #tpu.memory_space<vmem>>, vector<16xi32>,
    %swap3A_518 = arith.constant 5 : i32
    %swap3A_519 = arith.index_cast %swap3A_518 : i32 to index
    %swap3A_520 = arith.constant 16 : index
    %swap3A_521 = tpu.vector_load %arg10[%swap3A_519, %swap3A_520] {strides = array<i32>} : memref<6x128xi32, #tpu.memory_space<vmem>>, vector<16xi32>,
    tpu.vector_store %arg10[%swap3A_519, %swap3A_520], %get3A_517 {strides = array<i32>} : memref<6x128xi32, #tpu.memory_space<vmem>>, vector<16xi32>,
    %get3A_522 = arith.constant 5280 : index
    %get3A_523 = tpu.vector_load %arg9[%get3A_522] {strides = array<i32>} : memref<5504xi32, #tpu.memory_space<vmem>>, vector<16xi32>,
    %swap3A_524 = arith.constant 5 : i32
    %swap3A_525 = arith.index_cast %swap3A_524 : i32 to index
    %swap3A_526 = arith.constant 32 : index
    %swap3A_527 = tpu.vector_load %arg10[%swap3A_525, %swap3A_526] {strides = array<i32>} : memref<6x128xi32, #tpu.memory_space<vmem>>, vector<16xi32>,
    tpu.vector_store %arg10[%swap3A_525, %swap3A_526], %get3A_523 {strides = array<i32>} : memref<6x128xi32, #tpu.memory_space<vmem>>, vector<16xi32>,
    %get3A_528 = arith.constant 5296 : index
    %get3A_529 = tpu.vector_load %arg9[%get3A_528] {strides = array<i32>} : memref<5504xi32, #tpu.memory_space<vmem>>, vector<16xi32>,
    %swap3A_530 = arith.constant 5 : i32
    %swap3A_531 = arith.index_cast %swap3A_530 : i32 to index
    %swap3A_532 = arith.constant 48 : index
    %swap3A_533 = tpu.vector_load %arg10[%swap3A_531, %swap3A_532] {strides = array<i32>} : memref<6x128xi32, #tpu.memory_space<vmem>>, vector<16xi32>,
    tpu.vector_store %arg10[%swap3A_531, %swap3A_532], %get3A_529 {strides = array<i32>} : memref<6x128xi32, #tpu.memory_space<vmem>>, vector<16xi32>,
    %get3A_534 = arith.constant 5312 : index
    %get3A_535 = tpu.vector_load %arg9[%get3A_534] {strides = array<i32>} : memref<5504xi32, #tpu.memory_space<vmem>>, vector<16xi32>,
    %swap3A_536 = arith.constant 5 : i32
    %swap3A_537 = arith.index_cast %swap3A_536 : i32 to index
    %swap3A_538 = arith.constant 64 : index
    %swap3A_539 = tpu.vector_load %arg10[%swap3A_537, %swap3A_538] {strides = array<i32>} : memref<6x128xi32, #tpu.memory_space<vmem>>, vector<16xi32>,
    tpu.vector_store %arg10[%swap3A_537, %swap3A_538], %get3A_535 {strides = array<i32>} : memref<6x128xi32, #tpu.memory_space<vmem>>, vector<16xi32>,
    %get3A_540 = arith.constant 5328 : index
    %get3A_541 = tpu.vector_load %arg9[%get3A_540] {strides = array<i32>} : memref<5504xi32, #tpu.memory_space<vmem>>, vector<16xi32>,
    %swap3A_542 = arith.constant 5 : i32
    %swap3A_543 = arith.index_cast %swap3A_542 : i32 to index
    %swap3A_544 = arith.constant 80 : index
    %swap3A_545 = tpu.vector_load %arg10[%swap3A_543, %swap3A_544] {strides = array<i32>} : memref<6x128xi32, #tpu.memory_space<vmem>>, vector<16xi32>,
    tpu.vector_store %arg10[%swap3A_543, %swap3A_544], %get3A_541 {strides = array<i32>} : memref<6x128xi32, #tpu.memory_space<vmem>>, vector<16xi32>,
    %get3A_546 = arith.constant 5344 : index
    %get3A_547 = tpu.vector_load %arg9[%get3A_546] {strides = array<i32>} : memref<5504xi32, #tpu.memory_space<vmem>>, vector<16xi32>,
    %swap3A_548 = arith.constant 5 : i32
    %swap3A_549 = arith.index_cast %swap3A_548 : i32 to index
    %swap3A_550 = arith.constant 96 : index
    %swap3A_551 = tpu.vector_load %arg10[%swap3A_549, %swap3A_550] {strides = array<i32>} : memref<6x128xi32, #tpu.memory_space<vmem>>, vector<16xi32>,
    tpu.vector_store %arg10[%swap3A_549, %swap3A_550], %get3A_547 {strides = array<i32>} : memref<6x128xi32, #tpu.memory_space<vmem>>, vector<16xi32>,
    %get3A_552 = arith.constant 5360 : index
    %get3A_553 = tpu.vector_load %arg9[%get3A_552] {strides = array<i32>} : memref<5504xi32, #tpu.memory_space<vmem>>, vector<16xi32>,
    %swap3A_554 = arith.constant 5 : i32
    %swap3A_555 = arith.index_cast %swap3A_554 : i32 to index
    %swap3A_556 = arith.constant 112 : index
    %swap3A_557 = tpu.vector_load %arg10[%swap3A_555, %swap3A_556] {strides = array<i32>} : memref<6x128xi32, #tpu.memory_space<vmem>>, vector<16xi32>,
    tpu.vector_store %arg10[%swap3A_555, %swap3A_556], %get3A_553 {strides = array<i32>} : memref<6x128xi32, #tpu.memory_space<vmem>>, vector<16xi32>,
    %dma_start3A_558 = arith.constant 3 : i32
    %dma_start3A_559 = arith.constant 384 : i32
    %dma_start3A_560 = arith.constant 0 : i32
    %dma_start3A_561 = tpu.memref_slice %arg11[%dma_start3A_559, %dma_start3A_560] : memref<768x128xf32, #tpu.memory_space<vmem>> -> memref<128x128xf32, #tpu.memory_space<vmem>>
    %dma_start3A_562 = arith.constant 0 : i32
    %dma_start3A_563 = tpu.memref_slice %arg10[%dma_start3A_558, %dma_start3A_562] : memref<6x128xi32, #tpu.memory_space<vmem>> -> memref<1x128xi32, #tpu.memory_space<vmem>>
    %dma_start3A_564 = tpu.memref_squeeze %dma_start3A_563 : memref<1x128xi32, #tpu.memory_space<vmem>> -> memref<128xi32, #tpu.memory_space<vmem>>
    %dma_start3A_565 = arith.constant 0 : i32
    %dma_start3A_566 = arith.constant 0 : i32
    %dma_start3A_567 = tpu.memref_slice %arg13[%dma_start3A_565, %dma_start3A_566] : memref<64x128xf32, #tpu.memory_space<vmem_shared>> -> memref<64x128xf32, #tpu.memory_space<vmem_shared>>
    tpu.enqueue_indirect_dma source(%dma_start3A_561 : memref<128x128xf32, #tpu.memory_space<vmem>>) target(%dma_start3A_567 : memref<64x128xf32, #tpu.memory_space<vmem_shared>>) offsets(%dma_start3A_564 : memref<128xi32, #tpu.memory_space<vmem>>) semaphore(%arg17 : memref<!tpu.dma_semaphore, #tpu.memory_space<semaphore_mem>>) {add = true}
    %dma_start3A_568 = arith.constant 4 : i32
    %dma_start3A_569 = arith.constant 512 : i32
    %dma_start3A_570 = arith.constant 0 : i32
    %dma_start3A_571 = tpu.memref_slice %arg11[%dma_start3A_569, %dma_start3A_570] : memref<768x128xf32, #tpu.memory_space<vmem>> -> memref<128x128xf32, #tpu.memory_space<vmem>>
    %dma_start3A_572 = arith.constant 0 : i32
    %dma_start3A_573 = tpu.memref_slice %arg10[%dma_start3A_568, %dma_start3A_572] : memref<6x128xi32, #tpu.memory_space<vmem>> -> memref<1x128xi32, #tpu.memory_space<vmem>>
    %dma_start3A_574 = tpu.memref_squeeze %dma_start3A_573 : memref<1x128xi32, #tpu.memory_space<vmem>> -> memref<128xi32, #tpu.memory_space<vmem>>
    %dma_start3A_575 = arith.constant 0 : i32
    %dma_start3A_576 = arith.constant 0 : i32
    %dma_start3A_577 = tpu.memref_slice %arg13[%dma_start3A_575, %dma_start3A_576] : memref<64x128xf32, #tpu.memory_space<vmem_shared>> -> memref<64x128xf32, #tpu.memory_space<vmem_shared>>
    tpu.enqueue_indirect_dma source(%dma_start3A_571 : memref<128x128xf32, #tpu.memory_space<vmem>>) target(%dma_start3A_577 : memref<64x128xf32, #tpu.memory_space<vmem_shared>>) offsets(%dma_start3A_574 : memref<128xi32, #tpu.memory_space<vmem>>) semaphore(%arg17 : memref<!tpu.dma_semaphore, #tpu.memory_space<semaphore_mem>>) {add = true}
    %dma_start3A_578 = arith.constant 5 : i32
    %dma_start3A_579 = arith.constant 640 : i32
    %dma_start3A_580 = arith.constant 0 : i32
    %dma_start3A_581 = tpu.memref_slice %arg11[%dma_start3A_579, %dma_start3A_580] : memref<768x128xf32, #tpu.memory_space<vmem>> -> memref<128x128xf32, #tpu.memory_space<vmem>>
    %dma_start3A_582 = arith.constant 0 : i32
    %dma_start3A_583 = tpu.memref_slice %arg10[%dma_start3A_578, %dma_start3A_582] : memref<6x128xi32, #tpu.memory_space<vmem>> -> memref<1x128xi32, #tpu.memory_space<vmem>>
    %dma_start3A_584 = tpu.memref_squeeze %dma_start3A_583 : memref<1x128xi32, #tpu.memory_space<vmem>> -> memref<128xi32, #tpu.memory_space<vmem>>
    %dma_start3A_585 = arith.constant 0 : i32
    %dma_start3A_586 = arith.constant 0 : i32
    %dma_start3A_587 = tpu.memref_slice %arg13[%dma_start3A_585, %dma_start3A_586] : memref<64x128xf32, #tpu.memory_space<vmem_shared>> -> memref<64x128xf32, #tpu.memory_space<vmem_shared>>
    tpu.enqueue_indirect_dma source(%dma_start3A_581 : memref<128x128xf32, #tpu.memory_space<vmem>>) target(%dma_start3A_587 : memref<64x128xf32, #tpu.memory_space<vmem_shared>>) offsets(%dma_start3A_584 : memref<128xi32, #tpu.memory_space<vmem>>) semaphore(%arg17 : memref<!tpu.dma_semaphore, #tpu.memory_space<semaphore_mem>>) {add = true}
    %dma_wait3A_588 = arith.constant 3 : i32
    %dma_wait3A_589 = arith.constant 384 : i32
    %dma_wait3A_590 = arith.constant 0 : i32
    %dma_wait3A_591 = tpu.memref_slice %arg11[%dma_wait3A_589, %dma_wait3A_590] : memref<768x128xf32, #tpu.memory_space<vmem>> -> memref<128x128xf32, #tpu.memory_space<vmem>>
    %dma_wait3A_592 = arith.constant 0 : i32
    %dma_wait3A_593 = tpu.memref_slice %arg10[%dma_wait3A_588, %dma_wait3A_592] : memref<6x128xi32, #tpu.memory_space<vmem>> -> memref<1x128xi32, #tpu.memory_space<vmem>>
    %dma_wait3A_594 = tpu.memref_squeeze %dma_wait3A_593 : memref<1x128xi32, #tpu.memory_space<vmem>> -> memref<128xi32, #tpu.memory_space<vmem>>
    %dma_wait3A_595 = arith.constant 0 : i32
    %dma_wait3A_596 = arith.constant 0 : i32
    %dma_wait3A_597 = tpu.memref_slice %arg13[%dma_wait3A_595, %dma_wait3A_596] : memref<64x128xf32, #tpu.memory_space<vmem_shared>> -> memref<64x128xf32, #tpu.memory_space<vmem_shared>>
    tpu.wait_indirect_dma semaphore(%arg17 : memref<!tpu.dma_semaphore, #tpu.memory_space<semaphore_mem>>) src(%dma_wait3A_591 : memref<128x128xf32, #tpu.memory_space<vmem>>) dst(%dma_wait3A_597 : memref<64x128xf32, #tpu.memory_space<vmem_shared>>)
    %dma_wait3A_598 = arith.constant 4 : i32
    %dma_wait3A_599 = arith.constant 512 : i32
    %dma_wait3A_600 = arith.constant 0 : i32
    %dma_wait3A_601 = tpu.memref_slice %arg11[%dma_wait3A_599, %dma_wait3A_600] : memref<768x128xf32, #tpu.memory_space<vmem>> -> memref<128x128xf32, #tpu.memory_space<vmem>>
    %dma_wait3A_602 = arith.constant 0 : i32
    %dma_wait3A_603 = tpu.memref_slice %arg10[%dma_wait3A_598, %dma_wait3A_602] : memref<6x128xi32, #tpu.memory_space<vmem>> -> memref<1x128xi32, #tpu.memory_space<vmem>>
    %dma_wait3A_604 = tpu.memref_squeeze %dma_wait3A_603 : memref<1x128xi32, #tpu.memory_space<vmem>> -> memref<128xi32, #tpu.memory_space<vmem>>
    %dma_wait3A_605 = arith.constant 0 : i32
    %dma_wait3A_606 = arith.constant 0 : i32
    %dma_wait3A_607 = tpu.memref_slice %arg13[%dma_wait3A_605, %dma_wait3A_606] : memref<64x128xf32, #tpu.memory_space<vmem_shared>> -> memref<64x128xf32, #tpu.memory_space<vmem_shared>>
    tpu.wait_indirect_dma semaphore(%arg17 : memref<!tpu.dma_semaphore, #tpu.memory_space<semaphore_mem>>) src(%dma_wait3A_601 : memref<128x128xf32, #tpu.memory_space<vmem>>) dst(%dma_wait3A_607 : memref<64x128xf32, #tpu.memory_space<vmem_shared>>)
    %dma_wait3A_608 = arith.constant 5 : i32
    %dma_wait3A_609 = arith.constant 640 : i32
    %dma_wait3A_610 = arith.constant 0 : i32
    %dma_wait3A_611 = tpu.memref_slice %arg11[%dma_wait3A_609, %dma_wait3A_610] : memref<768x128xf32, #tpu.memory_space<vmem>> -> memref<128x128xf32, #tpu.memory_space<vmem>>
    %dma_wait3A_612 = arith.constant 0 : i32
    %dma_wait3A_613 = tpu.memref_slice %arg10[%dma_wait3A_608, %dma_wait3A_612] : memref<6x128xi32, #tpu.memory_space<vmem>> -> memref<1x128xi32, #tpu.memory_space<vmem>>
    %dma_wait3A_614 = tpu.memref_squeeze %dma_wait3A_613 : memref<1x128xi32, #tpu.memory_space<vmem>> -> memref<128xi32, #tpu.memory_space<vmem>>
    %dma_wait3A_615 = arith.constant 0 : i32
    %dma_wait3A_616 = arith.constant 0 : i32
    %dma_wait3A_617 = tpu.memref_slice %arg13[%dma_wait3A_615, %dma_wait3A_616] : memref<64x128xf32, #tpu.memory_space<vmem_shared>> -> memref<64x128xf32, #tpu.memory_space<vmem_shared>>
    tpu.wait_indirect_dma semaphore(%arg17 : memref<!tpu.dma_semaphore, #tpu.memory_space<semaphore_mem>>) src(%dma_wait3A_611 : memref<128x128xf32, #tpu.memory_space<vmem>>) dst(%dma_wait3A_617 : memref<64x128xf32, #tpu.memory_space<vmem_shared>>)
    %lt3A_618 = arith.constant 4 : i32
    %lt3A_619 = arith.cmpi slt, %add3A, %lt3A_618 : i32
    %convert_element_type3A_620 = arith.extui %lt3A_619 : i1 to i32
    %cond3A_621 = arith.constant 0 : i32
    %cond3A_622 = arith.cmpi ne, %convert_element_type3A_620, %cond3A_621 : i32
    scf.if %cond3A_622 {
      %add3A_631 = arith.constant 2496 : i32
      %add3A_632 = arith.addi %add3A_631, %add3A : i32
      %mul3A_633 = arith.constant 128 : i32
      %mul3A_634 = arith.muli %add3A_632, %mul3A_633 : i32
      %get3A_635 = arith.constant 5376 : index
      %get3A_636 = tpu.vector_load %arg9[%get3A_635] {strides = array<i32>} : memref<5504xi32, #tpu.memory_space<vmem>>, vector<16xi32>,
      %swap3A_637 = arith.constant 0 : i32
      %swap3A_638 = arith.index_cast %swap3A_637 : i32 to index
      %swap3A_639 = arith.constant 0 : index
      %swap3A_640 = tpu.vector_load %arg10[%swap3A_638, %swap3A_639] {strides = array<i32>} : memref<6x128xi32, #tpu.memory_space<vmem>>, vector<16xi32>,
      tpu.vector_store %arg10[%swap3A_638, %swap3A_639], %get3A_636 {strides = array<i32>} : memref<6x128xi32, #tpu.memory_space<vmem>>, vector<16xi32>,
      %get3A_641 = arith.constant 5392 : index
      %get3A_642 = tpu.vector_load %arg9[%get3A_641] {strides = array<i32>} : memref<5504xi32, #tpu.memory_space<vmem>>, vector<16xi32>,
      %swap3A_643 = arith.constant 0 : i32
      %swap3A_644 = arith.index_cast %swap3A_643 : i32 to index
      %swap3A_645 = arith.constant 16 : index
      %swap3A_646 = tpu.vector_load %arg10[%swap3A_644, %swap3A_645] {strides = array<i32>} : memref<6x128xi32, #tpu.memory_space<vmem>>, vector<16xi32>,
      tpu.vector_store %arg10[%swap3A_644, %swap3A_645], %get3A_642 {strides = array<i32>} : memref<6x128xi32, #tpu.memory_space<vmem>>, vector<16xi32>,
      %get3A_647 = arith.constant 5408 : index
      %get3A_648 = tpu.vector_load %arg9[%get3A_647] {strides = array<i32>} : memref<5504xi32, #tpu.memory_space<vmem>>, vector<16xi32>,
      %swap3A_649 = arith.constant 0 : i32
      %swap3A_650 = arith.index_cast %swap3A_649 : i32 to index
      %swap3A_651 = arith.constant 32 : index
      %swap3A_652 = tpu.vector_load %arg10[%swap3A_650, %swap3A_651] {strides = array<i32>} : memref<6x128xi32, #tpu.memory_space<vmem>>, vector<16xi32>,
      tpu.vector_store %arg10[%swap3A_650, %swap3A_651], %get3A_648 {strides = array<i32>} : memref<6x128xi32, #tpu.memory_space<vmem>>, vector<16xi32>,
      %get3A_653 = arith.constant 5424 : index
      %get3A_654 = tpu.vector_load %arg9[%get3A_653] {strides = array<i32>} : memref<5504xi32, #tpu.memory_space<vmem>>, vector<16xi32>,
      %swap3A_655 = arith.constant 0 : i32
      %swap3A_656 = arith.index_cast %swap3A_655 : i32 to index
      %swap3A_657 = arith.constant 48 : index
      %swap3A_658 = tpu.vector_load %arg10[%swap3A_656, %swap3A_657] {strides = array<i32>} : memref<6x128xi32, #tpu.memory_space<vmem>>, vector<16xi32>,
      tpu.vector_store %arg10[%swap3A_656, %swap3A_657], %get3A_654 {strides = array<i32>} : memref<6x128xi32, #tpu.memory_space<vmem>>, vector<16xi32>,
      %get3A_659 = arith.constant 5440 : index
      %get3A_660 = tpu.vector_load %arg9[%get3A_659] {strides = array<i32>} : memref<5504xi32, #tpu.memory_space<vmem>>, vector<16xi32>,
      %swap3A_661 = arith.constant 0 : i32
      %swap3A_662 = arith.index_cast %swap3A_661 : i32 to index
      %swap3A_663 = arith.constant 64 : index
      %swap3A_664 = tpu.vector_load %arg10[%swap3A_662, %swap3A_663] {strides = array<i32>} : memref<6x128xi32, #tpu.memory_space<vmem>>, vector<16xi32>,
      tpu.vector_store %arg10[%swap3A_662, %swap3A_663], %get3A_660 {strides = array<i32>} : memref<6x128xi32, #tpu.memory_space<vmem>>, vector<16xi32>,
      %get3A_665 = arith.constant 5456 : index
      %get3A_666 = tpu.vector_load %arg9[%get3A_665] {strides = array<i32>} : memref<5504xi32, #tpu.memory_space<vmem>>, vector<16xi32>,
      %swap3A_667 = arith.constant 0 : i32
      %swap3A_668 = arith.index_cast %swap3A_667 : i32 to index
      %swap3A_669 = arith.constant 80 : index
      %swap3A_670 = tpu.vector_load %arg10[%swap3A_668, %swap3A_669] {strides = array<i32>} : memref<6x128xi32, #tpu.memory_space<vmem>>, vector<16xi32>,
      tpu.vector_store %arg10[%swap3A_668, %swap3A_669], %get3A_666 {strides = array<i32>} : memref<6x128xi32, #tpu.memory_space<vmem>>, vector<16xi32>,
      %get3A_671 = arith.constant 5472 : index
      %get3A_672 = tpu.vector_load %arg9[%get3A_671] {strides = array<i32>} : memref<5504xi32, #tpu.memory_space<vmem>>, vector<16xi32>,
      %swap3A_673 = arith.constant 0 : i32
      %swap3A_674 = arith.index_cast %swap3A_673 : i32 to index
      %swap3A_675 = arith.constant 96 : index
      %swap3A_676 = tpu.vector_load %arg10[%swap3A_674, %swap3A_675] {strides = array<i32>} : memref<6x128xi32, #tpu.memory_space<vmem>>, vector<16xi32>,
      tpu.vector_store %arg10[%swap3A_674, %swap3A_675], %get3A_672 {strides = array<i32>} : memref<6x128xi32, #tpu.memory_space<vmem>>, vector<16xi32>,
      %get3A_677 = arith.constant 5488 : index
      %get3A_678 = tpu.vector_load %arg9[%get3A_677] {strides = array<i32>} : memref<5504xi32, #tpu.memory_space<vmem>>, vector<16xi32>,
      %swap3A_679 = arith.constant 0 : i32
      %swap3A_680 = arith.index_cast %swap3A_679 : i32 to index
      %swap3A_681 = arith.constant 112 : index
      %swap3A_682 = tpu.vector_load %arg10[%swap3A_680, %swap3A_681] {strides = array<i32>} : memref<6x128xi32, #tpu.memory_space<vmem>>, vector<16xi32>,
      tpu.vector_store %arg10[%swap3A_680, %swap3A_681], %get3A_678 {strides = array<i32>} : memref<6x128xi32, #tpu.memory_space<vmem>>, vector<16xi32>,
      "tpu.region"() ({
        %run_scoped3A_683 = tpu.sem_alloc : memref<!tpu.dma_semaphore, #tpu.memory_space<semaphore_mem>>
        %dma_start3A_684 = arith.constant 0 : i32
        %dma_start3A_685 = arith.constant 0 : i32
        %dma_start3A_686 = tpu.memref_slice %arg11[%dma_start3A_684, %dma_start3A_685] : memref<768x128xf32, #tpu.memory_space<vmem>> -> memref<128x128xf32, #tpu.memory_space<vmem>>
        %dma_start3A_687 = arith.constant 0 : i32
        %dma_start3A_688 = tpu.memref_slice %arg2[%mul3A_634, %dma_start3A_687] : memref<320000x128xf32, #tpu.memory_space<hbm>> -> memref<128x128xf32, #tpu.memory_space<hbm>>
        %dma_start3A_689 = arith.constant 0 : i32
        %dma_start3A_690 = arith.constant 0 : i32
        %dma_start3A_691 = tpu.memref_slice %arg11[%dma_start3A_689, %dma_start3A_690] : memref<768x128xf32, #tpu.memory_space<vmem>> -> memref<128x128xf32, #tpu.memory_space<vmem>>
        %dma_start3A_692 = arith.constant 0 : i32
        %dma_start3A_693 = tpu.memref_slice %arg2[%mul3A_634, %dma_start3A_692] : memref<320000x128xf32, #tpu.memory_space<hbm>> -> memref<128x128xf32, #tpu.memory_space<hbm>>
        tpu.enqueue_dma source(%dma_start3A_693 : memref<128x128xf32, #tpu.memory_space<hbm>>) target(%dma_start3A_691 : memref<128x128xf32, #tpu.memory_space<vmem>>) target_semaphore(%run_scoped3A_683 : memref<!tpu.dma_semaphore, #tpu.memory_space<semaphore_mem>>)
        %dma_wait3A_694 = arith.constant 0 : i32
        %dma_wait3A_695 = arith.constant 0 : i32
        %dma_wait3A_696 = tpu.memref_slice %arg11[%dma_wait3A_694, %dma_wait3A_695] : memref<768x128xf32, #tpu.memory_space<vmem>> -> memref<128x128xf32, #tpu.memory_space<vmem>>
        %dma_wait3A_697 = arith.constant 0 : i32
        %dma_wait3A_698 = tpu.memref_slice %arg2[%mul3A_634, %dma_wait3A_697] : memref<320000x128xf32, #tpu.memory_space<hbm>> -> memref<128x128xf32, #tpu.memory_space<hbm>>
        %dma_wait3A_699 = arith.constant 0 : i32
        %dma_wait3A_700 = arith.constant 0 : i32
        %dma_wait3A_701 = tpu.memref_slice %arg11[%dma_wait3A_699, %dma_wait3A_700] : memref<768x128xf32, #tpu.memory_space<vmem>> -> memref<128x128xf32, #tpu.memory_space<vmem>>
        %dma_wait3A_702 = arith.constant 0 : i32
        %dma_wait3A_703 = tpu.memref_slice %arg2[%mul3A_634, %dma_wait3A_702] : memref<320000x128xf32, #tpu.memory_space<hbm>> -> memref<128x128xf32, #tpu.memory_space<hbm>>
        tpu.wait_dma2 semaphore(%run_scoped3A_683 : memref<!tpu.dma_semaphore, #tpu.memory_space<semaphore_mem>>) src(%dma_wait3A_703 : memref<128x128xf32, #tpu.memory_space<hbm>>) dst(%dma_wait3A_701 : memref<128x128xf32, #tpu.memory_space<vmem>>)
        tpu.yield
      }) : () -> ()
      %run_scoped3A = arith.constant 0 : i32
      "tpu.region"() ({
        %run_scoped3A_683 = tpu.sem_alloc : memref<!tpu.dma_semaphore, #tpu.memory_space<semaphore_mem>>
        %dma_start3A_684 = arith.constant 0 : i32
        %dma_start3A_685 = arith.constant 0 : i32
        %dma_start3A_686 = tpu.memref_slice %arg11[%dma_start3A_684, %dma_start3A_685] : memref<768x128xf32, #tpu.memory_space<vmem>> -> memref<128x128xf32, #tpu.memory_space<vmem>>
        %dma_start3A_687 = arith.constant 0 : i32
        %dma_start3A_688 = tpu.memref_slice %arg10[%run_scoped3A, %dma_start3A_687] : memref<6x128xi32, #tpu.memory_space<vmem>> -> memref<1x128xi32, #tpu.memory_space<vmem>>
        %dma_start3A_689 = tpu.memref_squeeze %dma_start3A_688 : memref<1x128xi32, #tpu.memory_space<vmem>> -> memref<128xi32, #tpu.memory_space<vmem>>
        %dma_start3A_690 = arith.constant 0 : i32
        %dma_start3A_691 = arith.constant 0 : i32
        %dma_start3A_692 = tpu.memref_slice %arg13[%dma_start3A_690, %dma_start3A_691] : memref<64x128xf32, #tpu.memory_space<vmem_shared>> -> memref<64x128xf32, #tpu.memory_space<vmem_shared>>
        tpu.enqueue_indirect_dma source(%dma_start3A_686 : memref<128x128xf32, #tpu.memory_space<vmem>>) target(%dma_start3A_692 : memref<64x128xf32, #tpu.memory_space<vmem_shared>>) offsets(%dma_start3A_689 : memref<128xi32, #tpu.memory_space<vmem>>) semaphore(%run_scoped3A_683 : memref<!tpu.dma_semaphore, #tpu.memory_space<semaphore_mem>>) {add = true}
        %dma_wait3A_693 = arith.constant 0 : i32
        %dma_wait3A_694 = arith.constant 0 : i32
        %dma_wait3A_695 = tpu.memref_slice %arg11[%dma_wait3A_693, %dma_wait3A_694] : memref<768x128xf32, #tpu.memory_space<vmem>> -> memref<128x128xf32, #tpu.memory_space<vmem>>
        %dma_wait3A_696 = arith.constant 0 : i32
        %dma_wait3A_697 = tpu.memref_slice %arg10[%run_scoped3A, %dma_wait3A_696] : memref<6x128xi32, #tpu.memory_space<vmem>> -> memref<1x128xi32, #tpu.memory_space<vmem>>
        %dma_wait3A_698 = tpu.memref_squeeze %dma_wait3A_697 : memref<1x128xi32, #tpu.memory_space<vmem>> -> memref<128xi32, #tpu.memory_space<vmem>>
        %dma_wait3A_699 = arith.constant 0 : i32
        %dma_wait3A_700 = arith.constant 0 : i32
        %dma_wait3A_701 = tpu.memref_slice %arg13[%dma_wait3A_699, %dma_wait3A_700] : memref<64x128xf32, #tpu.memory_space<vmem_shared>> -> memref<64x128xf32, #tpu.memory_space<vmem_shared>>
        tpu.wait_indirect_dma semaphore(%run_scoped3A_683 : memref<!tpu.dma_semaphore, #tpu.memory_space<semaphore_mem>>) src(%dma_wait3A_695 : memref<128x128xf32, #tpu.memory_space<vmem>>) dst(%dma_wait3A_701 : memref<64x128xf32, #tpu.memory_space<vmem_shared>>)
        tpu.yield
      }) : () -> ()
    } else {
    }
    %mul3A_623 = arith.constant 64 : i32
    %mul3A_624 = arith.muli %add3A, %mul3A_623 : i32
    "tpu.region"() ({
      %run_scoped3A = tpu.sem_alloc : memref<!tpu.dma_semaphore, #tpu.memory_space<semaphore_mem>>
      %dma_start3A_631 = tpu.memref_slice %arg7[%mul3A_624] : memref<2048xf32, #tpu.memory_space<hbm>> -> memref<64xf32, #tpu.memory_space<hbm>>
      %dma_start3A_632 = tpu.memref_slice %arg7[%mul3A_624] : memref<2048xf32, #tpu.memory_space<hbm>> -> memref<64xf32, #tpu.memory_space<hbm>>
      tpu.enqueue_dma source(%arg12 : memref<64xf32, #tpu.memory_space<vmem>>) target(%dma_start3A_632 : memref<64xf32, #tpu.memory_space<hbm>>) target_semaphore(%run_scoped3A : memref<!tpu.dma_semaphore, #tpu.memory_space<semaphore_mem>>)
      %dma_wait3A_633 = tpu.memref_slice %arg7[%mul3A_624] : memref<2048xf32, #tpu.memory_space<hbm>> -> memref<64xf32, #tpu.memory_space<hbm>>
      %dma_wait3A_634 = tpu.memref_slice %arg7[%mul3A_624] : memref<2048xf32, #tpu.memory_space<hbm>> -> memref<64xf32, #tpu.memory_space<hbm>>
      tpu.wait_dma2 semaphore(%run_scoped3A : memref<!tpu.dma_semaphore, #tpu.memory_space<semaphore_mem>>) src(%arg12 : memref<64xf32, #tpu.memory_space<vmem>>) dst(%dma_wait3A_634 : memref<64xf32, #tpu.memory_space<hbm>>)
      tpu.yield
    }) : () -> ()
    %barrier3A_625 = arith.constant 0 : index
    tpu.barrier barrier_id(%barrier3A_625)
    %eq3A_626 = arith.constant 0 : i32
    %eq3A_627 = arith.cmpi eq, %arg1, %eq3A_626 : i32
    %convert_element_type3A_628 = arith.extui %eq3A_627 : i1 to i32
    %cond3A_629 = arith.constant 0 : i32
    %cond3A_630 = arith.cmpi ne, %convert_element_type3A_628, %cond3A_629 : i32
    scf.if %cond3A_630 {
      "tpu.region"() ({
        %run_scoped3A = tpu.sem_alloc : memref<!tpu.dma_semaphore, #tpu.memory_space<semaphore_mem>>
        %dma_start3A_631 = arith.constant 0 : i32
        %dma_start3A_632 = arith.constant 0 : i32
        %dma_start3A_633 = tpu.memref_slice %arg6[%arg0, %dma_start3A_631, %dma_start3A_632] : memref<2x64x128xf32, #tpu.memory_space<hbm>> -> memref<1x64x128xf32, #tpu.memory_space<hbm>>
        %dma_start3A_634 = tpu.memref_squeeze %dma_start3A_633 : memref<1x64x128xf32, #tpu.memory_space<hbm>> -> memref<64x128xf32, #tpu.memory_space<hbm>>
        tpu.enqueue_dma source(%arg13 : memref<64x128xf32, #tpu.memory_space<vmem_shared>>) target(%dma_start3A_634 : memref<64x128xf32, #tpu.memory_space<hbm>>) target_semaphore(%run_scoped3A : memref<!tpu.dma_semaphore, #tpu.memory_space<semaphore_mem>>)
        %dma_wait3A_635 = arith.constant 0 : i32
        %dma_wait3A_636 = arith.constant 0 : i32
        %dma_wait3A_637 = tpu.memref_slice %arg6[%arg0, %dma_wait3A_635, %dma_wait3A_636] : memref<2x64x128xf32, #tpu.memory_space<hbm>> -> memref<1x64x128xf32, #tpu.memory_space<hbm>>
        %dma_wait3A_638 = tpu.memref_squeeze %dma_wait3A_637 : memref<1x64x128xf32, #tpu.memory_space<hbm>> -> memref<64x128xf32, #tpu.memory_space<hbm>>
        tpu.wait_dma2 semaphore(%run_scoped3A : memref<!tpu.dma_semaphore, #tpu.memory_space<semaphore_mem>>) src(%arg13 : memref<64x128xf32, #tpu.memory_space<vmem_shared>>) dst(%dma_wait3A_638 : memref<64x128xf32, #tpu.memory_space<hbm>>)
        tpu.yield
      }) : () -> ()
    } else {
    }
    return
  }
}

module attributes {stable_mosaic.version = 14 : i64} {
  func.func @_tc_extract_body(%arg0: i32, %arg1: memref<2x131072xi32, #tpu.memory_space<vmem>>, %arg2: memref<131072xi32, #tpu.memory_space<vmem>>) attributes {dimension_semantics = [#tpu.dimension_semantics<arbitrary>], iteration_bounds = array<i64: 3>, scalar_prefetch = 0 : i64, scratch_operands = 0 : i64, tpu.core_type = #tpu.core_type<tc>, window_params = [{transform_indices = @transform_0, window_bounds = array<i64: 2, 131072>}, {transform_indices = @transform_1, window_bounds = array<i64: 131072>}]} {
    %get3A = arith.constant 1 : index
    %get3A_0 = arith.constant 0 : index
    %get3A_1 = vector.load %arg1[%get3A, %get3A_0] : memref<2x131072xi32, #tpu.memory_space<vmem>>, vector<1x131072xi32>
    %get3A_2 = vector.shape_cast %get3A_1 : vector<1x131072xi32> to vector<131072xi32>
    %swap3A = arith.constant 0 : index
    %swap3A_3 = vector.load %arg2[%swap3A] : memref<131072xi32, #tpu.memory_space<vmem>>, vector<131072xi32>
    tpu.vector_store %arg2[%swap3A], %get3A_2 {strides = array<i32>} : memref<131072xi32, #tpu.memory_space<vmem>>, vector<131072xi32>,
    return
  }
  func.func @transform_0(%arg0: i32) -> (i32, i32) {
    %c0_i32 = arith.constant 0 : i32
    %c0_i32_0 = arith.constant 0 : i32
    return %c0_i32, %arg0 : i32, i32
  }
  func.func @transform_1(%arg0: i32) -> i32 {
    %c0_i32 = arith.constant 0 : i32
    return %arg0 : i32
  }
}

module attributes {stable_mosaic.version = 14 : i64} {
  func.func @_tc_node_body(%arg0: i32, %arg1: memref<2000x128xf32, #tpu.memory_space<vmem>>, %arg2: memref<1x1x2000xi32, #tpu.memory_space<vmem>>, %arg3: memref<64x128xf32, #tpu.memory_space<vmem>>, %arg4: memref<64x1xf32, #tpu.memory_space<vmem>>, %arg5: memref<64x1xf32, #tpu.memory_space<vmem>>) attributes {dimension_semantics = [#tpu.dimension_semantics<arbitrary>], iteration_bounds = array<i64: 5>, scalar_prefetch = 0 : i64, scratch_operands = 1 : i64, tpu.core_type = #tpu.core_type<tc>, window_params = [{transform_indices = @transform_0, window_bounds = array<i64: 2000, 128>}, {transform_indices = @transform_1, window_bounds = array<i64: 1, 1, 2000>}, {pipeline_mode = #tpu.pipeline_mode<synchronous>, transform_indices = @transform_2, window_bounds = array<i64: 64, 128>}, {pipeline_mode = #tpu.pipeline_mode<synchronous>, transform_indices = @transform_3, window_bounds = array<i64: 64, 1>}]} {
    %eq3A = arith.constant 0 : i32
    %eq3A_0 = arith.cmpi eq, %arg0, %eq3A : i32
    %convert_element_type3A = arith.extui %eq3A_0 : i1 to i32
    %cond3A = arith.constant 0 : i32
    %cond3A_1 = arith.cmpi ne, %convert_element_type3A, %cond3A : i32
    scf.if %cond3A_1 {
      %broadcast_in_dim3A_33 = arith.constant 0.000000e+00 : f32
      %broadcast_in_dim3A_34 = vector.broadcast %broadcast_in_dim3A_33 : f32 to vector<64x128xf32>
      %swap3A_35 = arith.constant 0 : index
      %swap3A_36 = arith.constant 0 : index
      %swap3A_37 = vector.load %arg3[%swap3A_35, %swap3A_36] : memref<64x128xf32, #tpu.memory_space<vmem>>, vector<64x128xf32>
      tpu.vector_store %arg3[%swap3A_35, %swap3A_36], %broadcast_in_dim3A_34 {strides = array<i32>} : memref<64x128xf32, #tpu.memory_space<vmem>>, vector<64x128xf32>,
      %broadcast_in_dim3A_38 = arith.constant 0.000000e+00 : f32
      %broadcast_in_dim3A_39 = vector.broadcast %broadcast_in_dim3A_38 : f32 to vector<64x1xf32>
      %swap3A_40 = arith.constant 0 : index
      %swap3A_41 = arith.constant 0 : index
      %swap3A_42 = vector.load %arg5[%swap3A_40, %swap3A_41] : memref<64x1xf32, #tpu.memory_space<vmem>>, vector<64x1xf32>
      tpu.vector_store %arg5[%swap3A_40, %swap3A_41], %broadcast_in_dim3A_39 {strides = array<i32>} : memref<64x1xf32, #tpu.memory_space<vmem>>, vector<64x1xf32>,
    } else {
    }
    %get3A = arith.constant 0 : index
    %get3A_2 = arith.constant 0 : index
    %get3A_3 = arith.constant 0 : index
    %get3A_4 = vector.load %arg2[%get3A, %get3A_2, %get3A_3] : memref<1x1x2000xi32, #tpu.memory_space<vmem>>, vector<1x1x2000xi32>
    %get3A_5 = vector.shape_cast %get3A_4 : vector<1x1x2000xi32> to vector<1x2000xi32>
    %broadcast_in_dim3A = vector.shape_cast %get3A_5 : vector<1x2000xi32> to vector<1x2000xi32>
    %broadcast_in_dim3A_6 = vector.broadcast %broadcast_in_dim3A : vector<1x2000xi32> to vector<64x2000xi32>
    %iota3A = tpu.iota {dimensions = array<i32: 0>} : vector<64x2000xi32>
    %eq3A_7 = arith.cmpi eq, %broadcast_in_dim3A_6, %iota3A : vector<64x2000xi32>
    %convert_element_type3A_8 = arith.extui %eq3A_7 : vector<64x2000xi1> to vector<64x2000xi32>
    %convert_element_type3A_9 = arith.sitofp %convert_element_type3A_8 : vector<64x2000xi32> to vector<64x2000xf32>
    %get3A_10 = arith.constant 0 : index
    %get3A_11 = arith.constant 0 : index
    %get3A_12 = vector.load %arg3[%get3A_10, %get3A_11] : memref<64x128xf32, #tpu.memory_space<vmem>>, vector<64x128xf32>
    %get3A_13 = arith.constant 0 : index
    %get3A_14 = arith.constant 0 : index
    %get3A_15 = vector.load %arg1[%get3A_13, %get3A_14] : memref<2000x128xf32, #tpu.memory_space<vmem>>, vector<2000x128xf32>
    %dot_general3A = arith.constant dense<0.000000e+00> : vector<64x128xf32>
    %dot_general3A_16 = tpu.matmul %convert_element_type3A_9, %get3A_15, %dot_general3A {dimension_numbers = #tpu.dot_dimension_numbers<[1], [0], [0], [1], [0, 0, 1, 1], [], []>, precision = #tpu.contract_precision<fp32>, transpose_lhs_hint = false} : vector<64x2000xf32>, vector<2000x128xf32>, vector<64x128xf32> -> vector<64x128xf32>
    %add3A = arith.addf %get3A_12, %dot_general3A_16 : vector<64x128xf32>
    %swap3A = arith.constant 0 : index
    %swap3A_17 = arith.constant 0 : index
    %swap3A_18 = vector.load %arg3[%swap3A, %swap3A_17] : memref<64x128xf32, #tpu.memory_space<vmem>>, vector<64x128xf32>
    tpu.vector_store %arg3[%swap3A, %swap3A_17], %add3A {strides = array<i32>} : memref<64x128xf32, #tpu.memory_space<vmem>>, vector<64x128xf32>,
    %get3A_19 = arith.constant 0 : index
    %get3A_20 = arith.constant 0 : index
    %get3A_21 = vector.load %arg5[%get3A_19, %get3A_20] : memref<64x1xf32, #tpu.memory_space<vmem>>, vector<64x1xf32>
    %reduce_sum3A = arith.constant dense<0.000000e+00> : vector<64xf32>
    %reduce_sum3A_22 = vector.multi_reduction <add>, %convert_element_type3A_9, %reduce_sum3A [1] : vector<64x2000xf32> to vector<64xf32>
    %broadcast_in_dim3A_23 = vector.shape_cast %reduce_sum3A_22 : vector<64xf32> to vector<64x1xf32>
    %add3A_24 = arith.addf %get3A_21, %broadcast_in_dim3A_23 : vector<64x1xf32>
    %swap3A_25 = arith.constant 0 : index
    %swap3A_26 = arith.constant 0 : index
    %swap3A_27 = vector.load %arg5[%swap3A_25, %swap3A_26] : memref<64x1xf32, #tpu.memory_space<vmem>>, vector<64x1xf32>
    tpu.vector_store %arg5[%swap3A_25, %swap3A_26], %add3A_24 {strides = array<i32>} : memref<64x1xf32, #tpu.memory_space<vmem>>, vector<64x1xf32>,
    %eq3A_28 = arith.constant 4 : i32
    %eq3A_29 = arith.cmpi eq, %arg0, %eq3A_28 : i32
    %convert_element_type3A_30 = arith.extui %eq3A_29 : i1 to i32
    %cond3A_31 = arith.constant 0 : i32
    %cond3A_32 = arith.cmpi ne, %convert_element_type3A_30, %cond3A_31 : i32
    scf.if %cond3A_32 {
      %get3A_33 = arith.constant 0 : index
      %get3A_34 = arith.constant 0 : index
      %get3A_35 = vector.load %arg5[%get3A_33, %get3A_34] : memref<64x1xf32, #tpu.memory_space<vmem>>, vector<64x1xf32>
      %get3A_36 = arith.constant 0 : index
      %get3A_37 = arith.constant 0 : index
      %get3A_38 = vector.load %arg3[%get3A_36, %get3A_37] : memref<64x128xf32, #tpu.memory_space<vmem>>, vector<64x128xf32>
      %max3A = arith.constant 1.000000e+00 : f32
      %max3A_39 = vector.broadcast %max3A : f32 to vector<64x1xf32>
      %max3A_40 = arith.maximumf %get3A_35, %max3A_39 : vector<64x1xf32>
      %div3A = vector.broadcast %max3A_40 : vector<64x1xf32> to vector<64x128xf32>
      %div3A_41 = arith.divf %get3A_38, %div3A : vector<64x128xf32>
      %swap3A_42 = arith.constant 0 : index
      %swap3A_43 = arith.constant 0 : index
      %swap3A_44 = vector.load %arg3[%swap3A_42, %swap3A_43] : memref<64x128xf32, #tpu.memory_space<vmem>>, vector<64x128xf32>
      tpu.vector_store %arg3[%swap3A_42, %swap3A_43], %div3A_41 {strides = array<i32>} : memref<64x128xf32, #tpu.memory_space<vmem>>, vector<64x128xf32>,
      %iota3A_45 = tpu.iota {dimensions = array<i32: 0>} : vector<64x64xi32>
      %iota3A_46 = tpu.iota {dimensions = array<i32: 1>} : vector<64x64xi32>
      %lt3A = arith.cmpi slt, %iota3A_46, %iota3A_45 : vector<64x64xi32>
      %convert_element_type3A_47 = arith.extui %lt3A : vector<64x64xi1> to vector<64x64xi32>
      %convert_element_type3A_48 = arith.sitofp %convert_element_type3A_47 : vector<64x64xi32> to vector<64x64xf32>
      %dot_general3A_49 = arith.constant dense<0.000000e+00> : vector<64x1xf32>
      %dot_general3A_50 = tpu.matmul %convert_element_type3A_48, %get3A_35, %dot_general3A_49 {dimension_numbers = #tpu.dot_dimension_numbers<[1], [0], [0], [1], [0, 0, 1, 1], [], []>, precision = #tpu.contract_precision<fp32>, transpose_lhs_hint = false} : vector<64x64xf32>, vector<64x1xf32>, vector<64x1xf32> -> vector<64x1xf32>
      %swap3A_51 = arith.constant 0 : index
      %swap3A_52 = arith.constant 0 : index
      %swap3A_53 = vector.load %arg4[%swap3A_51, %swap3A_52] : memref<64x1xf32, #tpu.memory_space<vmem>>, vector<64x1xf32>
      tpu.vector_store %arg4[%swap3A_51, %swap3A_52], %dot_general3A_50 {strides = array<i32>} : memref<64x1xf32, #tpu.memory_space<vmem>>, vector<64x1xf32>,
    } else {
    }
    return
  }
  func.func @transform_0(%arg0: i32) -> (i32, i32) {
    %c0_i32 = arith.constant 0 : i32
    %c0_i32_0 = arith.constant 0 : i32
    return %arg0, %c0_i32 : i32, i32
  }
  func.func @transform_1(%arg0: i32) -> (i32, i32, i32) {
    %c0_i32 = arith.constant 0 : i32
    %c0_i32_0 = arith.constant 0 : i32
    %c0_i32_1 = arith.constant 0 : i32
    return %arg0, %c0_i32, %c0_i32_0 : i32, i32, i32
  }
  func.func @transform_2(%arg0: i32) -> (i32, i32) {
    %c0_i32 = arith.constant 0 : i32
    %c0_i32_0 = arith.constant 0 : i32
    %c0_i32_1 = arith.constant 0 : i32
    return %c0_i32, %c0_i32_0 : i32, i32
  }
  func.func @transform_3(%arg0: i32) -> (i32, i32) {
    %c0_i32 = arith.constant 0 : i32
    %c0_i32_0 = arith.constant 0 : i32
    %c0_i32_1 = arith.constant 0 : i32
    return %c0_i32, %c0_i32_0 : i32, i32
  }
}

module attributes {stable_mosaic.version = 14 : i64} {
  func.func @_tc_edge_body(%arg0: i32, %arg1: memref<8192x128xf32, #tpu.memory_space<vmem>>, %arg2: memref<2x8192xi32, #tpu.memory_space<vmem>>, %arg3: memref<64x1xf32, #tpu.memory_space<vmem>>, %arg4: memref<64x128xf32, #tpu.memory_space<vmem>>, %arg5: memref<64x1xf32, #tpu.memory_space<vmem>>) attributes {dimension_semantics = [#tpu.dimension_semantics<arbitrary>], iteration_bounds = array<i64: 18>, scalar_prefetch = 0 : i64, scratch_operands = 0 : i64, tpu.core_type = #tpu.core_type<tc>, window_params = [{transform_indices = @transform_0, window_bounds = array<i64: 8192, 128>}, {transform_indices = @transform_1, window_bounds = array<i64: 2, 8192>}, {pipeline_mode = #tpu.pipeline_mode<synchronous>, transform_indices = @transform_2, window_bounds = array<i64: 64, 1>}, {pipeline_mode = #tpu.pipeline_mode<synchronous>, transform_indices = @transform_3, window_bounds = array<i64: 64, 128>}, {pipeline_mode = #tpu.pipeline_mode<synchronous>, transform_indices = @transform_4, window_bounds = array<i64: 64, 1>}]} {
    %eq3A = arith.constant 0 : i32
    %eq3A_0 = arith.cmpi eq, %arg0, %eq3A : i32
    %convert_element_type3A = arith.extui %eq3A_0 : i1 to i32
    %cond3A = arith.constant 0 : i32
    %cond3A_1 = arith.cmpi ne, %convert_element_type3A, %cond3A : i32
    scf.if %cond3A_1 {
      %broadcast_in_dim3A_39 = arith.constant 0.000000e+00 : f32
      %broadcast_in_dim3A_40 = vector.broadcast %broadcast_in_dim3A_39 : f32 to vector<64x128xf32>
      %swap3A_41 = arith.constant 0 : index
      %swap3A_42 = arith.constant 0 : index
      %swap3A_43 = vector.load %arg4[%swap3A_41, %swap3A_42] : memref<64x128xf32, #tpu.memory_space<vmem>>, vector<64x128xf32>
      tpu.vector_store %arg4[%swap3A_41, %swap3A_42], %broadcast_in_dim3A_40 {strides = array<i32>} : memref<64x128xf32, #tpu.memory_space<vmem>>, vector<64x128xf32>,
      %broadcast_in_dim3A_44 = arith.constant 0.000000e+00 : f32
      %broadcast_in_dim3A_45 = vector.broadcast %broadcast_in_dim3A_44 : f32 to vector<64x1xf32>
      %swap3A_46 = arith.constant 0 : index
      %swap3A_47 = arith.constant 0 : index
      %swap3A_48 = vector.load %arg5[%swap3A_46, %swap3A_47] : memref<64x1xf32, #tpu.memory_space<vmem>>, vector<64x1xf32>
      tpu.vector_store %arg5[%swap3A_46, %swap3A_47], %broadcast_in_dim3A_45 {strides = array<i32>} : memref<64x1xf32, #tpu.memory_space<vmem>>, vector<64x1xf32>,
    } else {
    }
    %get3A = arith.constant 1 : index
    %get3A_2 = arith.constant 0 : index
    %get3A_3 = vector.load %arg2[%get3A, %get3A_2] : memref<2x8192xi32, #tpu.memory_space<vmem>>, vector<1x8192xi32>
    %convert_element_type3A_4 = arith.sitofp %get3A_3 : vector<1x8192xi32> to vector<1x8192xf32>
    %get3A_5 = arith.constant 0 : index
    %get3A_6 = arith.constant 0 : index
    %get3A_7 = vector.load %arg3[%get3A_5, %get3A_6] : memref<64x1xf32, #tpu.memory_space<vmem>>, vector<64x1xf32>
    %le3A = vector.broadcast %get3A_7 : vector<64x1xf32> to vector<64x8192xf32>
    %le3A_8 = vector.broadcast %convert_element_type3A_4 : vector<1x8192xf32> to vector<64x8192xf32>
    %le3A_9 = arith.cmpf ole, %le3A, %le3A_8 : vector<64x8192xf32>
    %convert_element_type3A_10 = arith.extui %le3A_9 : vector<64x8192xi1> to vector<64x8192xi32>
    %convert_element_type3A_11 = arith.sitofp %convert_element_type3A_10 : vector<64x8192xi32> to vector<64x8192xf32>
    %reduce_sum3A = arith.constant dense<0.000000e+00> : vector<8192xf32>
    %reduce_sum3A_12 = vector.multi_reduction <add>, %convert_element_type3A_11, %reduce_sum3A [0] : vector<64x8192xf32> to vector<8192xf32>
    %broadcast_in_dim3A = vector.shape_cast %reduce_sum3A_12 : vector<8192xf32> to vector<1x8192xf32>
    %sub3A = arith.constant 1.000000e+00 : f32
    %sub3A_13 = vector.broadcast %sub3A : f32 to vector<1x8192xf32>
    %sub3A_14 = arith.subf %broadcast_in_dim3A, %sub3A_13 : vector<1x8192xf32>
    %convert_element_type3A_15 = arith.fptosi %sub3A_14 : vector<1x8192xf32> to vector<1x8192xi32>
    %iota3A = tpu.iota {dimensions = array<i32: 0>} : vector<64x8192xi32>
    %eq3A_16 = vector.broadcast %convert_element_type3A_15 : vector<1x8192xi32> to vector<64x8192xi32>
    %eq3A_17 = arith.cmpi eq, %iota3A, %eq3A_16 : vector<64x8192xi32>
    %convert_element_type3A_18 = arith.extui %eq3A_17 : vector<64x8192xi1> to vector<64x8192xi32>
    %convert_element_type3A_19 = arith.sitofp %convert_element_type3A_18 : vector<64x8192xi32> to vector<64x8192xf32>
    %get3A_20 = arith.constant 0 : index
    %get3A_21 = arith.constant 0 : index
    %get3A_22 = vector.load %arg4[%get3A_20, %get3A_21] : memref<64x128xf32, #tpu.memory_space<vmem>>, vector<64x128xf32>
    %get3A_23 = arith.constant 0 : index
    %get3A_24 = arith.constant 0 : index
    %get3A_25 = vector.load %arg1[%get3A_23, %get3A_24] : memref<8192x128xf32, #tpu.memory_space<vmem>>, vector<8192x128xf32>
    %dot_general3A = arith.constant dense<0.000000e+00> : vector<64x128xf32>
    %dot_general3A_26 = tpu.matmul %convert_element_type3A_19, %get3A_25, %dot_general3A {dimension_numbers = #tpu.dot_dimension_numbers<[1], [0], [0], [1], [0, 0, 1, 1], [], []>, precision = #tpu.contract_precision<fp32>, transpose_lhs_hint = false} : vector<64x8192xf32>, vector<8192x128xf32>, vector<64x128xf32> -> vector<64x128xf32>
    %add3A = arith.addf %get3A_22, %dot_general3A_26 : vector<64x128xf32>
    %swap3A = arith.constant 0 : index
    %swap3A_27 = arith.constant 0 : index
    %swap3A_28 = vector.load %arg4[%swap3A, %swap3A_27] : memref<64x128xf32, #tpu.memory_space<vmem>>, vector<64x128xf32>
    tpu.vector_store %arg4[%swap3A, %swap3A_27], %add3A {strides = array<i32>} : memref<64x128xf32, #tpu.memory_space<vmem>>, vector<64x128xf32>,
    %get3A_29 = arith.constant 0 : index
    %get3A_30 = arith.constant 0 : index
    %get3A_31 = vector.load %arg5[%get3A_29, %get3A_30] : memref<64x1xf32, #tpu.memory_space<vmem>>, vector<64x1xf32>
    %reduce_sum3A_32 = arith.constant dense<0.000000e+00> : vector<64xf32>
    %reduce_sum3A_33 = vector.multi_reduction <add>, %convert_element_type3A_19, %reduce_sum3A_32 [1] : vector<64x8192xf32> to vector<64xf32>
    %broadcast_in_dim3A_34 = vector.shape_cast %reduce_sum3A_33 : vector<64xf32> to vector<64x1xf32>
    %add3A_35 = arith.addf %get3A_31, %broadcast_in_dim3A_34 : vector<64x1xf32>
    %swap3A_36 = arith.constant 0 : index
    %swap3A_37 = arith.constant 0 : index
    %swap3A_38 = vector.load %arg5[%swap3A_36, %swap3A_37] : memref<64x1xf32, #tpu.memory_space<vmem>>, vector<64x1xf32>
    tpu.vector_store %arg5[%swap3A_36, %swap3A_37], %add3A_35 {strides = array<i32>} : memref<64x1xf32, #tpu.memory_space<vmem>>, vector<64x1xf32>,
    return
  }
  func.func @transform_0(%arg0: i32) -> (i32, i32) {
    %add3A = arith.constant 21 : i32
    %add3A_0 = arith.addi %add3A, %arg0 : i32
    %c0_i32 = arith.constant 0 : i32
    %c0_i32_1 = arith.constant 0 : i32
    return %add3A_0, %c0_i32 : i32, i32
  }
  func.func @transform_1(%arg0: i32) -> (i32, i32) {
    %add3A = arith.constant 21 : i32
    %add3A_0 = arith.addi %add3A, %arg0 : i32
    %c0_i32 = arith.constant 0 : i32
    %c0_i32_1 = arith.constant 0 : i32
    return %c0_i32, %add3A_0 : i32, i32
  }
  func.func @transform_2(%arg0: i32) -> (i32, i32) {
    %c0_i32 = arith.constant 0 : i32
    %c0_i32_0 = arith.constant 0 : i32
    %c0_i32_1 = arith.constant 0 : i32
    return %c0_i32, %c0_i32_0 : i32, i32
  }
  func.func @transform_3(%arg0: i32) -> (i32, i32) {
    %c0_i32 = arith.constant 0 : i32
    %c0_i32_0 = arith.constant 0 : i32
    %c0_i32_1 = arith.constant 0 : i32
    return %c0_i32, %c0_i32_0 : i32, i32
  }
  func.func @transform_4(%arg0: i32) -> (i32, i32) {
    %c0_i32 = arith.constant 0 : i32
    %c0_i32_0 = arith.constant 0 : i32
    %c0_i32_1 = arith.constant 0 : i32
    return %c0_i32, %c0_i32_0 : i32, i32
  }
}

module attributes {stable_mosaic.version = 14 : i64} {
  func.func @_tc_final_body(%arg0: memref<64x128xf32, #tpu.memory_space<vmem>>, %arg1: memref<64x16xf32, #tpu.memory_space<vmem>>, %arg2: memref<2x64x128xf32, #tpu.memory_space<vmem>>, %arg3: memref<32x64xf32, #tpu.memory_space<vmem>>, %arg4: memref<64x128xf32, #tpu.memory_space<vmem>>, %arg5: memref<64x1xf32, #tpu.memory_space<vmem>>, %arg6: memref<16x128xf32, #tpu.memory_space<vmem>>, %arg7: memref<128x128xf32, #tpu.memory_space<vmem>>, %arg8: memref<128x128xf32, #tpu.memory_space<vmem>>, %arg9: memref<1x128xf32, #tpu.memory_space<vmem>>, %arg10: memref<128x128xf32, #tpu.memory_space<vmem>>, %arg11: memref<1x128xf32, #tpu.memory_space<vmem>>, %arg12: memref<64x128xf32, #tpu.memory_space<vmem>>) attributes {dimension_semantics = [], scalar_prefetch = 0 : i64, scratch_operands = 0 : i64, tpu.core_type = #tpu.core_type<tc>} {
    %get3A = arith.constant 0 : index
    %get3A_0 = arith.constant 0 : index
    %get3A_1 = arith.constant 0 : index
    %get3A_2 = vector.load %arg2[%get3A, %get3A_0, %get3A_1] : memref<2x64x128xf32, #tpu.memory_space<vmem>>, vector<1x64x128xf32>
    %get3A_3 = vector.shape_cast %get3A_2 : vector<1x64x128xf32> to vector<64x128xf32>
    %get3A_4 = arith.constant 1 : index
    %get3A_5 = arith.constant 0 : index
    %get3A_6 = arith.constant 0 : index
    %get3A_7 = vector.load %arg2[%get3A_4, %get3A_5, %get3A_6] : memref<2x64x128xf32, #tpu.memory_space<vmem>>, vector<1x64x128xf32>
    %get3A_8 = vector.shape_cast %get3A_7 : vector<1x64x128xf32> to vector<64x128xf32>
    %add3A = arith.addf %get3A_3, %get3A_8 : vector<64x128xf32>
    %get3A_9 = arith.constant 0 : index
    %get3A_10 = arith.constant 0 : index
    %get3A_11 = vector.load %arg4[%get3A_9, %get3A_10] : memref<64x128xf32, #tpu.memory_space<vmem>>, vector<64x128xf32>
    %add3A_12 = arith.addf %add3A, %get3A_11 : vector<64x128xf32>
    %get3A_13 = arith.constant 0 : index
    %get3A_14 = arith.constant 0 : index
    %get3A_15 = vector.load %arg3[%get3A_13, %get3A_14] : memref<32x64xf32, #tpu.memory_space<vmem>>, vector<32x64xf32>
    %broadcast_in_dim3A = arith.constant 1.000000e+00 : f32
    %broadcast_in_dim3A_16 = vector.broadcast %broadcast_in_dim3A : f32 to vector<32x1xf32>
    %dot_general3A = arith.constant dense<0.000000e+00> : vector<64x1xf32>
    %dot_general3A_17 = tpu.matmul %get3A_15, %broadcast_in_dim3A_16, %dot_general3A {dimension_numbers = #tpu.dot_dimension_numbers<[0], [0], [1], [1], [0, 1, 1, 1], [], []>, precision = #tpu.contract_precision<fp32>, transpose_lhs_hint = false} : vector<32x64xf32>, vector<32x1xf32>, vector<64x1xf32> -> vector<64x1xf32>
    %get3A_18 = arith.constant 0 : index
    %get3A_19 = arith.constant 0 : index
    %get3A_20 = vector.load %arg5[%get3A_18, %get3A_19] : memref<64x1xf32, #tpu.memory_space<vmem>>, vector<64x1xf32>
    %add3A_21 = arith.addf %dot_general3A_17, %get3A_20 : vector<64x1xf32>
    %max3A = arith.constant 1.000000e+00 : f32
    %max3A_22 = vector.broadcast %max3A : f32 to vector<64x1xf32>
    %max3A_23 = arith.maximumf %add3A_21, %max3A_22 : vector<64x1xf32>
    %div3A = vector.broadcast %max3A_23 : vector<64x1xf32> to vector<64x128xf32>
    %div3A_24 = arith.divf %add3A_12, %div3A : vector<64x128xf32>
    %get3A_25 = arith.constant 0 : index
    %get3A_26 = arith.constant 0 : index
    %get3A_27 = vector.load %arg1[%get3A_25, %get3A_26] : memref<64x16xf32, #tpu.memory_space<vmem>>, vector<64x16xf32>
    %get3A_28 = arith.constant 0 : index
    %get3A_29 = arith.constant 0 : index
    %get3A_30 = vector.load %arg6[%get3A_28, %get3A_29] : memref<16x128xf32, #tpu.memory_space<vmem>>, vector<16x128xf32>
    %dot_general3A_31 = arith.constant dense<0.000000e+00> : vector<64x128xf32>
    %dot_general3A_32 = tpu.matmul %get3A_27, %get3A_30, %dot_general3A_31 {dimension_numbers = #tpu.dot_dimension_numbers<[1], [0], [0], [1], [0, 0, 1, 1], [], []>, precision = #tpu.contract_precision<fp32>, transpose_lhs_hint = false} : vector<64x16xf32>, vector<16x128xf32>, vector<64x128xf32> -> vector<64x128xf32>
    %get3A_33 = arith.constant 0 : index
    %get3A_34 = arith.constant 0 : index
    %get3A_35 = vector.load %arg0[%get3A_33, %get3A_34] : memref<64x128xf32, #tpu.memory_space<vmem>>, vector<64x128xf32>
    %get3A_36 = arith.constant 0 : index
    %get3A_37 = arith.constant 0 : index
    %get3A_38 = vector.load %arg7[%get3A_36, %get3A_37] : memref<128x128xf32, #tpu.memory_space<vmem>>, vector<128x128xf32>
    %dot_general3A_39 = arith.constant dense<0.000000e+00> : vector<64x128xf32>
    %dot_general3A_40 = tpu.matmul %get3A_35, %get3A_38, %dot_general3A_39 {dimension_numbers = #tpu.dot_dimension_numbers<[1], [0], [0], [1], [0, 0, 1, 1], [], []>, precision = #tpu.contract_precision<fp32>, transpose_lhs_hint = false} : vector<64x128xf32>, vector<128x128xf32>, vector<64x128xf32> -> vector<64x128xf32>
    %add3A_41 = arith.addf %dot_general3A_32, %dot_general3A_40 : vector<64x128xf32>
    %get3A_42 = arith.constant 0 : index
    %get3A_43 = arith.constant 0 : index
    %get3A_44 = vector.load %arg8[%get3A_42, %get3A_43] : memref<128x128xf32, #tpu.memory_space<vmem>>, vector<128x128xf32>
    %dot_general3A_45 = arith.constant dense<0.000000e+00> : vector<64x128xf32>
    %dot_general3A_46 = tpu.matmul %div3A_24, %get3A_44, %dot_general3A_45 {dimension_numbers = #tpu.dot_dimension_numbers<[1], [0], [0], [1], [0, 0, 1, 1], [], []>, precision = #tpu.contract_precision<fp32>, transpose_lhs_hint = false} : vector<64x128xf32>, vector<128x128xf32>, vector<64x128xf32> -> vector<64x128xf32>
    %add3A_47 = arith.addf %add3A_41, %dot_general3A_46 : vector<64x128xf32>
    %get3A_48 = arith.constant 0 : index
    %get3A_49 = arith.constant 0 : index
    %get3A_50 = vector.load %arg9[%get3A_48, %get3A_49] : memref<1x128xf32, #tpu.memory_space<vmem>>, vector<1x128xf32>
    %add3A_51 = vector.broadcast %get3A_50 : vector<1x128xf32> to vector<64x128xf32>
    %add3A_52 = arith.addf %add3A_47, %add3A_51 : vector<64x128xf32>
    %max3A_53 = arith.constant 0.000000e+00 : f32
    %max3A_54 = vector.broadcast %max3A_53 : f32 to vector<64x128xf32>
    %max3A_55 = arith.maximumf %add3A_52, %max3A_54 : vector<64x128xf32>
    %get3A_56 = arith.constant 0 : index
    %get3A_57 = arith.constant 0 : index
    %get3A_58 = vector.load %arg10[%get3A_56, %get3A_57] : memref<128x128xf32, #tpu.memory_space<vmem>>, vector<128x128xf32>
    %dot_general3A_59 = arith.constant dense<0.000000e+00> : vector<64x128xf32>
    %dot_general3A_60 = tpu.matmul %max3A_55, %get3A_58, %dot_general3A_59 {dimension_numbers = #tpu.dot_dimension_numbers<[1], [0], [0], [1], [0, 0, 1, 1], [], []>, precision = #tpu.contract_precision<fp32>, transpose_lhs_hint = false} : vector<64x128xf32>, vector<128x128xf32>, vector<64x128xf32> -> vector<64x128xf32>
    %get3A_61 = arith.constant 0 : index
    %get3A_62 = arith.constant 0 : index
    %get3A_63 = vector.load %arg11[%get3A_61, %get3A_62] : memref<1x128xf32, #tpu.memory_space<vmem>>, vector<1x128xf32>
    %add3A_64 = vector.broadcast %get3A_63 : vector<1x128xf32> to vector<64x128xf32>
    %add3A_65 = arith.addf %dot_general3A_60, %add3A_64 : vector<64x128xf32>
    %swap3A = arith.constant 0 : index
    %swap3A_66 = arith.constant 0 : index
    %swap3A_67 = vector.load %arg12[%swap3A, %swap3A_66] : memref<64x128xf32, #tpu.memory_space<vmem>>, vector<64x128xf32>
    tpu.vector_store %arg12[%swap3A, %swap3A_66], %add3A_65 {strides = array<i32>} : memref<64x128xf32, #tpu.memory_space<vmem>>, vector<64x128xf32>,
    return
  }
}

</mosaic_0001>

<sc_bundles>
// kernel: kernel.7.cloned.1.call-start
scs
__scs_entry_jumppad:
0x0: {  	(pc) =	sbr.rel $0x88, $3  }
0x1: {  	(tag) =	ssettag $0x0;
	lr =	simm.s32 $0x1  }
0x2: {  	[smem:$0x3F98] =	sst lr;
	_ =	strace $0xD0000000  }
0x3: {  	_ = 	snop  }
0x4: {  	_ = 	snop  }
0x5: {  	_ = 	snop  }
0x6: {  	_ = 	snop  }
0x7: {  	_ = 	snop  }
__scs_overlays_trampoline_lowered:
0x8: {  	[smem:$0x3FA7] =	sst s0  }
0x9: {  	[smem:$0x3FA8] =	sst s1  }
0xa: {  	[smem:$0x3FA9] =	sst s2  }
0xb: {  	[smem:$0x3FAA] =	sst s3  }
0xc: {  	[smem:$0x3FAB] =	sst s4  }
0xd: {  	[smem:$0x3FAC] =	sst s5  }
0xe: {  	[smem:$0x3FAD] =	sst s6  }
0xf: {  	[smem:$0x3FAE] =	sst s7  }
0x10: {  	[smem:$0x3FAF] =	sst s8  }
0x11: {  	[smem:$0x3FB0] =	sst s9;
	s0 =	simm.s32 @!p0 $0x0  }
0x12: {  	s1 =	sld [smem:$0x3F96];
	s0 =	simm.s32 @p0 $0x1  }
0x13: {  	[smem:$0x3FB1] =	sst s0;
	s0 =	simm.s32 @!p1 $0x0  }
0x14: {  	s2 =	sld [smem:$0x3F95];
	s0 =	simm.s32 @p1 $0x1  }
0x15: {  	[smem:$0x3FB2] =	sst s0;
	s0 =	simm.s32 @!p2 $0x0  }
0x16: {  	s3 =	sld [smem:$0x3FDB];
	s0 =	simm.s32 @p2 $0x1  }
0x17: {  	s4 =	simm.s32 $0x1BF5;
	[smem:$0x3FB4] =	sst s0  }
0x18: {  	s0 =	sld [smem:$0x3F97];
	_ =	swait.ge [sflag:s4], $0x0  }
0x19: {  	s7 =	sld [smem:$0x3F98]  }
0x1a: {  	s8 =	sadd.s32 $0xFFFFE003, lr  }
0x1b: {  	s9 =	sadd.s32 $0xFFFFFEF7, lr;
	s5 =	simm.s32 $0xFFFFFFFF;
	p2 =	slt.u32 s8, $0xFFFFF086  }
0x1c: {  	p1 =	slt.u32 s9, $0xF7A;
	s5 =	simm.s32 @!p2 $0x0  }
0x1d: {  	s5 =	simm.s32 @p1 $0x1;
	p0 =	seq.s32 s7, s2  }
0x1e: {  	s7 =	smul.u32 @!p0 $0xF7A, s2;
	p2 =	seq.s32 @!p0 s5, $0x0  }
0x1f: {  	s9 =	smul.u32 $0xF7A, s1;
	s8 =	simm.s32 @!p0 $0x1BF5;
	p2 =	por !p2, p0  }
0x20: {  	[sflag:s8] =	ssyncset.s32 @!p0 $0xFFFFF086;
	s6 =	sadd.s32 @!p0 s3, s7;
	s7 =	simm.s32 @!p0 $0x108  }
0x21: {  	s3 =	sadd.s32 s3, s9;
	s6 =	sadd.s32 @!p0 $0x88, s6;
	s7 =	simm.s32 @p2 $0x1082  }
0x22: {  	[simem:s7], [sflag:s8] =	dma.local @!p0 [hbm:s6], $0xF7A  }
0x23: {  	s9 =	sor.u32 $0xD0000000, s2;
	s6 =	simm.s32 $0x108;
	_ =	swait.ge @!p0 [sflag:s8], $0x0  }
0x24: {  	s3 =	sadd.s32 $0x88, s3;
	s6 =	simm.s32 @!p1 $0x1082;
	[sflag:s4] =	ssyncset.s32 $0xFFFFF086  }
0x25: {  	[simem:s6], [sflag:s4] =	dma.local [hbm:s3], $0xF7A  }
0x26: {  	[smem:$0x3F98] =	sst s1;
	(tag) =	ssettag s2;
	_ =	strace s9  }
0x27: {  	s1 =	sld [smem:$0x3FA8]  }
0x28: {  	s2 =	sld [smem:$0x3FA9]  }
0x29: {  	s4 =	sld [smem:$0x3FAB]  }
0x2a: {  	p0 =	seq.s32 s5, $0x0;
	s5 =	sld [smem:$0x3FAC]  }
0x2b: {  	s6 =	sld [smem:$0x3FAD]  }
0x2c: {  	s7 =	sld [smem:$0x3FAE]  }
0x2d: {  	s3 =	simm.s32 $0x108;
	s8 =	sld [smem:$0x3FAF]  }
0x2e: {  	s3 =	simm.s32 @!p0 $0x1082;
	s9 =	sld [smem:$0x3FB0]  }
0x2f: {  	lr =	sadd.s32 s0, s3;
	s0 =	sld [smem:$0x3FA7]  }
0x30: {  	s3 =	sld [smem:$0x3FAA]  }
0x31: {  	[smem:$0x3FB3] =	sst s10  }
0x32: {  	s10 =	sld [smem:$0x3FB1];
	_ =	sdelay $0x3  }
0x33: {  	p0 =	seq.s32 s10, $0x1;
	s10 =	sld [smem:$0x3FB3];
	_ =	sdelay $0x3  }
0x34: {  	[smem:$0x3FB3] =	sst s10  }
0x35: {  	s10 =	sld [smem:$0x3FB2];
	_ =	sdelay $0x3  }
0x36: {  	p1 =	seq.s32 s10, $0x1;
	s10 =	sld [smem:$0x3FB3];
	_ =	sdelay $0x3  }
0x37: {  	[smem:$0x3FB3] =	sst s10  }
0x38: {  	s10 =	sld [smem:$0x3FB4]  }
0x39: {  	_ = 	snop;
	(pc) =	sbr.ind lr, $3  }
0x3a: {  	_ = 	snop  }
0x3b: {  	_ = 	snop  }
0x3c: {  	p2 =	seq.s32 s10, $0x1;
	s10 =	sld [smem:$0x3FB3]  }
0x3d: {  	_ =	shalt  }
0x3e: {  	_ =	shalt  }
0x3f: {  	_ =	shalt  }
0x40: {  	_ =	shalt  }
0x41: {  	_ =	shalt  }
0x42: {  	_ =	shalt  }
0x43: {  	_ =	shalt  }
0x44: {  	_ =	shalt  }
0x45: {  	_ =	shalt  }
0x46: {  	_ =	shalt  }
0x47: {  	_ =	shalt  }
0x48: {  	_ =	shalt  }
0x49: {  	_ =	shalt  }
0x4a: {  	_ =	shalt  }
0x4b: {  	_ =	shalt  }
0x4c: {  	_ =	shalt  }
0x4d: {  	_ =	shalt  }
0x4e: {  	_ =	shalt  }
0x4f: {  	_ =	shalt  }
0x50: {  	_ =	shalt  }
0x51: {  	_ =	shalt  }
0x52: {  	_ =	shalt  }
0x53: {  	_ =	shalt  }
0x54: {  	_ =	shalt  }
0x55: {  	_ =	shalt  }
0x56: {  	_ =	shalt  }
0x57: {  	_ =	shalt  }
0x58: {  	_ =	shalt  }
0x59: {  	_ =	shalt  }
0x5a: {  	_ =	shalt  }
0x5b: {  	_ =	shalt  }
0x5c: {  	_ =	shalt  }
0x5d: {  	_ =	shalt  }
0x5e: {  	_ =	shalt  }
0x5f: {  	_ =	shalt  }
0x60: {  	_ =	shalt  }
0x61: {  	_ =	shalt  }
0x62: {  	_ =	shalt  }
0x63: {  	_ =	shalt  }
0x64: {  	_ =	shalt  }
0x65: {  	_ =	shalt  }
0x66: {  	_ =	shalt  }
0x67: {  	_ =	shalt  }
0x68: {  	_ =	shalt  }
0x69: {  	_ =	shalt  }
0x6a: {  	_ =	shalt  }
0x6b: {  	_ =	shalt  }
0x6c: {  	_ =	shalt  }
0x6d: {  	_ =	shalt  }
0x6e: {  	_ =	shalt  }
0x6f: {  	_ =	shalt  }
0x70: {  	_ =	shalt  }
0x71: {  	_ =	shalt  }
0x72: {  	_ =	shalt  }
0x73: {  	_ =	shalt  }
0x74: {  	_ =	shalt  }
0x75: {  	_ =	shalt  }
0x76: {  	_ =	shalt  }
0x77: {  	_ =	shalt  }
0x78: {  	_ =	shalt  }
0x79: {  	_ =	shalt  }
0x7a: {  	_ =	shalt  }
0x7b: {  	_ =	shalt  }
0x7c: {  	_ =	shalt  }
0x7d: {  	_ =	shalt  }
0x7e: {  	_ =	shalt  }
0x7f: {  	_ =	shalt  }
0x80: {  	_ =	shalt  }
0x81: {  	_ =	shalt  }
0x82: {  	_ =	shalt  }
0x83: {  	_ =	shalt  }
0x84: {  	_ =	shalt  }
0x85: {  	_ =	shalt  }
0x86: {  	_ =	shalt  }
0x87: {  	_ =	shalt  }
.Lfunc_end0:
.L_simem_size_0:
called_computation_lowered:
.L_overlay_start_0:
0x88: {  	s2 =	sld [smem:$0x3FD9]  }
0x89: {  	s3 =	sld [smem:$0x3FFE];
	_ =	sdelay $0x1  }
0x8a: {  	s1 =	srdreg.scid  }
0x8b: {  	s0 =	sand.u32 $0x1, s1  }
0x8c: {  	s17 =	sshll.u32 s0, $0xA;
	s2 =	sadd.s32 s3, s2  }
0x8d: {  	s2 =	sadd.s32 s2, s17  }
0x8e: {  	[smem:$0x3FBF] =	sst s2  }
0x8f: {  	_ = 	snop  }
0x90: {  	s2 =	sld [smem:$0x3FC7]  }
0x91: {  	s18 =	sld [smem:$0x3FC5]  }
0x92: {  	s4 =	sld [smem:$0x3FD0];
	(tm) =	ssettm $0x1  }
0x93: {  	s5 =	sld [smem:$0x3FFB];
	_ =	sdelay $0x3  }
0x94: {  	_ =	strace s5  }
0x95: {  	s5 =	sld [smem:$0x3FFC];
	_ =	sdelay $0x3  }
0x96: {  	_ =	strace s5  }
0x97: {  	s5 =	sld [smem:$0x3FFD];
	_ =	sdelay $0x3  }
0x98: {  	_ =	strace s5  }
0x99: {  	_ =	strace $0x8FFFFFFF  }
0x9a: {  	s19 =	sld [smem:$0x3FDB];
	_ =	sdelay $0x1  }
0x9b: {  	s6 =	simm.s32 $_scs_section_size  }
0x9c: {  	s7 =	simm.s32 $_size__tile_overlayer_lowered;
	s8 =	simm.s32 $_tile_overlayer_lowered  }
0x9d: {  	s22 =	simm.s32 $0x1BFF;
	s21 =	sshll.u32 s8, $0x1;
	s5 =	sadd.s32 s6, s19  }
0x9e: {  	s9 =	simm.s32 $0x0;
	s20 =	sshll.u32 s7, $0x1;
	s7 =	sadd.s32 s21, s5  }
0x9f: {  	[timem:s9], [sflag:s22] =	dma.local [hbm:s7], s20  }
0xa0: {  	_ =	swait.ge [sflag:s22], s20  }
0xa1: {  	s6 =	ssub.s32 $0x0, s20;
	[sflag:s22] =	ssyncset.done $0x0  }
0xa2: {  	[sflag:s22] =	ssyncadd.s32 s6;
	_ =	sdelay $0x1  }
0xa3: {  	s23 =	simm.s32 $0x1B8B  }
0xa4: {  	_ =	swait.ge [sflag:s23], $0x1  }
0xa5: {  	[sflag:s23] =	ssyncset.done $0x0  }
0xa6: {  	s25 =	simm.s32 $0x1B8E;
	s24 =	sld [smem:$0x3FFE];
	[sflag:s23] =	ssyncadd.s32 $0xFFFFFFFF  }
0xa7: {  	s26 =	simm.s32 $execute0_lowered;
	[smem:$0x3FD2] =	sst s25  }
0xa8: {  	s7 =	sshll.u32 s26, $0x1;
	_ =	strace $0x80000046;
	[dreg:$0x1] =	wrdreg $0xFFFFFFFF  }
0xa9: {  	s28 =	simm.s32 $_size_execute0_lowered;
	s5 =	sadd.s32 s5, s7;
	[dreg:$0x0] =	wrdreg $0x0  }
0xaa: {  	s7 =	sshll.u32 s28, $0x1;
	[dreg:$0x2] =	wrdreg s5  }
0xab: {  	[dreg:$0x3] =	wrdreg s7  }
0xac: {  	[dreg:$0x4] =	wrdreg $0xC0  }
0xad: {  	_ =	task [dreg:s9], $0x5FFFF  }
0xae: {  	[dreg:$0x1] =	wrdreg $0xFFFFFFFF  }
0xaf: {  	[dreg:$0x0] =	wrdreg $0x60  }
0xb0: {  	[dreg:$0x2] =	wrdreg s2  }
0xb1: {  	[dreg:$0x3] =	wrdreg s24  }
0xb2: {  	[dreg:$0x4] =	wrdreg s18  }
0xb3: {  	[dreg:$0x5] =	wrdreg s4  }
0xb4: {  	[dreg:$0x6] =	wrdreg $0x1C1800  }
0xb5: {  	[dreg:$0x7] =	wrdreg $0x9  }
0xb6: {  	_ =	task.clear_ibuf [dreg:s9], $0x8FFFF;
	_ =	strace $0x90000046  }
0xb7: {  	s29 =	simm.s32 $0x9;
	_ =	strace $0x80000048  }
0xb8: {  	_ =	swait.ge [sflag:s29], $0x1  }
0xb9: {  	[sflag:s29] =	ssyncadd.s32 $0xFFFFFFFF  }
0xba: {  	_ =	strace $0x90000048  }
0xbb: {  	_ =	sfence  }
0xbc: {  	s30 =	sld [smem:$0x0];
	_ =	sdelay $0x2  }
0xbd: {  	s31 =	sshll.u32 s1, $0xD;
	s1 =	sshrl.u32 s1, $0x2  }
0xbe: {  	s3 =	sand.u32 $0x4000, s31;
	s1 =	sadd.s32 s1, s30  }
0xbf: {  	s0 =	sor.u32 s3, s0;
	s1 =	sshll.u32 s1, $0x11  }
0xc0: {  	s0 =	sor.u32 s1, s0  }
0xc1: {  	s0 =	sadd.s32 $0x8F2B, s0  }
0xc2: {  	[sflag:s0] =	ssyncadd.remote.s32 $0x1  }
0xc3: {  	_ =	sfence.sel $0xFFFF  }
0xc4: {  	[dreg:$0x0] =	wrdreg $0xFFFFFFFF;
	(pc) =	sbr.abs _section_cstart, $3  }
0xc5: {  	[dreg:$0x1] =	wrdreg $0xFFFFFFFF  }
0xc6: {  	_ =	task.clear_ibuf [dreg:s9], $0x2FFFF;
	_ =	strace $0x9FFFFFFF  }
0xc7: {  	(tm) =	ssettm $0x7FFFFFFF  }
tec
execute0_lowered:
.L_overlay_start_1:
0x0: {  	(tag) =	ssettag $0x1  }
0x1: {  	s0 =	rddreg [dreg:$0x0]  }
0x2: {  	s1 =	rddreg [dreg:$0x1]  }
0x3: {  	s3 =	rddreg [dreg:$0x4];
	s4 =	simm.s32 $0x0;
	s2 =	srdreg.scid  }
0x4: {  	s5 =	stileid.u32;
	s29 =	simm.s32 $0x1C100;
	s30 =	simm.s32 $0x1  }
0x5: {  	s31 =	simm.s32 $0x80;
	s28 =	simm.s32 $0x3;
	[smem:$0x7FF] =	sst s4  }
0x6: {  	s2 =	sand.u32 $0x1, s2;
	s7 =	sadd.s32 $0x2400, s1;
	s23 =	sadd.s32 $0x800, s0  }
0x7: {  	s16 =	smul.u32 $0x2A, s5;
	s18 =	sshll.u32 s5, $0x4;
	s19 =	sshll.u32 s5, $0xB  }
0x8: {  	p0 =	sne.s32 s5, $0x0;
	_ =	strace $0x80000047;
	s6 =	sshll.u32 s2, $0x4  }
0x9: {  	s8 =	sshll.u32 s2, $0xA;
	s9 =	ssub.s32 $0x2, s2;
	s2 =	smul.u32 $0x2A0, s2  }
0xa: {  	s20 =	sadd.s32 s19, s0;
	s6 =	sor.u32 s5, s6;
	s8 =	sadd.s32 s8, s1  }
0xb: {  	s12 =	sshrl.u32 s9, $0x1;
	s21 =	sadd.s32 $0x4E0000, s20;
	s10 =	smul.u32 $0x15000, s6  }
0xc: {  	s20 =	simm.s32 $0x4100;
	s5 =	simm.s32 $0x2;
	s13 =	smul.u32 $0xA8000, s6  }
0xd: {  	s11 =	sshll.u32 s6, $0x3;
	s9 =	ssub.s32 s9, s12;
	s25 =	smul.u32 $0x2A0, s6  }
0xe: {  	s2 =	sadd.s32 s16, s2;
	[dreg:$0x11] =	wrdreg s21;
	p1 =	sgt.u32 s6, $0x3  }
0xf: {  	s21 =	simm.s32 $0x8100;
	s6 =	simm.s32 $0x3E80;
	s1 =	sadd.s32 s11, s1  }
0x10: {  	s2 =	sshll.u32 s2, $0xB;
	s16 =	smax.u32 s9, $0x1;
	s9 =	simm.s32 $0x4  }
0x11: {  	s22 =	sadd.s32 s0, s10;
	s24 =	sshrl.u32 s13, $0x3;
	s10 =	sadd.s32 s10, s23  }
0x12: {  	s17 =	sadd.s32 s7, s25;
	s7 =	sadd.s32 s18, s7;
	[dreg:$0x9] =	wrdreg s22  }
0x13: {  	s1 =	sadd.s32 $0xC200, s1;
	[dreg:$0xa] =	wrdreg s10;
	s26 =	sadd.s32 s0, s24  }
0x14: {  	[dreg:$0xf] =	wrdreg s17;
	s7 =	sadd.s32 $0x9C00, s7;
	s22 =	sadd.s32 s23, s2  }
0x15: {  	[dreg:$0x12] =	wrdreg s1;
	s0 =	sadd.s32 s0, s2;
	s24 =	sadd.s32 $0xC400, s8  }
0x16: {  	s1 =	simm.s32 $0x3D80;
	s2 =	simm.s32 $0x3E00;
	[dreg:$0x10] =	wrdreg s7  }
0x17: {  	s8 =	simm.s32 $0x3F80;
	s12 =	sadd.s32 $0x1000, s26;
	[dreg:$0x13] =	wrdreg s24  }
0x18: {  	s15 =	sadd.s32 $0x1800, s26;
	s14 =	sadd.s32 $0x2000, s26;
	[dreg:$0xb] =	wrdreg s12  }
0x19: {  	s10 =	sadd.s32 $0x2800, s26;
	s23 =	sadd.s32 $0x5000, s22;
	[dreg:$0xc] =	wrdreg s15  }
0x1a: {  	s25 =	sadd.s32 $0x5000, s0;
	s26 =	sadd.s32 $0x4000, s22;
	[dreg:$0xd] =	wrdreg s14  }
0x1b: {  	s17 =	sadd.s32 $0x4000, s0;
	s18 =	sadd.s32 $0x3000, s22;
	[dreg:$0xe] =	wrdreg s10  }
0x1c: {  	s19 =	sadd.s32 $0x3000, s0;
	s22 =	simm.s32 $0xC100;
	[dreg:$0x6] =	wrdreg s23  }
0x1d: {  	s24 =	simm.s32 $0x14100;
	s0 =	simm.s32 $0x3D00;
	[dreg:$0x7] =	wrdreg s25  }
0x1e: {  	s7 =	simm.s32 $0x3F00;
	[dreg:$0x8] =	wrdreg s26;
	s23 =	simm.s32 $0x10100  }
0x1f: {  	v0 =	vimm.f32 $0.0e+00;
	v1 =	vimm.f32 $1.000000000e+00;
	s25 =	simm.s32 $0x18100;
	s26 =	simm.s32 $0x5;
	s10 =	simm.s32 $0x0  }
.LBB2_1:
0x20: {  	s11 =	sshrl.u32 @!p0 s3, $0x3;
	s12 =	simm.s32 @!p0 $0x1C05;
	s13 =	rddreg [dreg:$0x3]  }
0x21: {  	[spmem:s11], [sflag:s12] =	dma.local @!p0 [hbm:s13], $0x400  }
0x22: {  	s12 =	simm.s32 @!p0 $0x5  }
0x23: {  	_ =	swait.ge @!p0 [sflag:s12], $0x400  }
0x24: {  	[sflag:s12] =	ssyncset.done @!p0 $0x0  }
0x25: {  	s13 =	rddreg [dreg:$0x9];
	[sflag:s12] =	ssyncadd.s32 @!p0 $0xFFFFFC00  }
0x26: {  	[tilespmem:s20], [sflag:$0x1] =	stream.linear.gather [hbm4b:s13+s4], $0x4000, $0x38;
	[tilespmem:$0x1C380] =	vst v63  }
0x27: {  	s14 =	rddreg [dreg:$0xa]  }
0x28: {  	[tilespmem:s21], [sflag:$0x1] =	stream.linear.gather [hbm4b:s14+s4], $0x4000, $0x38;
	[tilespmem:$0x1C380] =	vst v63  }
0x29: {  	s15 =	rddreg [dreg:$0xb]  }
0x2a: {  	[tilespmem:s22], [sflag:$0x1] =	stream.linear.gather [hbm4b:s15+s4], $0x4000, $0x38;
	[tilespmem:$0x1C380] =	vst v63  }
0x2b: {  	s13 =	rddreg [dreg:$0xc]  }
0x2c: {  	[tilespmem:s23], [sflag:$0x2] =	stream.linear.gather [hbm4b:s13+s4], $0x4000, $0x38;
	[tilespmem:$0x1C380] =	vst v63  }
0x2d: {  	s14 =	rddreg [dreg:$0xd]  }
0x2e: {  	[tilespmem:s24], [sflag:$0x2] =	stream.linear.gather [hbm4b:s14+s4], $0x4000, $0x38;
	[tilespmem:$0x1C380] =	vst v63  }
0x2f: {  	s15 =	rddreg [dreg:$0xe]  }
0x30: {  	[tilespmem:s25], [sflag:$0x2] =	stream.linear.gather [hbm4b:s15+s4], $0x4000, $0x38;
	[tilespmem:$0x1C380] =	vst v63  }
0x31: {  	s13 =	rddreg [dreg:$0x2]  }
0x32: {  	[tilespmem:s4], [sflag:$0x5] =	stream.linear.gather [hbm4b:s13+s4], $0x2780, $0x38;
	[tilespmem:$0x1C380] =	vst v63  }
0x33: {  	_ =	swait.ge [sflag:s26], $0x2780  }
0x34: {  	[sflag:s26] =	ssyncset.done $0x0  }
0x35: {  	[sflag:s26] =	ssyncadd.s32 $0xFFFFD880  }
0x36: {  	[tilespmem:$0x1C100] =	vst v0  }
0x37: {  	[tilespmem:$0x1C110] =	vst v0  }
0x38: {  	[tilespmem:$0x1C120] =	vst v0  }
0x39: {  	s15 =	simm.s32 $0x2780;
	s14 =	rddreg [dreg:$0xf];
	[tilespmem:$0x1C130] =	vst v0  }
0x3a: {  	[tilespmem:s15], [sflag:$0x5] =	stream.linear.gather [hbm4b:s14+s4], $0x1500, $0x38;
	[tilespmem:$0x1C380] =	vst v63  }
0x3b: {  	_ =	swait.ge [sflag:s26], $0x1500  }
0x3c: {  	s12 =	simm.s32 @!p1 $0x0;
	[sflag:s26] =	ssyncset.done $0x0  }
0x3d: {  	s13 =	simm.s32 @!p1 $0x3C80;
	s14 =	rddreg [dreg:$0x10];
	[sflag:s26] =	ssyncadd.s32 $0xFFFFEB00  }
0x3e: {  	[tilespmem:s13], [sflag:$0x5] =	stream.linear.gather @!p1 [hbm4b:s14+s12], $0x80, $0x38;
	[tilespmem:$0x1C380] =	vst v63  }
0x3f: {  	s12 =	simm.s32 @!p1 $0x5  }
0x40: {  	_ =	swait.ge @!p1 [sflag:s12], $0x80  }
0x41: {  	[sflag:s12] =	ssyncset.done @!p1 $0x0  }
0x42: {  	[sflag:s12] =	ssyncadd.s32 @!p1 $0xFFFFFF80  }
0x43: {  	s12 =	simm.s32 $0x0;
	[bflag:$0x0] =	sbarrier.arrive $0xFFFF  }
.LBB2_2:
0x44: {  	s13 =	sshra.s32 s12, $0x2  }
0x45: {  	v2 =	vld [tilespmem:s13+$0x2780];
	_ =	sdelay $0x7  }
0x46: {  	v2 =	vld.idx.msk [tilespmem:v2+s4+$0x0], $0xffff;
	_ =	sdelay $0x6  }
0x47: {  	[tilespmem:s13+$0x2780] =	vst v2  }
0x48: {  	[tilespmem:v2+s29+$0x0] =	vst.idx.add.f32.msk $0xffff, v1  }
0x49: {  	v2 =	vld [tilespmem:s13+$0x2790];
	_ =	sdelay $0x7  }
0x4a: {  	v2 =	vld.idx.msk [tilespmem:v2+s4+$0x0], $0xffff;
	_ =	sdelay $0x6  }
0x4b: {  	[tilespmem:s13+$0x2790] =	vst v2  }
0x4c: {  	[tilespmem:v2+s29+$0x0] =	vst.idx.add.f32.msk $0xffff, v1  }
0x4d: {  	v2 =	vld [tilespmem:s13+$0x27A0];
	_ =	sdelay $0x7  }
0x4e: {  	v2 =	vld.idx.msk [tilespmem:v2+s4+$0x0], $0xffff;
	_ =	sdelay $0x6  }
0x4f: {  	[tilespmem:s13+$0x27A0] =	vst v2  }
0x50: {  	[tilespmem:v2+s29+$0x0] =	vst.idx.add.f32.msk $0xffff, v1  }
0x51: {  	v2 =	vld [tilespmem:s13+$0x27B0];
	_ =	sdelay $0x7  }
0x52: {  	v2 =	vld.idx.msk [tilespmem:v2+s4+$0x0], $0xffff;
	_ =	sdelay $0x6  }
0x53: {  	[tilespmem:s13+$0x27B0] =	vst v2  }
0x54: {  	[tilespmem:v2+s29+$0x0] =	vst.idx.add.f32.msk $0xffff, v1  }
0x55: {  	v2 =	vld [tilespmem:s13+$0x27C0];
	_ =	sdelay $0x7  }
0x56: {  	v2 =	vld.idx.msk [tilespmem:v2+s4+$0x0], $0xffff;
	_ =	sdelay $0x6  }
0x57: {  	[tilespmem:s13+$0x27C0] =	vst v2  }
0x58: {  	[tilespmem:v2+s29+$0x0] =	vst.idx.add.f32.msk $0xffff, v1  }
0x59: {  	v2 =	vld [tilespmem:s13+$0x27D0];
	_ =	sdelay $0x7  }
0x5a: {  	v2 =	vld.idx.msk [tilespmem:v2+s4+$0x0], $0xffff;
	_ =	sdelay $0x6  }
0x5b: {  	[tilespmem:s13+$0x27D0] =	vst v2  }
0x5c: {  	[tilespmem:v2+s29+$0x0] =	vst.idx.add.f32.msk $0xffff, v1  }
0x5d: {  	v2 =	vld [tilespmem:s13+$0x27E0];
	_ =	sdelay $0x7  }
0x5e: {  	v2 =	vld.idx.msk [tilespmem:v2+s4+$0x0], $0xffff;
	_ =	sdelay $0x6  }
0x5f: {  	[tilespmem:s13+$0x27E0] =	vst v2  }
0x60: {  	[tilespmem:v2+s29+$0x0] =	vst.idx.add.f32.msk $0xffff, v1  }
0x61: {  	v2 =	vld [tilespmem:s13+$0x27F0];
	_ =	sdelay $0x7  }
0x62: {  	v2 =	vld.idx.msk [tilespmem:v2+s4+$0x0], $0xffff;
	_ =	sdelay $0x2  }
0x63: {  	p2 =	sne.s32 s12, $0x5200  }
.Ltmp0:
0x64: {  	_ = 	snop;
	(pc) =	sbr.rel @p2 .LBB2_2-.Ltmp0, $3  }
0x65: {  	_ =	sdelay $0x1  }
0x66: {  	[tilespmem:s13+$0x27F0] =	vst v2  }
0x67: {  	s12 =	sadd.s32 $0x200, s12;
	[tilespmem:v2+s29+$0x0] =	vst.idx.add.f32.msk $0xffff, v1  }
0x68: {  	v2 =	vld @!p1 [tilespmem:$0x3C80];
	_ =	sdelay $0x6  }
0x69: {  	s12 =	simm.s32 @!p1 $0x0  }
0x6a: {  	v2 =	vld.idx.msk @!p1 [tilespmem:v2+s12+$0x0], $0xffff;
	_ =	sdelay $0x6  }
0x6b: {  	v3 =	vimm.f32 @!p1 $1.000000000e+00;
	s13 =	simm.s32 @!p1 $0x1C100;
	[tilespmem:$0x3C80] =	vst @!p1 v2  }
0x6c: {  	[tilespmem:v2+s13+$0x0] =	vst.idx.add.f32.msk @!p1 $0xffff, v3  }
0x6d: {  	v2 =	vld @!p1 [tilespmem:$0x3C90];
	_ =	sdelay $0x7  }
0x6e: {  	v2 =	vld.idx.msk @!p1 [tilespmem:v2+s12+$0x0], $0xffff;
	_ =	sdelay $0x6  }
0x6f: {  	[tilespmem:$0x3C90] =	vst @!p1 v2  }
0x70: {  	[tilespmem:v2+s13+$0x0] =	vst.idx.add.f32.msk @!p1 $0xffff, v3  }
0x71: {  	v2 =	vld @!p1 [tilespmem:$0x3CA0];
	_ =	sdelay $0x7  }
0x72: {  	v2 =	vld.idx.msk @!p1 [tilespmem:v2+s12+$0x0], $0xffff;
	_ =	sdelay $0x6  }
0x73: {  	[tilespmem:$0x3CA0] =	vst @!p1 v2  }
0x74: {  	[tilespmem:v2+s13+$0x0] =	vst.idx.add.f32.msk @!p1 $0xffff, v3  }
0x75: {  	v2 =	vld @!p1 [tilespmem:$0x3CB0];
	_ =	sdelay $0x7  }
0x76: {  	v2 =	vld.idx.msk @!p1 [tilespmem:v2+s12+$0x0], $0xffff;
	_ =	sdelay $0x6  }
0x77: {  	[tilespmem:$0x3CB0] =	vst @!p1 v2  }
0x78: {  	[tilespmem:v2+s13+$0x0] =	vst.idx.add.f32.msk @!p1 $0xffff, v3  }
0x79: {  	v2 =	vld @!p1 [tilespmem:$0x3CC0];
	_ =	sdelay $0x7  }
0x7a: {  	v2 =	vld.idx.msk @!p1 [tilespmem:v2+s12+$0x0], $0xffff;
	_ =	sdelay $0x6  }
0x7b: {  	[tilespmem:$0x3CC0] =	vst @!p1 v2  }
0x7c: {  	[tilespmem:v2+s13+$0x0] =	vst.idx.add.f32.msk @!p1 $0xffff, v3  }
0x7d: {  	v2 =	vld @!p1 [tilespmem:$0x3CD0];
	_ =	sdelay $0x7  }
0x7e: {  	v2 =	vld.idx.msk @!p1 [tilespmem:v2+s12+$0x0], $0xffff;
	_ =	sdelay $0x6  }
0x7f: {  	[tilespmem:$0x3CD0] =	vst @!p1 v2  }
0x80: {  	[tilespmem:v2+s13+$0x0] =	vst.idx.add.f32.msk @!p1 $0xffff, v3  }
0x81: {  	v2 =	vld @!p1 [tilespmem:$0x3CE0];
	_ =	sdelay $0x7  }
0x82: {  	v2 =	vld.idx.msk @!p1 [tilespmem:v2+s12+$0x0], $0xffff;
	_ =	sdelay $0x6  }
0x83: {  	[tilespmem:$0x3CE0] =	vst @!p1 v2  }
0x84: {  	[tilespmem:v2+s13+$0x0] =	vst.idx.add.f32.msk @!p1 $0xffff, v3  }
0x85: {  	v2 =	vld @!p1 [tilespmem:$0x3CF0];
	_ =	sdelay $0x7  }
0x86: {  	v2 =	vld.idx.msk @!p1 [tilespmem:v2+s12+$0x0], $0xffff;
	_ =	sdelay $0x6  }
0x87: {  	[tilespmem:$0x3CF0] =	vst @!p1 v2  }
0x88: {  	s12 =	simm.s32 $0x0;
	[tilespmem:v2+s13+$0x0] =	vst.idx.add.f32.msk @!p1 $0xffff, v3;
	s13 =	simm.s32 $0x2900  }
.LBB2_4:
0x89: {  	_ =	swait.ge [sflag:s30], $0x4000  }
0x8a: {  	[sflag:s30] =	ssyncset.done $0x0  }
0x8b: {  	[sflag:s30] =	ssyncadd.s32 $0xFFFFC000  }
0x8c: {  	_ =	swait.ge [sflag:s30], $0x4000  }
0x8d: {  	[sflag:s30] =	ssyncset.done $0x0  }
0x8e: {  	[sflag:s30] =	ssyncadd.s32 $0xFFFFC000  }
0x8f: {  	_ =	swait.ge [sflag:s30], $0x4000  }
0x90: {  	[sflag:s30] =	ssyncset.done $0x0  }
0x91: {  	[sflag:s30] =	ssyncadd.s32 $0xFFFFC000  }
0x92: {  	v2 =	vld [tilespmem:s13+$0xFFFFFE80];
	_ =	sdelay $0x4  }
0x93: {  	[tilespmem:$0x3D00] =	vst v2  }
0x94: {  	v2 =	vld [tilespmem:s13+$0xFFFFFE90];
	_ =	sdelay $0x4  }
0x95: {  	[tilespmem:$0x3D10] =	vst v2  }
0x96: {  	v2 =	vld [tilespmem:s13+$0xFFFFFEA0];
	_ =	sdelay $0x4  }
0x97: {  	[tilespmem:$0x3D20] =	vst v2  }
0x98: {  	v2 =	vld [tilespmem:s13+$0xFFFFFEB0];
	_ =	sdelay $0x4  }
0x99: {  	[tilespmem:$0x3D30] =	vst v2  }
0x9a: {  	v2 =	vld [tilespmem:s13+$0xFFFFFEC0];
	_ =	sdelay $0x4  }
0x9b: {  	[tilespmem:$0x3D40] =	vst v2  }
0x9c: {  	v2 =	vld [tilespmem:s13+$0xFFFFFED0];
	_ =	sdelay $0x4  }
0x9d: {  	[tilespmem:$0x3D50] =	vst v2  }
0x9e: {  	v2 =	vld [tilespmem:s13+$0xFFFFFEE0];
	_ =	sdelay $0x4  }
0x9f: {  	[tilespmem:$0x3D60] =	vst v2  }
0xa0: {  	v2 =	vld [tilespmem:s13+$0xFFFFFEF0];
	_ =	sdelay $0x4  }
0xa1: {  	[tilespmem:$0x3D70] =	vst v2  }
0xa2: {  	v2 =	vld [tilespmem:s13+$0xFFFFFF00];
	_ =	sdelay $0x4  }
0xa3: {  	[tilespmem:$0x3D80] =	vst v2  }
0xa4: {  	v2 =	vld [tilespmem:s13+$0xFFFFFF10];
	_ =	sdelay $0x4  }
0xa5: {  	[tilespmem:$0x3D90] =	vst v2  }
0xa6: {  	v2 =	vld [tilespmem:s13+$0xFFFFFF20];
	_ =	sdelay $0x4  }
0xa7: {  	[tilespmem:$0x3DA0] =	vst v2  }
0xa8: {  	v2 =	vld [tilespmem:s13+$0xFFFFFF30];
	_ =	sdelay $0x4  }
0xa9: {  	[tilespmem:$0x3DB0] =	vst v2  }
0xaa: {  	v2 =	vld [tilespmem:s13+$0xFFFFFF40];
	_ =	sdelay $0x4  }
0xab: {  	[tilespmem:$0x3DC0] =	vst v2  }
0xac: {  	v2 =	vld [tilespmem:s13+$0xFFFFFF50];
	_ =	sdelay $0x4  }
0xad: {  	[tilespmem:$0x3DD0] =	vst v2  }
0xae: {  	v2 =	vld [tilespmem:s13+$0xFFFFFF60];
	_ =	sdelay $0x4  }
0xaf: {  	[tilespmem:$0x3DE0] =	vst v2  }
0xb0: {  	v2 =	vld [tilespmem:s13+$0xFFFFFF70];
	_ =	sdelay $0x4  }
0xb1: {  	[tilespmem:$0x3DF0] =	vst v2  }
0xb2: {  	v2 =	vld [tilespmem:s13+$0xFFFFFF80];
	_ =	sdelay $0x4  }
0xb3: {  	[tilespmem:$0x3E00] =	vst v2  }
0xb4: {  	v2 =	vld [tilespmem:s13+$0xFFFFFF90];
	_ =	sdelay $0x4  }
0xb5: {  	[tilespmem:$0x3E10] =	vst v2  }
0xb6: {  	v2 =	vld [tilespmem:s13+$0xFFFFFFA0];
	_ =	sdelay $0x4  }
0xb7: {  	[tilespmem:$0x3E20] =	vst v2  }
0xb8: {  	v2 =	vld [tilespmem:s13+$0xFFFFFFB0];
	_ =	sdelay $0x4  }
0xb9: {  	[tilespmem:$0x3E30] =	vst v2  }
0xba: {  	v2 =	vld [tilespmem:s13+$0xFFFFFFC0];
	_ =	sdelay $0x4  }
0xbb: {  	[tilespmem:$0x3E40] =	vst v2  }
0xbc: {  	v2 =	vld [tilespmem:s13+$0xFFFFFFD0];
	_ =	sdelay $0x4  }
0xbd: {  	[tilespmem:$0x3E50] =	vst v2  }
0xbe: {  	v2 =	vld [tilespmem:s13+$0xFFFFFFE0];
	_ =	sdelay $0x4  }
0xbf: {  	[tilespmem:$0x3E60] =	vst v2  }
0xc0: {  	v2 =	vld [tilespmem:s13+$0xFFFFFFF0];
	_ =	sdelay $0x4  }
0xc1: {  	[tilespmem:$0x3E70] =	vst v2  }
0xc2: {  	[spmem:s3] =	stream.indirect.scatter.add.f32 [tilespmem:s20], [sflag:$0x3], $0x80, s0, s31, $0xb8;
	[tilespmem:$0x1C380] =	vst v63  }
0xc3: {  	_ = 	snop  }
0xc4: {  	[spmem:s3] =	stream.indirect.scatter.add.f32 [tilespmem:s21], [sflag:$0x3], $0x80, s1, s31, $0xb8;
	[tilespmem:$0x1C380] =	vst v63  }
0xc5: {  	_ = 	snop  }
0xc6: {  	[spmem:s3] =	stream.indirect.scatter.add.f32 [tilespmem:s22], [sflag:$0x3], $0x80, s2, s31, $0xb8;
	[tilespmem:$0x1C380] =	vst v63  }
0xc7: {  	_ =	swait.ge [sflag:s28], $0x4000  }
0xc8: {  	[sflag:s28] =	ssyncset.done $0x0  }
0xc9: {  	[sflag:s28] =	ssyncadd.s32 $0xFFFFC000  }
0xca: {  	_ =	swait.ge [sflag:s28], $0x4000  }
0xcb: {  	[sflag:s28] =	ssyncset.done $0x0  }
0xcc: {  	[sflag:s28] =	ssyncadd.s32 $0xFFFFC000  }
0xcd: {  	_ =	swait.ge [sflag:s28], $0x4000  }
0xce: {  	[sflag:s28] =	ssyncset.done $0x0  }
0xcf: {  	s14 =	sadd.s32 s12, s19;
	[sflag:s28] =	ssyncadd.s32 $0xFFFFC000  }
0xd0: {  	[tilespmem:s20], [sflag:$0x1] =	stream.linear.gather [hbm4b:s14+s4], $0x4000, $0x38;
	[tilespmem:$0x1C380] =	vst v63  }
0xd1: {  	s15 =	sadd.s32 s12, s18  }
0xd2: {  	[tilespmem:s21], [sflag:$0x1] =	stream.linear.gather [hbm4b:s15+s4], $0x4000, $0x38;
	[tilespmem:$0x1C380] =	vst v63  }
0xd3: {  	s15 =	sadd.s32 s12, s17  }
0xd4: {  	[tilespmem:s22], [sflag:$0x1] =	stream.linear.gather [hbm4b:s15+s4], $0x4000, $0x38;
	[tilespmem:$0x1C380] =	vst v63  }
0xd5: {  	_ =	swait.ge [sflag:s5], $0x4000  }
0xd6: {  	[sflag:s5] =	ssyncset.done $0x0  }
0xd7: {  	[sflag:s5] =	ssyncadd.s32 $0xFFFFC000  }
0xd8: {  	_ =	swait.ge [sflag:s5], $0x4000  }
0xd9: {  	[sflag:s5] =	ssyncset.done $0x0  }
0xda: {  	[sflag:s5] =	ssyncadd.s32 $0xFFFFC000  }
0xdb: {  	_ =	swait.ge [sflag:s5], $0x4000  }
0xdc: {  	[sflag:s5] =	ssyncset.done $0x0  }
0xdd: {  	[sflag:s5] =	ssyncadd.s32 $0xFFFFC000  }
0xde: {  	v2 =	vld [tilespmem:s13+$0x0];
	_ =	sdelay $0x4  }
0xdf: {  	[tilespmem:$0x3E80] =	vst v2  }
0xe0: {  	v2 =	vld [tilespmem:s13+$0x10];
	_ =	sdelay $0x4  }
0xe1: {  	[tilespmem:$0x3E90] =	vst v2  }
0xe2: {  	v2 =	vld [tilespmem:s13+$0x20];
	_ =	sdelay $0x4  }
0xe3: {  	[tilespmem:$0x3EA0] =	vst v2  }
0xe4: {  	v2 =	vld [tilespmem:s13+$0x30];
	_ =	sdelay $0x4  }
0xe5: {  	[tilespmem:$0x3EB0] =	vst v2  }
0xe6: {  	v2 =	vld [tilespmem:s13+$0x40];
	_ =	sdelay $0x4  }
0xe7: {  	[tilespmem:$0x3EC0] =	vst v2  }
0xe8: {  	v2 =	vld [tilespmem:s13+$0x50];
	_ =	sdelay $0x4  }
0xe9: {  	[tilespmem:$0x3ED0] =	vst v2  }
0xea: {  	v2 =	vld [tilespmem:s13+$0x60];
	_ =	sdelay $0x4  }
0xeb: {  	[tilespmem:$0x3EE0] =	vst v2  }
0xec: {  	v2 =	vld [tilespmem:s13+$0x70];
	_ =	sdelay $0x4  }
0xed: {  	[tilespmem:$0x3EF0] =	vst v2  }
0xee: {  	v2 =	vld [tilespmem:s13+$0x80];
	_ =	sdelay $0x4  }
0xef: {  	[tilespmem:$0x3F00] =	vst v2  }
0xf0: {  	v2 =	vld [tilespmem:s13+$0x90];
	_ =	sdelay $0x4  }
0xf1: {  	[tilespmem:$0x3F10] =	vst v2  }
0xf2: {  	v2 =	vld [tilespmem:s13+$0xA0];
	_ =	sdelay $0x4  }
0xf3: {  	[tilespmem:$0x3F20] =	vst v2  }
0xf4: {  	v2 =	vld [tilespmem:s13+$0xB0];
	_ =	sdelay $0x4  }
0xf5: {  	[tilespmem:$0x3F30] =	vst v2  }
0xf6: {  	v2 =	vld [tilespmem:s13+$0xC0];
	_ =	sdelay $0x4  }
0xf7: {  	[tilespmem:$0x3F40] =	vst v2  }
0xf8: {  	v2 =	vld [tilespmem:s13+$0xD0];
	_ =	sdelay $0x4  }
0xf9: {  	[tilespmem:$0x3F50] =	vst v2  }
0xfa: {  	v2 =	vld [tilespmem:s13+$0xE0];
	_ =	sdelay $0x4  }
0xfb: {  	[tilespmem:$0x3F60] =	vst v2  }
0xfc: {  	v2 =	vld [tilespmem:s13+$0xF0];
	_ =	sdelay $0x4  }
0xfd: {  	[tilespmem:$0x3F70] =	vst v2  }
0xfe: {  	v2 =	vld [tilespmem:s13+$0x100];
	_ =	sdelay $0x4  }
0xff: {  	[tilespmem:$0x3F80] =	vst v2  }
0x100: {  	v2 =	vld [tilespmem:s13+$0x110];
	_ =	sdelay $0x4  }
0x101: {  	[tilespmem:$0x3F90] =	vst v2  }
0x102: {  	v2 =	vld [tilespmem:s13+$0x120];
	_ =	sdelay $0x4  }
0x103: {  	[tilespmem:$0x3FA0] =	vst v2  }
0x104: {  	v2 =	vld [tilespmem:s13+$0x130];
	_ =	sdelay $0x4  }
0x105: {  	[tilespmem:$0x3FB0] =	vst v2  }
0x106: {  	v2 =	vld [tilespmem:s13+$0x140];
	_ =	sdelay $0x4  }
0x107: {  	[tilespmem:$0x3FC0] =	vst v2  }
0x108: {  	v2 =	vld [tilespmem:s13+$0x150];
	_ =	sdelay $0x4  }
0x109: {  	[tilespmem:$0x3FD0] =	vst v2  }
0x10a: {  	v2 =	vld [tilespmem:s13+$0x160];
	_ =	sdelay $0x4  }
0x10b: {  	[tilespmem:$0x3FE0] =	vst v2  }
0x10c: {  	v2 =	vld [tilespmem:s13+$0x170];
	_ =	sdelay $0x4  }
0x10d: {  	[tilespmem:$0x3FF0] =	vst v2  }
0x10e: {  	[spmem:s3] =	stream.indirect.scatter.add.f32 [tilespmem:s23], [sflag:$0x4], $0x80, s6, s31, $0xb8;
	[tilespmem:$0x1C380] =	vst v63  }
0x10f: {  	_ = 	snop  }
0x110: {  	[spmem:s3] =	stream.indirect.scatter.add.f32 [tilespmem:s24], [sflag:$0x4], $0x80, s7, s31, $0xb8;
	[tilespmem:$0x1C380] =	vst v63  }
0x111: {  	_ = 	snop  }
0x112: {  	[spmem:s3] =	stream.indirect.scatter.add.f32 [tilespmem:s25], [sflag:$0x4], $0x80, s8, s31, $0xb8;
	[tilespmem:$0x1C380] =	vst v63  }
0x113: {  	_ =	swait.ge [sflag:s9], $0x4000  }
0x114: {  	[sflag:s9] =	ssyncset.done $0x0  }
0x115: {  	[sflag:s9] =	ssyncadd.s32 $0xFFFFC000  }
0x116: {  	_ =	swait.ge [sflag:s9], $0x4000  }
0x117: {  	[sflag:s9] =	ssyncset.done $0x0  }
0x118: {  	[sflag:s9] =	ssyncadd.s32 $0xFFFFC000  }
0x119: {  	_ =	swait.ge [sflag:s9], $0x4000  }
0x11a: {  	s15 =	rddreg [dreg:$0x8];
	[sflag:s9] =	ssyncset.done $0x0  }
0x11b: {  	p2 =	sne.s32 s12, $0xF000;
	[sflag:s9] =	ssyncadd.s32 $0xFFFFC000;
	s14 =	sadd.s32 s12, s15  }
0x11c: {  	[tilespmem:s23], [sflag:$0x2] =	stream.linear.gather [hbm4b:s14+s4], $0x4000, $0x38;
	[tilespmem:$0x1C380] =	vst v63  }
.Ltmp1:
0x11d: {  	s15 =	rddreg [dreg:$0x7];
	(pc) =	sbr.rel @p2 .LBB2_4-.Ltmp1, $4  }
0x11e: {  	s14 =	rddreg [dreg:$0x6];
	s15 =	sadd.s32 s12, s15  }
0x11f: {  	[tilespmem:s24], [sflag:$0x2] =	stream.linear.gather [hbm4b:s15+s4], $0x4000, $0x38;
	[tilespmem:$0x1C380] =	vst v63  }
0x120: {  	s13 =	sadd.s32 $0x300, s13;
	s14 =	sadd.s32 s12, s14;
	s12 =	sadd.s32 $0x3000, s12  }
0x121: {  	[tilespmem:s25], [sflag:$0x2] =	stream.linear.gather [hbm4b:s14+s4], $0x4000, $0x38;
	[tilespmem:$0x1C380] =	vst v63  }
0x122: {  	_ =	swait.ge [sflag:s30], $0x4000  }
0x123: {  	[sflag:s30] =	ssyncset.done $0x0  }
0x124: {  	[sflag:s30] =	ssyncadd.s32 $0xFFFFC000  }
0x125: {  	_ =	swait.ge [sflag:s30], $0x4000  }
0x126: {  	[sflag:s30] =	ssyncset.done $0x0  }
0x127: {  	[sflag:s30] =	ssyncadd.s32 $0xFFFFC000  }
0x128: {  	_ =	swait.ge [sflag:s30], $0x4000  }
0x129: {  	[sflag:s30] =	ssyncset.done $0x0  }
0x12a: {  	[sflag:s30] =	ssyncadd.s32 $0xFFFFC000  }
0x12b: {  	v2 =	vld [tilespmem:$0x3980]  }
0x12c: {  	v3 =	vld [tilespmem:$0x3990]  }
0x12d: {  	v4 =	vld [tilespmem:$0x39A0]  }
0x12e: {  	v5 =	vld [tilespmem:$0x39B0]  }
0x12f: {  	v6 =	vld [tilespmem:$0x39C0]  }
0x130: {  	v39 =	vld [tilespmem:$0x39F0];
	[tilespmem:$0x3D00] =	vst v2  }
0x131: {  	v40 =	vld [tilespmem:$0x3A00];
	[tilespmem:$0x3D10] =	vst v3  }
0x132: {  	v2 =	vld [tilespmem:$0x39D0];
	[tilespmem:$0x3D20] =	vst v4  }
0x133: {  	v3 =	vld [tilespmem:$0x39E0];
	[tilespmem:$0x3D30] =	vst v5  }
0x134: {  	v41 =	vld [tilespmem:$0x3A10];
	[tilespmem:$0x3D40] =	vst v6  }
0x135: {  	v42 =	vld [tilespmem:$0x3A40];
	[tilespmem:$0x3D70] =	vst v39  }
0x136: {  	v43 =	vld [tilespmem:$0x3A50];
	[tilespmem:$0x3D80] =	vst v40  }
0x137: {  	[tilespmem:$0x3D50] =	vst v2;
	v2 =	vld [tilespmem:$0x3A20]  }
0x138: {  	[tilespmem:$0x3D60] =	vst v3;
	v3 =	vld [tilespmem:$0x3A30]  }
0x139: {  	v44 =	vld [tilespmem:$0x3A60];
	[tilespmem:$0x3D90] =	vst v41  }
0x13a: {  	v45 =	vld [tilespmem:$0x3A90];
	[tilespmem:$0x3DC0] =	vst v42  }
0x13b: {  	v46 =	vld [tilespmem:$0x3AA0];
	[tilespmem:$0x3DD0] =	vst v43  }
0x13c: {  	[tilespmem:$0x3DA0] =	vst v2;
	v2 =	vld [tilespmem:$0x3A70]  }
0x13d: {  	[tilespmem:$0x3DB0] =	vst v3;
	v3 =	vld [tilespmem:$0x3A80]  }
0x13e: {  	v47 =	vld [tilespmem:$0x3AB0];
	[tilespmem:$0x3DE0] =	vst v44  }
0x13f: {  	v48 =	vld [tilespmem:$0x3AE0];
	[tilespmem:$0x3E10] =	vst v45  }
0x140: {  	v49 =	vld [tilespmem:$0x3AF0];
	[tilespmem:$0x3E20] =	vst v46  }
0x141: {  	[tilespmem:$0x3DF0] =	vst v2;
	v2 =	vld [tilespmem:$0x3AC0]  }
0x142: {  	[tilespmem:$0x3E00] =	vst v3;
	v3 =	vld [tilespmem:$0x3AD0]  }
0x143: {  	[tilespmem:$0x3E30] =	vst v47  }
0x144: {  	[tilespmem:$0x3E60] =	vst v48  }
0x145: {  	[tilespmem:$0x3E70] =	vst v49  }
0x146: {  	[tilespmem:$0x3E40] =	vst v2  }
0x147: {  	[tilespmem:$0x3E50] =	vst v3  }
0x148: {  	[spmem:s3] =	stream.indirect.scatter.add.f32 [tilespmem:s20], [sflag:$0x3], $0x80, s0, s31, $0xb8;
	[tilespmem:$0x1C380] =	vst v63  }
0x149: {  	_ = 	snop  }
0x14a: {  	[spmem:s3] =	stream.indirect.scatter.add.f32 [tilespmem:s21], [sflag:$0x3], $0x80, s1, s31, $0xb8;
	[tilespmem:$0x1C380] =	vst v63  }
0x14b: {  	_ = 	snop  }
0x14c: {  	[spmem:s3] =	stream.indirect.scatter.add.f32 [tilespmem:s22], [sflag:$0x3], $0x80, s2, s31, $0xb8;
	[tilespmem:$0x1C380] =	vst v63  }
0x14d: {  	_ =	swait.ge [sflag:s28], $0x4000  }
0x14e: {  	[sflag:s28] =	ssyncset.done $0x0  }
0x14f: {  	[sflag:s28] =	ssyncadd.s32 $0xFFFFC000  }
0x150: {  	_ =	swait.ge [sflag:s28], $0x4000  }
0x151: {  	[sflag:s28] =	ssyncset.done $0x0  }
0x152: {  	[sflag:s28] =	ssyncadd.s32 $0xFFFFC000  }
0x153: {  	_ =	swait.ge [sflag:s28], $0x4000  }
0x154: {  	[sflag:s28] =	ssyncset.done $0x0  }
0x155: {  	[sflag:s28] =	ssyncadd.s32 $0xFFFFC000  }
0x156: {  	_ =	swait.ge [sflag:s5], $0x4000  }
0x157: {  	[sflag:s5] =	ssyncset.done $0x0  }
0x158: {  	[sflag:s5] =	ssyncadd.s32 $0xFFFFC000  }
0x159: {  	_ =	swait.ge [sflag:s5], $0x4000  }
0x15a: {  	[sflag:s5] =	ssyncset.done $0x0  }
0x15b: {  	[sflag:s5] =	ssyncadd.s32 $0xFFFFC000  }
0x15c: {  	_ =	swait.ge [sflag:s5], $0x4000  }
0x15d: {  	[sflag:s5] =	ssyncset.done $0x0  }
0x15e: {  	[sflag:s5] =	ssyncadd.s32 $0xFFFFC000  }
0x15f: {  	v2 =	vld [tilespmem:$0x3B00]  }
0x160: {  	v3 =	vld [tilespmem:$0x3B10]  }
0x161: {  	v50 =	vld [tilespmem:$0x3B20]  }
0x162: {  	v51 =	vld [tilespmem:$0x3B30]  }
0x163: {  	v52 =	vld [tilespmem:$0x3B40]  }
0x164: {  	v53 =	vld [tilespmem:$0x3B70];
	[tilespmem:$0x3E80] =	vst v2  }
0x165: {  	v54 =	vld [tilespmem:$0x3B80];
	[tilespmem:$0x3E90] =	vst v3  }
0x166: {  	v2 =	vld [tilespmem:$0x3B50];
	[tilespmem:$0x3EA0] =	vst v50  }
0x167: {  	v3 =	vld [tilespmem:$0x3B60];
	[tilespmem:$0x3EB0] =	vst v51  }
0x168: {  	v55 =	vld [tilespmem:$0x3B90];
	[tilespmem:$0x3EC0] =	vst v52  }
0x169: {  	v56 =	vld [tilespmem:$0x3BC0];
	[tilespmem:$0x3EF0] =	vst v53  }
0x16a: {  	v57 =	vld [tilespmem:$0x3BD0];
	[tilespmem:$0x3F00] =	vst v54  }
0x16b: {  	[tilespmem:$0x3ED0] =	vst v2;
	v2 =	vld [tilespmem:$0x3BA0]  }
0x16c: {  	[tilespmem:$0x3EE0] =	vst v3;
	v3 =	vld [tilespmem:$0x3BB0]  }
0x16d: {  	v58 =	vld [tilespmem:$0x3BE0];
	[tilespmem:$0x3F10] =	vst v55  }
0x16e: {  	v59 =	vld [tilespmem:$0x3C10];
	[tilespmem:$0x3F40] =	vst v56  }
0x16f: {  	v60 =	vld [tilespmem:$0x3C20];
	[tilespmem:$0x3F50] =	vst v57  }
0x170: {  	[tilespmem:$0x3F20] =	vst v2;
	v2 =	vld [tilespmem:$0x3BF0]  }
0x171: {  	[tilespmem:$0x3F30] =	vst v3;
	v3 =	vld [tilespmem:$0x3C00]  }
0x172: {  	v61 =	vld [tilespmem:$0x3C30];
	[tilespmem:$0x3F60] =	vst v58  }
0x173: {  	v62 =	vld [tilespmem:$0x3C60];
	[tilespmem:$0x3F90] =	vst v59  }
0x174: {  	v63 =	vld [tilespmem:$0x3C70];
	[tilespmem:$0x3FA0] =	vst v60  }
0x175: {  	[tilespmem:$0x3F70] =	vst v2;
	v2 =	vld [tilespmem:$0x3C40]  }
0x176: {  	[tilespmem:$0x3F80] =	vst v3;
	v3 =	vld [tilespmem:$0x3C50]  }
0x177: {  	[tilespmem:$0x3FB0] =	vst v61  }
0x178: {  	[tilespmem:$0x3FE0] =	vst v62  }
0x179: {  	[tilespmem:$0x3FF0] =	vst v63  }
0x17a: {  	[tilespmem:$0x3FC0] =	vst v2  }
0x17b: {  	[tilespmem:$0x3FD0] =	vst v3  }
0x17c: {  	[spmem:s3] =	stream.indirect.scatter.add.f32 [tilespmem:s23], [sflag:$0x4], $0x80, s6, s31, $0xb8;
	[tilespmem:$0x1C380] =	vst v63  }
0x17d: {  	_ = 	snop  }
0x17e: {  	[spmem:s3] =	stream.indirect.scatter.add.f32 [tilespmem:s24], [sflag:$0x4], $0x80, s7, s31, $0xb8;
	[tilespmem:$0x1C380] =	vst v63  }
0x17f: {  	_ = 	snop  }
0x180: {  	[spmem:s3] =	stream.indirect.scatter.add.f32 [tilespmem:s25], [sflag:$0x4], $0x80, s8, s31, $0xb8;
	[tilespmem:$0x1C380] =	vst v63  }
0x181: {  	_ =	swait.ge [sflag:s9], $0x4000  }
0x182: {  	[sflag:s9] =	ssyncset.done $0x0  }
0x183: {  	[sflag:s9] =	ssyncadd.s32 $0xFFFFC000  }
0x184: {  	_ =	swait.ge [sflag:s9], $0x4000  }
0x185: {  	[sflag:s9] =	ssyncset.done $0x0  }
0x186: {  	[sflag:s9] =	ssyncadd.s32 $0xFFFFC000  }
0x187: {  	_ =	swait.ge [sflag:s9], $0x4000  }
0x188: {  	[sflag:s9] =	ssyncset.done $0x0  }
0x189: {  	[sflag:s9] =	ssyncadd.s32 $0xFFFFC000  }
0x18a: {  	v2 =	vld @!p1 [tilespmem:$0x3C80]  }
0x18b: {  	v3 =	vld @!p1 [tilespmem:$0x3C90]  }
0x18c: {  	v4 =	vld @!p1 [tilespmem:$0x3CA0]  }
0x18d: {  	v5 =	vld @!p1 [tilespmem:$0x3CB0]  }
0x18e: {  	v6 =	vld @!p1 [tilespmem:$0x3CC0]  }
0x18f: {  	[tilespmem:$0x3D00] =	vst @!p1 v2;
	v2 =	vld @!p1 [tilespmem:$0x3CD0]  }
0x190: {  	[tilespmem:$0x3D10] =	vst @!p1 v3;
	v3 =	vld @!p1 [tilespmem:$0x3CE0]  }
0x191: {  	[tilespmem:$0x3D20] =	vst @!p1 v4;
	v4 =	vld @!p1 [tilespmem:$0x3CF0]  }
0x192: {  	[tilespmem:$0x3D30] =	vst @!p1 v5  }
0x193: {  	[tilespmem:$0x3D40] =	vst @!p1 v6  }
0x194: {  	[tilespmem:$0x3D50] =	vst @!p1 v2  }
0x195: {  	[tilespmem:$0x3D60] =	vst @!p1 v3  }
0x196: {  	s12 =	simm.s32 @!p1 $0x0;
	s13 =	simm.s32 @!p1 $0x4100;
	s14 =	rddreg [dreg:$0x11];
	[tilespmem:$0x3D70] =	vst @!p1 v4  }
0x197: {  	[tilespmem:s13], [sflag:$0x5] =	stream.linear.gather @!p1 [hbm4b:s14+s12], $0x4000, $0x38;
	[tilespmem:$0x1C380] =	vst v63  }
0x198: {  	s12 =	simm.s32 @!p1 $0x5  }
0x199: {  	_ =	swait.ge @!p1 [sflag:s12], $0x4000  }
0x19a: {  	[sflag:s12] =	ssyncset.done @!p1 $0x0  }
0x19b: {  	s15 =	simm.s32 @!p1 $0x3D00;
	s14 =	simm.s32 @!p1 $0x80;
	[sflag:s12] =	ssyncadd.s32 @!p1 $0xFFFFC000  }
0x19c: {  	[spmem:s3] =	stream.indirect.scatter.add.f32 @!p1 [tilespmem:s13], [sflag:$0x5], $0x80, s15, s14, $0xb8;
	[tilespmem:$0x1C380] =	vst v63  }
0x19d: {  	_ =	swait.ge @!p1 [sflag:s12], $0x4000  }
0x19e: {  	[sflag:s12] =	ssyncset.done @!p1 $0x0  }
0x19f: {  	s15 =	rddreg [dreg:$0x12];
	[sflag:s12] =	ssyncadd.s32 @!p1 $0xFFFFC000  }
0x1a0: {  	[hbm4b:s15+s4] =	stream.linear.scatter [tilespmem:s29], [sflag:$0x5], $0x40, $0x38;
	[tilespmem:$0x1C380] =	vst v63  }
0x1a1: {  	_ =	swait.ge [sflag:s26], $0x40  }
0x1a2: {  	[sflag:s26] =	ssyncset.done $0x0  }
0x1a3: {  	[sflag:s26] =	ssyncadd.s32 $0xFFFFFFC0  }
0x1a4: {  	s10 =	sadd.s32 $0x1, s10;
	[bflag:$0x0] =	sbarrier.arrive $0xFFFF  }
0x1a5: {  	p2 =	sne.s32 s10, s16;
	s12 =	simm.s32 @!p0 $0x1C05;
	s13 =	rddreg [dreg:$0x13]  }
0x1a6: {  	[hbm:s13], [sflag:s12] =	dma.local @!p0 [spmem:s11], $0x400  }
.Ltmp2:
0x1a7: {  	_ = 	snop;
	(pc) =	sbr.rel @p2 .LBB2_1-.Ltmp2, $4  }
0x1a8: {  	s11 =	simm.s32 @!p0 $0x5  }
0x1a9: {  	_ =	swait.ge @!p0 [sflag:s11], $0x400  }
0x1aa: {  	[sflag:s11] =	ssyncset.done @!p0 $0x0  }
0x1ab: {  	[sflag:s11] =	ssyncadd.s32 @!p0 $0xFFFFFC00  }
0x1ac: {  	_ =	sfence.sel $0x180000  }
0x1ad: {  	[bflag:$0x0] =	sbarrier.arrive $0xFFFF  }
0x1ae: {  	_ =	strace $0x90000047  }
0x1af: {  	[bflag:$0x2] =	sbarrier.arrive $0xFFFF  }
0x1b0: {  	s0 =	rddreg [dreg:$0x5]  }
0x1b1: {  	s0 =	sadd.s32 @!p0 $0x100000, s0  }
0x1b2: {  	[sflag:s0] =	ssyncadd.tile.s32 @!p0 $0x1;
	_ =	shalt  }
.Lfunc_end2:
_tile_overlayer_lowered:
.L_overlay_start_2:
0x1b3: {  	(tag) =	ssettag $0x2  }
0x1b4: {  	s0 =	rddreg [dreg:$0x0];
	s2 =	stileid.u32  }
0x1b5: {  	s1 =	rddreg [dreg:$0x1];
	p0 =	sne.s32 s2, $0x0  }
0x1b6: {  	s3 =	rddreg [dreg:$0x2];
	[bflag:$0x3] =	sbarrier.arrive $0xFFFF;
	s2 =	simm.s32 @!p0 $0x1C05  }
0x1b7: {  	[timem:s3], [sflag:s2] =	dma.local @!p0 [hbm:s0], s1  }
0x1b8: {  	s0 =	simm.s32 @!p0 $0x5  }
0x1b9: {  	_ =	swait.ge @!p0 [sflag:s0], s1  }
0x1ba: {  	s1 =	ssub.s32 @!p0 $0x0, s1;
	[sflag:s0] =	ssyncset.done @!p0 $0x0  }
0x1bb: {  	[sflag:s0] =	ssyncadd.s32 @!p0 s1  }
0x1bc: {  	[bflag:$0x3] =	sbarrier.arrive $0xFFFF  }
0x1bd: {  	_ =	shalt  }

</sc_bundles>
